<compile_context>
chip_gen: v7x
topology: tpu7x:2x2x1
jax: 0.10.2.dev20260603
libtpu: 0.0.44.dev20260713+nightly
codegen_flags: <defaults>
</compile_context>

<pallas_src>
import functools

import numpy as np
import jax
import jax.numpy as jnp
from jax import lax
from jax.experimental import pallas as pl
from jax.experimental.pallas import tpu as pltpu
from jax.experimental.pallas import tpu_sc as plsc

_NUM_QUERIES = 900
_NUM_CLASSES = 365
_D = 256
_B = 64
_G = 500
_N = _B * _G
_LABEL_NOISE_PROB = 0.5

_PLANES_LO = _G // 32
_PEXTRA = _G - 32 * _PLANES_LO


def _tf_rotl(x, r):
    return (x << np.uint32(r)) | (x >> np.uint32(32 - r))


def _threefry2x32(ks0, ks1, x0, x1):
    rotations = ((13, 15, 26, 6), (17, 29, 16, 24))
    ks = (np.uint32(ks0), np.uint32(ks1),
          np.uint32(ks0) ^ np.uint32(ks1) ^ np.uint32(0x1BD11BDA))
    x0 = x0 + ks[0]
    x1 = x1 + ks[1]
    for i in range(5):
        for r in rotations[i % 2]:
            x0 = x0 + x1
            x1 = _tf_rotl(x1, r)
            x1 = x1 ^ x0
        x0 = x0 + ks[(i + 1) % 3]
        x1 = x1 + ks[(i + 2) % 3] + np.uint32(i + 1)
    return x0, x1


def _random_bits(key, size):
    o0, o1 = _threefry2x32(key[0], key[1], np.zeros(size, np.uint32),
                           np.arange(size, dtype=np.uint32))
    return o0 ^ o1


def _split_key(key, num):
    o0, o1 = _threefry2x32(key[0], key[1], np.zeros(num, np.uint32),
                           np.arange(num, dtype=np.uint32))
    return np.stack([o0, o1], axis=1)


def _uniform01(key, size):
    bits = _random_bits(key, size)
    f = ((bits >> np.uint32(9)) | np.uint32(0x3F800000)).view(np.float32)
    return np.maximum(np.float32(0.0), f - np.float32(1.0))


def _randint(key, size, span):
    k1, k2 = _split_key(key, 2)
    hi = _random_bits(k1, size)
    lo = _random_bits(k2, size)
    span = np.uint32(span)
    mult = np.uint32((int(2 ** 16 % int(span)) ** 2) % int(span))
    off = ((hi % span) * mult + (lo % span)) % span
    return off.astype(np.int32)


@functools.cache
def _noise_consts():
    kmask, klab, kbox = _split_key(np.array([0, 42], np.uint32), 3)
    mask = _uniform01(kmask, _N) < np.float32(_LABEL_NOISE_PROB)
    rand_labels = _randint(klab, _N, _NUM_CLASSES)
    rand_box = (_uniform01(kbox, _N * 4) * np.float32(2.0)
                - np.float32(1.0)).reshape(_N, 4)
    return (
        mask.astype(np.int32),
        rand_labels.astype(np.int32),
        rand_box.astype(np.float32),
    )


@functools.cache
def _attn_mask_const():
    m = np.zeros((_G + _NUM_QUERIES, _G + _NUM_QUERIES), dtype=bool)
    m[_G:, :_G] = True
    return m


def _tc_noise_body(bt_ref, rt_ref, obox_ref):
    b = bt_ref[...]
    r = rt_ref[...]
    shifted = jnp.concatenate([b[:, 2:, :], b[:, :2, :]], axis=1)
    cidx = lax.broadcasted_iota(jnp.int32, b.shape, 1)
    diff = jnp.where(cidx < 2, shifted * 0.5, b)
    nb = jnp.clip(b + r * diff, 0.0, 1.0)
    eps = 1e-5
    x1 = jnp.maximum(nb, eps)
    x2 = jnp.maximum(1.0 - nb, eps)
    obox_ref[...] = jnp.log(x1 / x2)


def _tc_noise(boxes_t, rbox_t):
    return pl.pallas_call(
        _tc_noise_body,
        out_shape=jax.ShapeDtypeStruct((_B, 4, _G), jnp.float32),
    )(boxes_t, rbox_t)


def _sc_gather(labels_t, packed_t, table):
    info = plsc.get_sparse_core_info()
    nc = info.num_cores

    mesh = plsc.VectorSubcoreMesh(core_axis_name="c", subcore_axis_name="s")

    @functools.partial(
        pl.kernel,
        mesh=mesh,
        out_type=jax.ShapeDtypeStruct((_G, _B, _D), jnp.float32),
        scratch_types=[
            pltpu.VMEM((1024,), jnp.int32),
            pltpu.VMEM((1024,), jnp.int32),
            pltpu.VMEM((_B, _D), jnp.float32),
            pltpu.VMEM((_B, _D), jnp.float32),
            pltpu.VMEM((_B, _D), jnp.float32),
            pltpu.VMEM((_B, _D), jnp.float32),
            pltpu.SemaphoreType.DMA,
            pltpu.SemaphoreType.DMA,
            pltpu.SemaphoreType.DMA,
            pltpu.SemaphoreType.DMA,
            pltpu.SemaphoreType.DMA,
            pltpu.SemaphoreType.DMA,
            pltpu.SemaphoreType.DMA,
            pltpu.SemaphoreType.DMA,
        ],
    )
    def k(lab_hbm, packed_hbm, tab_hbm, out_hbm,
          idx_v, p_v, buf0, buf1, buf2, buf3,
          g0, g1, g2, g3, s0, s1, s2, s3):
        wid = lax.axis_index("s") * nc + lax.axis_index("c")
        p0 = wid * _PLANES_LO + jnp.minimum(wid, _PEXTRA)
        has_extra = wid < _PEXTRA
        base = p0 * 64
        cp_l = pltpu.async_copy(lab_hbm.at[pl.ds(base, 1024)], idx_v, g0)
        cp_p = pltpu.async_copy(packed_hbm.at[pl.ds(base, 1024)], p_v, g1)
        cp_l.wait()
        cp_p.wait()
        for i in range(64):
            sl = pl.ds(i * 16, 16)
            p = p_v[sl]
            idx_v[sl] = jnp.where(p >= 0, p, idx_v[sl])
        bufs = (buf0, buf1, buf2, buf3)
        gsems = (g0, g1, g2, g3)
        ssems = (s0, s1, s2, s3)
        nu = _PLANES_LO + 1

        def fire(u):
            return pltpu.async_copy(
                tab_hbm.at[idx_v.at[pl.ds(u * 64, 64)]],
                bufs[u % 4], gsems[u % 4])

        gathers = {0: fire(0), 1: fire(1), 2: fire(2)}
        stores = {}
        for u in range(nu):
            if u + 3 < nu:
                if u - 1 >= 0:
                    stores[u - 1].wait()
                gathers[u + 3] = fire(u + 3)
            gathers[u].wait()
            if u + 1 < nu:
                stores[u] = pltpu.async_copy(bufs[u % 4], out_hbm.at[p0 + u],
                                             ssems[u % 4])
            else:
                @pl.when(has_extra)
                def _():
                    pltpu.async_copy(bufs[u % 4], out_hbm.at[p0 + u],
                                     ssems[u % 4]).wait()
        stores[nu - 4].wait()
        stores[nu - 3].wait()
        stores[nu - 2].wait()

    return k(labels_t, packed_t, table)


def kernel(gt_labels_list, gt_boxes_list, label_encoder_weight):
    mask_np, rlab_np, rbox_np = _noise_consts()
    boxes_t = jnp.transpose(gt_boxes_list.astype(jnp.float32), (0, 2, 1))
    rbox_t = rbox_np.reshape(_B, _G, 4).transpose(0, 2, 1)
    obox_t = _tc_noise(boxes_t, jnp.asarray(rbox_t))
    lab_t = jnp.pad(
        gt_labels_list.astype(jnp.int32).transpose(1, 0).reshape(-1),
        (0, 768))
    packed = np.where(mask_np != 0, rlab_np, -1).astype(np.int32)
    packed_t = np.pad(packed.reshape(_B, _G).transpose(1, 0).reshape(-1),
                      (0, 768), constant_values=-1)
    plane_out = _sc_gather(lab_t, jnp.asarray(packed_t),
                           label_encoder_weight.astype(jnp.float32))
    noised_label_queries = jnp.transpose(plane_out, (1, 0, 2))
    noised_box_queries = jnp.transpose(obox_t, (0, 2, 1))
    attn_mask = jnp.asarray(_attn_mask_const())
    return (noised_label_queries, noised_box_queries, attn_mask, 1, _G)

# --- scband reference (transcript-rebuilt; emitter-appended) ---
"""Pipeline reference for scband-diffusion-cdnqueries-27779848471205 (READ-ONLY COPY).

The authoritative reference and input builder live on the scoring server;
editing this copy changes nothing except your own understanding.
"""

import jax, jax.numpy as jnp
import numpy as np

NUM_QUERIES = 900
NUM_CLASSES = 365
LABEL_EMBED_DIM = 256
DENOISING_GROUPS = 1
LABEL_NOISE_PROB = 0.5
BOX_NOISE_SCALE = 1.0


def inverse_sigmoid(x, eps=1e-5):
    x = jnp.clip(x, 0.0, 1.0)
    x1 = jnp.clip(x, eps, None)
    x2 = jnp.clip(1.0 - x, eps, None)
    return jnp.log(x1 / x2)


def setup_inputs(seed: int = 0):
    key = jax.random.key(seed)
    k1, k2, k3 = jax.random.split(key, 3)
    B, G = 64, 500
    gt_labels_list = jax.random.randint(k1, (B, G), 0, NUM_CLASSES)
    gt_boxes_list = jax.random.uniform(k2, (B, G, 4), dtype=jnp.float32)
    label_encoder_weight = jax.random.normal(k3, (NUM_CLASSES, LABEL_EMBED_DIM), dtype=jnp.float32)
    return {"gt_labels_list": gt_labels_list, "gt_boxes_list": gt_boxes_list, "label_encoder_weight": label_encoder_weight}


def reference(gt_labels_list, gt_boxes_list, label_encoder_weight):
    B, G = gt_labels_list.shape
    # torch.cat(list of per-image tensors) == flatten batch dim; denoising_groups==1 so repeat is identity
    gt_labels = gt_labels_list.reshape(-1)
    gt_boxes = gt_boxes_list.reshape(-1, 4)
    key = jax.random.key(42)
    kmask, klab, kbox = jax.random.split(key, 3)
    # apply_label_noise
    mask = jax.random.uniform(kmask, gt_labels.shape) < LABEL_NOISE_PROB
    rand_labels = jax.random.randint(klab, gt_labels.shape, 0, NUM_CLASSES)
    noised_labels = jnp.where(mask, rand_labels, gt_labels)
    # apply_box_noise
    diff = jnp.concatenate([gt_boxes[:, 2:] / 2.0, gt_boxes[:, 2:]], axis=1)
    rand_box = jax.random.uniform(kbox, gt_boxes.shape, dtype=jnp.float32) * 2.0 - 1.0
    noised_boxes = jnp.clip(gt_boxes + rand_box * diff * BOX_NOISE_SCALE, 0.0, 1.0)
    noised_boxes = inverse_sigmoid(noised_boxes)
    # label encoder (embedding gather)
    label_embedding = jnp.take(label_encoder_weight, noised_labels, axis=0)
    max_gt_num_per_image = G
    noised_query_nums = max_gt_num_per_image * DENOISING_GROUPS
    batch_idx_per_group = jnp.repeat(jnp.arange(B), G)
    valid_index_per_group = jnp.tile(jnp.arange(G), B)
    # scatter-overwrite into padded per-image query buffers
    noised_label_queries = jnp.zeros((B, noised_query_nums, LABEL_EMBED_DIM), dtype=jnp.float32)
    noised_label_queries = noised_label_queries.at[batch_idx_per_group, valid_index_per_group].set(label_embedding)
    noised_box_queries = jnp.zeros((B, noised_query_nums, 4), dtype=jnp.float32)
    noised_box_queries = noised_box_queries.at[batch_idx_per_group, valid_index_per_group].set(noised_boxes)
    # attention mask (groups==1 -> only cross-block masking)
    tgt_size = noised_query_nums + NUM_QUERIES
    attn_mask = jnp.zeros((tgt_size, tgt_size), dtype=bool)
    attn_mask = attn_mask.at[noised_query_nums:, :noised_query_nums].set(True)
    return (noised_label_queries, noised_box_queries, attn_mask, DENOISING_GROUPS, max_gt_num_per_image)

if __name__ == "__main__":
    import jax
    _d = setup_inputs()
    print(jax.jit(kernel)(*tuple(_d.values())))

</pallas_src>

<mosaic_0001>
#map = affine_map<(d0, d1) -> (0)>
#map1 = affine_map<(d0, d1) -> (0, 0)>
#map2 = affine_map<(d0, d1) -> (0, 0, 0)>
module attributes {stable_mosaic.version = 14 : i64} {
  func.func @k(%arg0: i32, %arg1: i32, %arg2: memref<32768xi32, #tpu.memory_space<hbm>>, %arg3: memref<32768xi32, #tpu.memory_space<hbm>>, %arg4: memref<365x256xf32, #tpu.memory_space<hbm>>, %arg5: memref<500x64x256xf32, #tpu.memory_space<hbm>>, %arg6: memref<1024xi32, #tpu.memory_space<vmem>>, %arg7: memref<1024xi32, #tpu.memory_space<vmem>>, %arg8: memref<64x256xf32, #tpu.memory_space<vmem>>, %arg9: memref<64x256xf32, #tpu.memory_space<vmem>>, %arg10: memref<64x256xf32, #tpu.memory_space<vmem>>, %arg11: memref<64x256xf32, #tpu.memory_space<vmem>>, %arg12: memref<!tpu.dma_semaphore, #tpu.memory_space<semaphore_mem>>, %arg13: memref<!tpu.dma_semaphore, #tpu.memory_space<semaphore_mem>>, %arg14: memref<!tpu.dma_semaphore, #tpu.memory_space<semaphore_mem>>, %arg15: memref<!tpu.dma_semaphore, #tpu.memory_space<semaphore_mem>>, %arg16: memref<!tpu.dma_semaphore, #tpu.memory_space<semaphore_mem>>, %arg17: memref<!tpu.dma_semaphore, #tpu.memory_space<semaphore_mem>>, %arg18: memref<!tpu.dma_semaphore, #tpu.memory_space<semaphore_mem>>, %arg19: memref<!tpu.dma_semaphore, #tpu.memory_space<semaphore_mem>>) attributes {dimension_semantics = [#tpu.dimension_semantics<core_parallel>, #tpu.dimension_semantics<subcore_parallel>], iteration_bounds = array<i64: 2, 16>, scalar_prefetch = 0 : i64, scratch_operands = 14 : i64, tpu.core_type = #tpu.core_type<sc_vector_subcore>, window_params = [{transform_indices = #map}, {transform_indices = #map}, {transform_indices = #map1}, {transform_indices = #map2}]} {
    %mul3A = arith.constant 2 : i32
    %mul3A_0 = arith.muli %arg1, %mul3A : i32
    %add3A = arith.addi %mul3A_0, %arg0 : i32
    %mul3A_1 = arith.constant 15 : i32
    %mul3A_2 = arith.muli %add3A, %mul3A_1 : i32
    %min3A = arith.constant 20 : i32
    %min3A_3 = arith.minsi %add3A, %min3A : i32
    %add3A_4 = arith.addi %mul3A_2, %min3A_3 : i32
    %lt3A = arith.constant 20 : i32
    %lt3A_5 = arith.cmpi slt, %add3A, %lt3A : i32
    %mul3A_6 = arith.constant 64 : i32
    %mul3A_7 = arith.muli %add3A_4, %mul3A_6 : i32
    %dma_start3A = tpu.memref_slice %arg2[%mul3A_7] : memref<32768xi32, #tpu.memory_space<hbm>> -> memref<1024xi32, #tpu.memory_space<hbm>>
    %dma_start3A_8 = tpu.memref_slice %arg2[%mul3A_7] : memref<32768xi32, #tpu.memory_space<hbm>> -> memref<1024xi32, #tpu.memory_space<hbm>>
    tpu.enqueue_dma source(%dma_start3A_8 : memref<1024xi32, #tpu.memory_space<hbm>>) target(%arg6 : memref<1024xi32, #tpu.memory_space<vmem>>) target_semaphore(%arg12 : memref<!tpu.dma_semaphore, #tpu.memory_space<semaphore_mem>>)
    %dma_start3A_9 = tpu.memref_slice %arg3[%mul3A_7] : memref<32768xi32, #tpu.memory_space<hbm>> -> memref<1024xi32, #tpu.memory_space<hbm>>
    %dma_start3A_10 = tpu.memref_slice %arg3[%mul3A_7] : memref<32768xi32, #tpu.memory_space<hbm>> -> memref<1024xi32, #tpu.memory_space<hbm>>
    tpu.enqueue_dma source(%dma_start3A_10 : memref<1024xi32, #tpu.memory_space<hbm>>) target(%arg7 : memref<1024xi32, #tpu.memory_space<vmem>>) target_semaphore(%arg13 : memref<!tpu.dma_semaphore, #tpu.memory_space<semaphore_mem>>)
    %dma_wait3A = tpu.memref_slice %arg2[%mul3A_7] : memref<32768xi32, #tpu.memory_space<hbm>> -> memref<1024xi32, #tpu.memory_space<hbm>>
    %dma_wait3A_11 = tpu.memref_slice %arg2[%mul3A_7] : memref<32768xi32, #tpu.memory_space<hbm>> -> memref<1024xi32, #tpu.memory_space<hbm>>
    tpu.wait_dma2 semaphore(%arg12 : memref<!tpu.dma_semaphore, #tpu.memory_space<semaphore_mem>>) src(%dma_wait3A_11 : memref<1024xi32, #tpu.memory_space<hbm>>) dst(%arg6 : memref<1024xi32, #tpu.memory_space<vmem>>)
    %dma_wait3A_12 = tpu.memref_slice %arg3[%mul3A_7] : memref<32768xi32, #tpu.memory_space<hbm>> -> memref<1024xi32, #tpu.memory_space<hbm>>
    %dma_wait3A_13 = tpu.memref_slice %arg3[%mul3A_7] : memref<32768xi32, #tpu.memory_space<hbm>> -> memref<1024xi32, #tpu.memory_space<hbm>>
    tpu.wait_dma2 semaphore(%arg13 : memref<!tpu.dma_semaphore, #tpu.memory_space<semaphore_mem>>) src(%dma_wait3A_13 : memref<1024xi32, #tpu.memory_space<hbm>>) dst(%arg7 : memref<1024xi32, #tpu.memory_space<vmem>>)
    %get3A = arith.constant 0 : index
    %get3A_14 = tpu.vector_load %arg7[%get3A] {strides = array<i32>} : memref<1024xi32, #tpu.memory_space<vmem>>, vector<16xi32>,
    %get3A_15 = vector.shape_cast %get3A_14 : vector<16xi32> to vector<16xi32>
    %ge3A = arith.constant 0 : i32
    %ge3A_16 = vector.broadcast %ge3A : i32 to vector<16xi32>
    %ge3A_17 = arith.cmpi sge, %get3A_15, %ge3A_16 : vector<16xi32>
    %get3A_18 = arith.constant 0 : index
    %get3A_19 = tpu.vector_load %arg6[%get3A_18] {strides = array<i32>} : memref<1024xi32, #tpu.memory_space<vmem>>, vector<16xi32>,
    %get3A_20 = vector.shape_cast %get3A_19 : vector<16xi32> to vector<16xi32>
    %select_n3A = arith.select %ge3A_17, %get3A_15, %get3A_20 : vector<16xi1>, vector<16xi32>
    %swap3A = arith.constant 0 : index
    %swap3A_21 = tpu.vector_load %arg6[%swap3A] {strides = array<i32>} : memref<1024xi32, #tpu.memory_space<vmem>>, vector<16xi32>,
    %swap3A_22 = vector.shape_cast %swap3A_21 : vector<16xi32> to vector<16xi32>
    %swap3A_23 = vector.shape_cast %select_n3A : vector<16xi32> to vector<16xi32>
    tpu.vector_store %arg6[%swap3A], %swap3A_23 {strides = array<i32>} : memref<1024xi32, #tpu.memory_space<vmem>>, vector<16xi32>,
    %get3A_24 = arith.constant 16 : index
    %get3A_25 = tpu.vector_load %arg7[%get3A_24] {strides = array<i32>} : memref<1024xi32, #tpu.memory_space<vmem>>, vector<16xi32>,
    %get3A_26 = vector.shape_cast %get3A_25 : vector<16xi32> to vector<16xi32>
    %ge3A_27 = arith.constant 0 : i32
    %ge3A_28 = vector.broadcast %ge3A_27 : i32 to vector<16xi32>
    %ge3A_29 = arith.cmpi sge, %get3A_26, %ge3A_28 : vector<16xi32>
    %get3A_30 = arith.constant 16 : index
    %get3A_31 = tpu.vector_load %arg6[%get3A_30] {strides = array<i32>} : memref<1024xi32, #tpu.memory_space<vmem>>, vector<16xi32>,
    %get3A_32 = vector.shape_cast %get3A_31 : vector<16xi32> to vector<16xi32>
    %select_n3A_33 = arith.select %ge3A_29, %get3A_26, %get3A_32 : vector<16xi1>, vector<16xi32>
    %swap3A_34 = arith.constant 16 : index
    %swap3A_35 = tpu.vector_load %arg6[%swap3A_34] {strides = array<i32>} : memref<1024xi32, #tpu.memory_space<vmem>>, vector<16xi32>,
    %swap3A_36 = vector.shape_cast %swap3A_35 : vector<16xi32> to vector<16xi32>
    %swap3A_37 = vector.shape_cast %select_n3A_33 : vector<16xi32> to vector<16xi32>
    tpu.vector_store %arg6[%swap3A_34], %swap3A_37 {strides = array<i32>} : memref<1024xi32, #tpu.memory_space<vmem>>, vector<16xi32>,
    %get3A_38 = arith.constant 32 : index
    %get3A_39 = tpu.vector_load %arg7[%get3A_38] {strides = array<i32>} : memref<1024xi32, #tpu.memory_space<vmem>>, vector<16xi32>,
    %get3A_40 = vector.shape_cast %get3A_39 : vector<16xi32> to vector<16xi32>
    %ge3A_41 = arith.constant 0 : i32
    %ge3A_42 = vector.broadcast %ge3A_41 : i32 to vector<16xi32>
    %ge3A_43 = arith.cmpi sge, %get3A_40, %ge3A_42 : vector<16xi32>
    %get3A_44 = arith.constant 32 : index
    %get3A_45 = tpu.vector_load %arg6[%get3A_44] {strides = array<i32>} : memref<1024xi32, #tpu.memory_space<vmem>>, vector<16xi32>,
    %get3A_46 = vector.shape_cast %get3A_45 : vector<16xi32> to vector<16xi32>
    %select_n3A_47 = arith.select %ge3A_43, %get3A_40, %get3A_46 : vector<16xi1>, vector<16xi32>
    %swap3A_48 = arith.constant 32 : index
    %swap3A_49 = tpu.vector_load %arg6[%swap3A_48] {strides = array<i32>} : memref<1024xi32, #tpu.memory_space<vmem>>, vector<16xi32>,
    %swap3A_50 = vector.shape_cast %swap3A_49 : vector<16xi32> to vector<16xi32>
    %swap3A_51 = vector.shape_cast %select_n3A_47 : vector<16xi32> to vector<16xi32>
    tpu.vector_store %arg6[%swap3A_48], %swap3A_51 {strides = array<i32>} : memref<1024xi32, #tpu.memory_space<vmem>>, vector<16xi32>,
    %get3A_52 = arith.constant 48 : index
    %get3A_53 = tpu.vector_load %arg7[%get3A_52] {strides = array<i32>} : memref<1024xi32, #tpu.memory_space<vmem>>, vector<16xi32>,
    %get3A_54 = vector.shape_cast %get3A_53 : vector<16xi32> to vector<16xi32>
    %ge3A_55 = arith.constant 0 : i32
    %ge3A_56 = vector.broadcast %ge3A_55 : i32 to vector<16xi32>
    %ge3A_57 = arith.cmpi sge, %get3A_54, %ge3A_56 : vector<16xi32>
    %get3A_58 = arith.constant 48 : index
    %get3A_59 = tpu.vector_load %arg6[%get3A_58] {strides = array<i32>} : memref<1024xi32, #tpu.memory_space<vmem>>, vector<16xi32>,
    %get3A_60 = vector.shape_cast %get3A_59 : vector<16xi32> to vector<16xi32>
    %select_n3A_61 = arith.select %ge3A_57, %get3A_54, %get3A_60 : vector<16xi1>, vector<16xi32>
    %swap3A_62 = arith.constant 48 : index
    %swap3A_63 = tpu.vector_load %arg6[%swap3A_62] {strides = array<i32>} : memref<1024xi32, #tpu.memory_space<vmem>>, vector<16xi32>,
    %swap3A_64 = vector.shape_cast %swap3A_63 : vector<16xi32> to vector<16xi32>
    %swap3A_65 = vector.shape_cast %select_n3A_61 : vector<16xi32> to vector<16xi32>
    tpu.vector_store %arg6[%swap3A_62], %swap3A_65 {strides = array<i32>} : memref<1024xi32, #tpu.memory_space<vmem>>, vector<16xi32>,
    %get3A_66 = arith.constant 64 : index
    %get3A_67 = tpu.vector_load %arg7[%get3A_66] {strides = array<i32>} : memref<1024xi32, #tpu.memory_space<vmem>>, vector<16xi32>,
    %get3A_68 = vector.shape_cast %get3A_67 : vector<16xi32> to vector<16xi32>
    %ge3A_69 = arith.constant 0 : i32
    %ge3A_70 = vector.broadcast %ge3A_69 : i32 to vector<16xi32>
    %ge3A_71 = arith.cmpi sge, %get3A_68, %ge3A_70 : vector<16xi32>
    %get3A_72 = arith.constant 64 : index
    %get3A_73 = tpu.vector_load %arg6[%get3A_72] {strides = array<i32>} : memref<1024xi32, #tpu.memory_space<vmem>>, vector<16xi32>,
    %get3A_74 = vector.shape_cast %get3A_73 : vector<16xi32> to vector<16xi32>
    %select_n3A_75 = arith.select %ge3A_71, %get3A_68, %get3A_74 : vector<16xi1>, vector<16xi32>
    %swap3A_76 = arith.constant 64 : index
    %swap3A_77 = tpu.vector_load %arg6[%swap3A_76] {strides = array<i32>} : memref<1024xi32, #tpu.memory_space<vmem>>, vector<16xi32>,
    %swap3A_78 = vector.shape_cast %swap3A_77 : vector<16xi32> to vector<16xi32>
    %swap3A_79 = vector.shape_cast %select_n3A_75 : vector<16xi32> to vector<16xi32>
    tpu.vector_store %arg6[%swap3A_76], %swap3A_79 {strides = array<i32>} : memref<1024xi32, #tpu.memory_space<vmem>>, vector<16xi32>,
    %get3A_80 = arith.constant 80 : index
    %get3A_81 = tpu.vector_load %arg7[%get3A_80] {strides = array<i32>} : memref<1024xi32, #tpu.memory_space<vmem>>, vector<16xi32>,
    %get3A_82 = vector.shape_cast %get3A_81 : vector<16xi32> to vector<16xi32>
    %ge3A_83 = arith.constant 0 : i32
    %ge3A_84 = vector.broadcast %ge3A_83 : i32 to vector<16xi32>
    %ge3A_85 = arith.cmpi sge, %get3A_82, %ge3A_84 : vector<16xi32>
    %get3A_86 = arith.constant 80 : index
    %get3A_87 = tpu.vector_load %arg6[%get3A_86] {strides = array<i32>} : memref<1024xi32, #tpu.memory_space<vmem>>, vector<16xi32>,
    %get3A_88 = vector.shape_cast %get3A_87 : vector<16xi32> to vector<16xi32>
    %select_n3A_89 = arith.select %ge3A_85, %get3A_82, %get3A_88 : vector<16xi1>, vector<16xi32>
    %swap3A_90 = arith.constant 80 : index
    %swap3A_91 = tpu.vector_load %arg6[%swap3A_90] {strides = array<i32>} : memref<1024xi32, #tpu.memory_space<vmem>>, vector<16xi32>,
    %swap3A_92 = vector.shape_cast %swap3A_91 : vector<16xi32> to vector<16xi32>
    %swap3A_93 = vector.shape_cast %select_n3A_89 : vector<16xi32> to vector<16xi32>
    tpu.vector_store %arg6[%swap3A_90], %swap3A_93 {strides = array<i32>} : memref<1024xi32, #tpu.memory_space<vmem>>, vector<16xi32>,
    %get3A_94 = arith.constant 96 : index
    %get3A_95 = tpu.vector_load %arg7[%get3A_94] {strides = array<i32>} : memref<1024xi32, #tpu.memory_space<vmem>>, vector<16xi32>,
    %get3A_96 = vector.shape_cast %get3A_95 : vector<16xi32> to vector<16xi32>
    %ge3A_97 = arith.constant 0 : i32
    %ge3A_98 = vector.broadcast %ge3A_97 : i32 to vector<16xi32>
    %ge3A_99 = arith.cmpi sge, %get3A_96, %ge3A_98 : vector<16xi32>
    %get3A_100 = arith.constant 96 : index
    %get3A_101 = tpu.vector_load %arg6[%get3A_100] {strides = array<i32>} : memref<1024xi32, #tpu.memory_space<vmem>>, vector<16xi32>,
    %get3A_102 = vector.shape_cast %get3A_101 : vector<16xi32> to vector<16xi32>
    %select_n3A_103 = arith.select %ge3A_99, %get3A_96, %get3A_102 : vector<16xi1>, vector<16xi32>
    %swap3A_104 = arith.constant 96 : index
    %swap3A_105 = tpu.vector_load %arg6[%swap3A_104] {strides = array<i32>} : memref<1024xi32, #tpu.memory_space<vmem>>, vector<16xi32>,
    %swap3A_106 = vector.shape_cast %swap3A_105 : vector<16xi32> to vector<16xi32>
    %swap3A_107 = vector.shape_cast %select_n3A_103 : vector<16xi32> to vector<16xi32>
    tpu.vector_store %arg6[%swap3A_104], %swap3A_107 {strides = array<i32>} : memref<1024xi32, #tpu.memory_space<vmem>>, vector<16xi32>,
    %get3A_108 = arith.constant 112 : index
    %get3A_109 = tpu.vector_load %arg7[%get3A_108] {strides = array<i32>} : memref<1024xi32, #tpu.memory_space<vmem>>, vector<16xi32>,
    %get3A_110 = vector.shape_cast %get3A_109 : vector<16xi32> to vector<16xi32>
    %ge3A_111 = arith.constant 0 : i32
    %ge3A_112 = vector.broadcast %ge3A_111 : i32 to vector<16xi32>
    %ge3A_113 = arith.cmpi sge, %get3A_110, %ge3A_112 : vector<16xi32>
    %get3A_114 = arith.constant 112 : index
    %get3A_115 = tpu.vector_load %arg6[%get3A_114] {strides = array<i32>} : memref<1024xi32, #tpu.memory_space<vmem>>, vector<16xi32>,
    %get3A_116 = vector.shape_cast %get3A_115 : vector<16xi32> to vector<16xi32>
    %select_n3A_117 = arith.select %ge3A_113, %get3A_110, %get3A_116 : vector<16xi1>, vector<16xi32>
    %swap3A_118 = arith.constant 112 : index
    %swap3A_119 = tpu.vector_load %arg6[%swap3A_118] {strides = array<i32>} : memref<1024xi32, #tpu.memory_space<vmem>>, vector<16xi32>,
    %swap3A_120 = vector.shape_cast %swap3A_119 : vector<16xi32> to vector<16xi32>
    %swap3A_121 = vector.shape_cast %select_n3A_117 : vector<16xi32> to vector<16xi32>
    tpu.vector_store %arg6[%swap3A_118], %swap3A_121 {strides = array<i32>} : memref<1024xi32, #tpu.memory_space<vmem>>, vector<16xi32>,
    %get3A_122 = arith.constant 128 : index
    %get3A_123 = tpu.vector_load %arg7[%get3A_122] {strides = array<i32>} : memref<1024xi32, #tpu.memory_space<vmem>>, vector<16xi32>,
    %get3A_124 = vector.shape_cast %get3A_123 : vector<16xi32> to vector<16xi32>
    %ge3A_125 = arith.constant 0 : i32
    %ge3A_126 = vector.broadcast %ge3A_125 : i32 to vector<16xi32>
    %ge3A_127 = arith.cmpi sge, %get3A_124, %ge3A_126 : vector<16xi32>
    %get3A_128 = arith.constant 128 : index
    %get3A_129 = tpu.vector_load %arg6[%get3A_128] {strides = array<i32>} : memref<1024xi32, #tpu.memory_space<vmem>>, vector<16xi32>,
    %get3A_130 = vector.shape_cast %get3A_129 : vector<16xi32> to vector<16xi32>
    %select_n3A_131 = arith.select %ge3A_127, %get3A_124, %get3A_130 : vector<16xi1>, vector<16xi32>
    %swap3A_132 = arith.constant 128 : index
    %swap3A_133 = tpu.vector_load %arg6[%swap3A_132] {strides = array<i32>} : memref<1024xi32, #tpu.memory_space<vmem>>, vector<16xi32>,
    %swap3A_134 = vector.shape_cast %swap3A_133 : vector<16xi32> to vector<16xi32>
    %swap3A_135 = vector.shape_cast %select_n3A_131 : vector<16xi32> to vector<16xi32>
    tpu.vector_store %arg6[%swap3A_132], %swap3A_135 {strides = array<i32>} : memref<1024xi32, #tpu.memory_space<vmem>>, vector<16xi32>,
    %get3A_136 = arith.constant 144 : index
    %get3A_137 = tpu.vector_load %arg7[%get3A_136] {strides = array<i32>} : memref<1024xi32, #tpu.memory_space<vmem>>, vector<16xi32>,
    %get3A_138 = vector.shape_cast %get3A_137 : vector<16xi32> to vector<16xi32>
    %ge3A_139 = arith.constant 0 : i32
    %ge3A_140 = vector.broadcast %ge3A_139 : i32 to vector<16xi32>
    %ge3A_141 = arith.cmpi sge, %get3A_138, %ge3A_140 : vector<16xi32>
    %get3A_142 = arith.constant 144 : index
    %get3A_143 = tpu.vector_load %arg6[%get3A_142] {strides = array<i32>} : memref<1024xi32, #tpu.memory_space<vmem>>, vector<16xi32>,
    %get3A_144 = vector.shape_cast %get3A_143 : vector<16xi32> to vector<16xi32>
    %select_n3A_145 = arith.select %ge3A_141, %get3A_138, %get3A_144 : vector<16xi1>, vector<16xi32>
    %swap3A_146 = arith.constant 144 : index
    %swap3A_147 = tpu.vector_load %arg6[%swap3A_146] {strides = array<i32>} : memref<1024xi32, #tpu.memory_space<vmem>>, vector<16xi32>,
    %swap3A_148 = vector.shape_cast %swap3A_147 : vector<16xi32> to vector<16xi32>
    %swap3A_149 = vector.shape_cast %select_n3A_145 : vector<16xi32> to vector<16xi32>
    tpu.vector_store %arg6[%swap3A_146], %swap3A_149 {strides = array<i32>} : memref<1024xi32, #tpu.memory_space<vmem>>, vector<16xi32>,
    %get3A_150 = arith.constant 160 : index
    %get3A_151 = tpu.vector_load %arg7[%get3A_150] {strides = array<i32>} : memref<1024xi32, #tpu.memory_space<vmem>>, vector<16xi32>,
    %get3A_152 = vector.shape_cast %get3A_151 : vector<16xi32> to vector<16xi32>
    %ge3A_153 = arith.constant 0 : i32
    %ge3A_154 = vector.broadcast %ge3A_153 : i32 to vector<16xi32>
    %ge3A_155 = arith.cmpi sge, %get3A_152, %ge3A_154 : vector<16xi32>
    %get3A_156 = arith.constant 160 : index
    %get3A_157 = tpu.vector_load %arg6[%get3A_156] {strides = array<i32>} : memref<1024xi32, #tpu.memory_space<vmem>>, vector<16xi32>,
    %get3A_158 = vector.shape_cast %get3A_157 : vector<16xi32> to vector<16xi32>
    %select_n3A_159 = arith.select %ge3A_155, %get3A_152, %get3A_158 : vector<16xi1>, vector<16xi32>
    %swap3A_160 = arith.constant 160 : index
    %swap3A_161 = tpu.vector_load %arg6[%swap3A_160] {strides = array<i32>} : memref<1024xi32, #tpu.memory_space<vmem>>, vector<16xi32>,
    %swap3A_162 = vector.shape_cast %swap3A_161 : vector<16xi32> to vector<16xi32>
    %swap3A_163 = vector.shape_cast %select_n3A_159 : vector<16xi32> to vector<16xi32>
    tpu.vector_store %arg6[%swap3A_160], %swap3A_163 {strides = array<i32>} : memref<1024xi32, #tpu.memory_space<vmem>>, vector<16xi32>,
    %get3A_164 = arith.constant 176 : index
    %get3A_165 = tpu.vector_load %arg7[%get3A_164] {strides = array<i32>} : memref<1024xi32, #tpu.memory_space<vmem>>, vector<16xi32>,
    %get3A_166 = vector.shape_cast %get3A_165 : vector<16xi32> to vector<16xi32>
    %ge3A_167 = arith.constant 0 : i32
    %ge3A_168 = vector.broadcast %ge3A_167 : i32 to vector<16xi32>
    %ge3A_169 = arith.cmpi sge, %get3A_166, %ge3A_168 : vector<16xi32>
    %get3A_170 = arith.constant 176 : index
    %get3A_171 = tpu.vector_load %arg6[%get3A_170] {strides = array<i32>} : memref<1024xi32, #tpu.memory_space<vmem>>, vector<16xi32>,
    %get3A_172 = vector.shape_cast %get3A_171 : vector<16xi32> to vector<16xi32>
    %select_n3A_173 = arith.select %ge3A_169, %get3A_166, %get3A_172 : vector<16xi1>, vector<16xi32>
    %swap3A_174 = arith.constant 176 : index
    %swap3A_175 = tpu.vector_load %arg6[%swap3A_174] {strides = array<i32>} : memref<1024xi32, #tpu.memory_space<vmem>>, vector<16xi32>,
    %swap3A_176 = vector.shape_cast %swap3A_175 : vector<16xi32> to vector<16xi32>
    %swap3A_177 = vector.shape_cast %select_n3A_173 : vector<16xi32> to vector<16xi32>
    tpu.vector_store %arg6[%swap3A_174], %swap3A_177 {strides = array<i32>} : memref<1024xi32, #tpu.memory_space<vmem>>, vector<16xi32>,
    %get3A_178 = arith.constant 192 : index
    %get3A_179 = tpu.vector_load %arg7[%get3A_178] {strides = array<i32>} : memref<1024xi32, #tpu.memory_space<vmem>>, vector<16xi32>,
    %get3A_180 = vector.shape_cast %get3A_179 : vector<16xi32> to vector<16xi32>
    %ge3A_181 = arith.constant 0 : i32
    %ge3A_182 = vector.broadcast %ge3A_181 : i32 to vector<16xi32>
    %ge3A_183 = arith.cmpi sge, %get3A_180, %ge3A_182 : vector<16xi32>
    %get3A_184 = arith.constant 192 : index
    %get3A_185 = tpu.vector_load %arg6[%get3A_184] {strides = array<i32>} : memref<1024xi32, #tpu.memory_space<vmem>>, vector<16xi32>,
    %get3A_186 = vector.shape_cast %get3A_185 : vector<16xi32> to vector<16xi32>
    %select_n3A_187 = arith.select %ge3A_183, %get3A_180, %get3A_186 : vector<16xi1>, vector<16xi32>
    %swap3A_188 = arith.constant 192 : index
    %swap3A_189 = tpu.vector_load %arg6[%swap3A_188] {strides = array<i32>} : memref<1024xi32, #tpu.memory_space<vmem>>, vector<16xi32>,
    %swap3A_190 = vector.shape_cast %swap3A_189 : vector<16xi32> to vector<16xi32>
    %swap3A_191 = vector.shape_cast %select_n3A_187 : vector<16xi32> to vector<16xi32>
    tpu.vector_store %arg6[%swap3A_188], %swap3A_191 {strides = array<i32>} : memref<1024xi32, #tpu.memory_space<vmem>>, vector<16xi32>,
    %get3A_192 = arith.constant 208 : index
    %get3A_193 = tpu.vector_load %arg7[%get3A_192] {strides = array<i32>} : memref<1024xi32, #tpu.memory_space<vmem>>, vector<16xi32>,
    %get3A_194 = vector.shape_cast %get3A_193 : vector<16xi32> to vector<16xi32>
    %ge3A_195 = arith.constant 0 : i32
    %ge3A_196 = vector.broadcast %ge3A_195 : i32 to vector<16xi32>
    %ge3A_197 = arith.cmpi sge, %get3A_194, %ge3A_196 : vector<16xi32>
    %get3A_198 = arith.constant 208 : index
    %get3A_199 = tpu.vector_load %arg6[%get3A_198] {strides = array<i32>} : memref<1024xi32, #tpu.memory_space<vmem>>, vector<16xi32>,
    %get3A_200 = vector.shape_cast %get3A_199 : vector<16xi32> to vector<16xi32>
    %select_n3A_201 = arith.select %ge3A_197, %get3A_194, %get3A_200 : vector<16xi1>, vector<16xi32>
    %swap3A_202 = arith.constant 208 : index
    %swap3A_203 = tpu.vector_load %arg6[%swap3A_202] {strides = array<i32>} : memref<1024xi32, #tpu.memory_space<vmem>>, vector<16xi32>,
    %swap3A_204 = vector.shape_cast %swap3A_203 : vector<16xi32> to vector<16xi32>
    %swap3A_205 = vector.shape_cast %select_n3A_201 : vector<16xi32> to vector<16xi32>
    tpu.vector_store %arg6[%swap3A_202], %swap3A_205 {strides = array<i32>} : memref<1024xi32, #tpu.memory_space<vmem>>, vector<16xi32>,
    %get3A_206 = arith.constant 224 : index
    %get3A_207 = tpu.vector_load %arg7[%get3A_206] {strides = array<i32>} : memref<1024xi32, #tpu.memory_space<vmem>>, vector<16xi32>,
    %get3A_208 = vector.shape_cast %get3A_207 : vector<16xi32> to vector<16xi32>
    %ge3A_209 = arith.constant 0 : i32
    %ge3A_210 = vector.broadcast %ge3A_209 : i32 to vector<16xi32>
    %ge3A_211 = arith.cmpi sge, %get3A_208, %ge3A_210 : vector<16xi32>
    %get3A_212 = arith.constant 224 : index
    %get3A_213 = tpu.vector_load %arg6[%get3A_212] {strides = array<i32>} : memref<1024xi32, #tpu.memory_space<vmem>>, vector<16xi32>,
    %get3A_214 = vector.shape_cast %get3A_213 : vector<16xi32> to vector<16xi32>
    %select_n3A_215 = arith.select %ge3A_211, %get3A_208, %get3A_214 : vector<16xi1>, vector<16xi32>
    %swap3A_216 = arith.constant 224 : index
    %swap3A_217 = tpu.vector_load %arg6[%swap3A_216] {strides = array<i32>} : memref<1024xi32, #tpu.memory_space<vmem>>, vector<16xi32>,
    %swap3A_218 = vector.shape_cast %swap3A_217 : vector<16xi32> to vector<16xi32>
    %swap3A_219 = vector.shape_cast %select_n3A_215 : vector<16xi32> to vector<16xi32>
    tpu.vector_store %arg6[%swap3A_216], %swap3A_219 {strides = array<i32>} : memref<1024xi32, #tpu.memory_space<vmem>>, vector<16xi32>,
    %get3A_220 = arith.constant 240 : index
    %get3A_221 = tpu.vector_load %arg7[%get3A_220] {strides = array<i32>} : memref<1024xi32, #tpu.memory_space<vmem>>, vector<16xi32>,
    %get3A_222 = vector.shape_cast %get3A_221 : vector<16xi32> to vector<16xi32>
    %ge3A_223 = arith.constant 0 : i32
    %ge3A_224 = vector.broadcast %ge3A_223 : i32 to vector<16xi32>
    %ge3A_225 = arith.cmpi sge, %get3A_222, %ge3A_224 : vector<16xi32>
    %get3A_226 = arith.constant 240 : index
    %get3A_227 = tpu.vector_load %arg6[%get3A_226] {strides = array<i32>} : memref<1024xi32, #tpu.memory_space<vmem>>, vector<16xi32>,
    %get3A_228 = vector.shape_cast %get3A_227 : vector<16xi32> to vector<16xi32>
    %select_n3A_229 = arith.select %ge3A_225, %get3A_222, %get3A_228 : vector<16xi1>, vector<16xi32>
    %swap3A_230 = arith.constant 240 : index
    %swap3A_231 = tpu.vector_load %arg6[%swap3A_230] {strides = array<i32>} : memref<1024xi32, #tpu.memory_space<vmem>>, vector<16xi32>,
    %swap3A_232 = vector.shape_cast %swap3A_231 : vector<16xi32> to vector<16xi32>
    %swap3A_233 = vector.shape_cast %select_n3A_229 : vector<16xi32> to vector<16xi32>
    tpu.vector_store %arg6[%swap3A_230], %swap3A_233 {strides = array<i32>} : memref<1024xi32, #tpu.memory_space<vmem>>, vector<16xi32>,
    %get3A_234 = arith.constant 256 : index
    %get3A_235 = tpu.vector_load %arg7[%get3A_234] {strides = array<i32>} : memref<1024xi32, #tpu.memory_space<vmem>>, vector<16xi32>,
    %get3A_236 = vector.shape_cast %get3A_235 : vector<16xi32> to vector<16xi32>
    %ge3A_237 = arith.constant 0 : i32
    %ge3A_238 = vector.broadcast %ge3A_237 : i32 to vector<16xi32>
    %ge3A_239 = arith.cmpi sge, %get3A_236, %ge3A_238 : vector<16xi32>
    %get3A_240 = arith.constant 256 : index
    %get3A_241 = tpu.vector_load %arg6[%get3A_240] {strides = array<i32>} : memref<1024xi32, #tpu.memory_space<vmem>>, vector<16xi32>,
    %get3A_242 = vector.shape_cast %get3A_241 : vector<16xi32> to vector<16xi32>
    %select_n3A_243 = arith.select %ge3A_239, %get3A_236, %get3A_242 : vector<16xi1>, vector<16xi32>
    %swap3A_244 = arith.constant 256 : index
    %swap3A_245 = tpu.vector_load %arg6[%swap3A_244] {strides = array<i32>} : memref<1024xi32, #tpu.memory_space<vmem>>, vector<16xi32>,
    %swap3A_246 = vector.shape_cast %swap3A_245 : vector<16xi32> to vector<16xi32>
    %swap3A_247 = vector.shape_cast %select_n3A_243 : vector<16xi32> to vector<16xi32>
    tpu.vector_store %arg6[%swap3A_244], %swap3A_247 {strides = array<i32>} : memref<1024xi32, #tpu.memory_space<vmem>>, vector<16xi32>,
    %get3A_248 = arith.constant 272 : index
    %get3A_249 = tpu.vector_load %arg7[%get3A_248] {strides = array<i32>} : memref<1024xi32, #tpu.memory_space<vmem>>, vector<16xi32>,
    %get3A_250 = vector.shape_cast %get3A_249 : vector<16xi32> to vector<16xi32>
    %ge3A_251 = arith.constant 0 : i32
    %ge3A_252 = vector.broadcast %ge3A_251 : i32 to vector<16xi32>
    %ge3A_253 = arith.cmpi sge, %get3A_250, %ge3A_252 : vector<16xi32>
    %get3A_254 = arith.constant 272 : index
    %get3A_255 = tpu.vector_load %arg6[%get3A_254] {strides = array<i32>} : memref<1024xi32, #tpu.memory_space<vmem>>, vector<16xi32>,
    %get3A_256 = vector.shape_cast %get3A_255 : vector<16xi32> to vector<16xi32>
    %select_n3A_257 = arith.select %ge3A_253, %get3A_250, %get3A_256 : vector<16xi1>, vector<16xi32>
    %swap3A_258 = arith.constant 272 : index
    %swap3A_259 = tpu.vector_load %arg6[%swap3A_258] {strides = array<i32>} : memref<1024xi32, #tpu.memory_space<vmem>>, vector<16xi32>,
    %swap3A_260 = vector.shape_cast %swap3A_259 : vector<16xi32> to vector<16xi32>
    %swap3A_261 = vector.shape_cast %select_n3A_257 : vector<16xi32> to vector<16xi32>
    tpu.vector_store %arg6[%swap3A_258], %swap3A_261 {strides = array<i32>} : memref<1024xi32, #tpu.memory_space<vmem>>, vector<16xi32>,
    %get3A_262 = arith.constant 288 : index
    %get3A_263 = tpu.vector_load %arg7[%get3A_262] {strides = array<i32>} : memref<1024xi32, #tpu.memory_space<vmem>>, vector<16xi32>,
    %get3A_264 = vector.shape_cast %get3A_263 : vector<16xi32> to vector<16xi32>
    %ge3A_265 = arith.constant 0 : i32
    %ge3A_266 = vector.broadcast %ge3A_265 : i32 to vector<16xi32>
    %ge3A_267 = arith.cmpi sge, %get3A_264, %ge3A_266 : vector<16xi32>
    %get3A_268 = arith.constant 288 : index
    %get3A_269 = tpu.vector_load %arg6[%get3A_268] {strides = array<i32>} : memref<1024xi32, #tpu.memory_space<vmem>>, vector<16xi32>,
    %get3A_270 = vector.shape_cast %get3A_269 : vector<16xi32> to vector<16xi32>
    %select_n3A_271 = arith.select %ge3A_267, %get3A_264, %get3A_270 : vector<16xi1>, vector<16xi32>
    %swap3A_272 = arith.constant 288 : index
    %swap3A_273 = tpu.vector_load %arg6[%swap3A_272] {strides = array<i32>} : memref<1024xi32, #tpu.memory_space<vmem>>, vector<16xi32>,
    %swap3A_274 = vector.shape_cast %swap3A_273 : vector<16xi32> to vector<16xi32>
    %swap3A_275 = vector.shape_cast %select_n3A_271 : vector<16xi32> to vector<16xi32>
    tpu.vector_store %arg6[%swap3A_272], %swap3A_275 {strides = array<i32>} : memref<1024xi32, #tpu.memory_space<vmem>>, vector<16xi32>,
    %get3A_276 = arith.constant 304 : index
    %get3A_277 = tpu.vector_load %arg7[%get3A_276] {strides = array<i32>} : memref<1024xi32, #tpu.memory_space<vmem>>, vector<16xi32>,
    %get3A_278 = vector.shape_cast %get3A_277 : vector<16xi32> to vector<16xi32>
    %ge3A_279 = arith.constant 0 : i32
    %ge3A_280 = vector.broadcast %ge3A_279 : i32 to vector<16xi32>
    %ge3A_281 = arith.cmpi sge, %get3A_278, %ge3A_280 : vector<16xi32>
    %get3A_282 = arith.constant 304 : index
    %get3A_283 = tpu.vector_load %arg6[%get3A_282] {strides = array<i32>} : memref<1024xi32, #tpu.memory_space<vmem>>, vector<16xi32>,
    %get3A_284 = vector.shape_cast %get3A_283 : vector<16xi32> to vector<16xi32>
    %select_n3A_285 = arith.select %ge3A_281, %get3A_278, %get3A_284 : vector<16xi1>, vector<16xi32>
    %swap3A_286 = arith.constant 304 : index
    %swap3A_287 = tpu.vector_load %arg6[%swap3A_286] {strides = array<i32>} : memref<1024xi32, #tpu.memory_space<vmem>>, vector<16xi32>,
    %swap3A_288 = vector.shape_cast %swap3A_287 : vector<16xi32> to vector<16xi32>
    %swap3A_289 = vector.shape_cast %select_n3A_285 : vector<16xi32> to vector<16xi32>
    tpu.vector_store %arg6[%swap3A_286], %swap3A_289 {strides = array<i32>} : memref<1024xi32, #tpu.memory_space<vmem>>, vector<16xi32>,
    %get3A_290 = arith.constant 320 : index
    %get3A_291 = tpu.vector_load %arg7[%get3A_290] {strides = array<i32>} : memref<1024xi32, #tpu.memory_space<vmem>>, vector<16xi32>,
    %get3A_292 = vector.shape_cast %get3A_291 : vector<16xi32> to vector<16xi32>
    %ge3A_293 = arith.constant 0 : i32
    %ge3A_294 = vector.broadcast %ge3A_293 : i32 to vector<16xi32>
    %ge3A_295 = arith.cmpi sge, %get3A_292, %ge3A_294 : vector<16xi32>
    %get3A_296 = arith.constant 320 : index
    %get3A_297 = tpu.vector_load %arg6[%get3A_296] {strides = array<i32>} : memref<1024xi32, #tpu.memory_space<vmem>>, vector<16xi32>,
    %get3A_298 = vector.shape_cast %get3A_297 : vector<16xi32> to vector<16xi32>
    %select_n3A_299 = arith.select %ge3A_295, %get3A_292, %get3A_298 : vector<16xi1>, vector<16xi32>
    %swap3A_300 = arith.constant 320 : index
    %swap3A_301 = tpu.vector_load %arg6[%swap3A_300] {strides = array<i32>} : memref<1024xi32, #tpu.memory_space<vmem>>, vector<16xi32>,
    %swap3A_302 = vector.shape_cast %swap3A_301 : vector<16xi32> to vector<16xi32>
    %swap3A_303 = vector.shape_cast %select_n3A_299 : vector<16xi32> to vector<16xi32>
    tpu.vector_store %arg6[%swap3A_300], %swap3A_303 {strides = array<i32>} : memref<1024xi32, #tpu.memory_space<vmem>>, vector<16xi32>,
    %get3A_304 = arith.constant 336 : index
    %get3A_305 = tpu.vector_load %arg7[%get3A_304] {strides = array<i32>} : memref<1024xi32, #tpu.memory_space<vmem>>, vector<16xi32>,
    %get3A_306 = vector.shape_cast %get3A_305 : vector<16xi32> to vector<16xi32>
    %ge3A_307 = arith.constant 0 : i32
    %ge3A_308 = vector.broadcast %ge3A_307 : i32 to vector<16xi32>
    %ge3A_309 = arith.cmpi sge, %get3A_306, %ge3A_308 : vector<16xi32>
    %get3A_310 = arith.constant 336 : index
    %get3A_311 = tpu.vector_load %arg6[%get3A_310] {strides = array<i32>} : memref<1024xi32, #tpu.memory_space<vmem>>, vector<16xi32>,
    %get3A_312 = vector.shape_cast %get3A_311 : vector<16xi32> to vector<16xi32>
    %select_n3A_313 = arith.select %ge3A_309, %get3A_306, %get3A_312 : vector<16xi1>, vector<16xi32>
    %swap3A_314 = arith.constant 336 : index
    %swap3A_315 = tpu.vector_load %arg6[%swap3A_314] {strides = array<i32>} : memref<1024xi32, #tpu.memory_space<vmem>>, vector<16xi32>,
    %swap3A_316 = vector.shape_cast %swap3A_315 : vector<16xi32> to vector<16xi32>
    %swap3A_317 = vector.shape_cast %select_n3A_313 : vector<16xi32> to vector<16xi32>
    tpu.vector_store %arg6[%swap3A_314], %swap3A_317 {strides = array<i32>} : memref<1024xi32, #tpu.memory_space<vmem>>, vector<16xi32>,
    %get3A_318 = arith.constant 352 : index
    %get3A_319 = tpu.vector_load %arg7[%get3A_318] {strides = array<i32>} : memref<1024xi32, #tpu.memory_space<vmem>>, vector<16xi32>,
    %get3A_320 = vector.shape_cast %get3A_319 : vector<16xi32> to vector<16xi32>
    %ge3A_321 = arith.constant 0 : i32
    %ge3A_322 = vector.broadcast %ge3A_321 : i32 to vector<16xi32>
    %ge3A_323 = arith.cmpi sge, %get3A_320, %ge3A_322 : vector<16xi32>
    %get3A_324 = arith.constant 352 : index
    %get3A_325 = tpu.vector_load %arg6[%get3A_324] {strides = array<i32>} : memref<1024xi32, #tpu.memory_space<vmem>>, vector<16xi32>,
    %get3A_326 = vector.shape_cast %get3A_325 : vector<16xi32> to vector<16xi32>
    %select_n3A_327 = arith.select %ge3A_323, %get3A_320, %get3A_326 : vector<16xi1>, vector<16xi32>
    %swap3A_328 = arith.constant 352 : index
    %swap3A_329 = tpu.vector_load %arg6[%swap3A_328] {strides = array<i32>} : memref<1024xi32, #tpu.memory_space<vmem>>, vector<16xi32>,
    %swap3A_330 = vector.shape_cast %swap3A_329 : vector<16xi32> to vector<16xi32>
    %swap3A_331 = vector.shape_cast %select_n3A_327 : vector<16xi32> to vector<16xi32>
    tpu.vector_store %arg6[%swap3A_328], %swap3A_331 {strides = array<i32>} : memref<1024xi32, #tpu.memory_space<vmem>>, vector<16xi32>,
    %get3A_332 = arith.constant 368 : index
    %get3A_333 = tpu.vector_load %arg7[%get3A_332] {strides = array<i32>} : memref<1024xi32, #tpu.memory_space<vmem>>, vector<16xi32>,
    %get3A_334 = vector.shape_cast %get3A_333 : vector<16xi32> to vector<16xi32>
    %ge3A_335 = arith.constant 0 : i32
    %ge3A_336 = vector.broadcast %ge3A_335 : i32 to vector<16xi32>
    %ge3A_337 = arith.cmpi sge, %get3A_334, %ge3A_336 : vector<16xi32>
    %get3A_338 = arith.constant 368 : index
    %get3A_339 = tpu.vector_load %arg6[%get3A_338] {strides = array<i32>} : memref<1024xi32, #tpu.memory_space<vmem>>, vector<16xi32>,
    %get3A_340 = vector.shape_cast %get3A_339 : vector<16xi32> to vector<16xi32>
    %select_n3A_341 = arith.select %ge3A_337, %get3A_334, %get3A_340 : vector<16xi1>, vector<16xi32>
    %swap3A_342 = arith.constant 368 : index
    %swap3A_343 = tpu.vector_load %arg6[%swap3A_342] {strides = array<i32>} : memref<1024xi32, #tpu.memory_space<vmem>>, vector<16xi32>,
    %swap3A_344 = vector.shape_cast %swap3A_343 : vector<16xi32> to vector<16xi32>
    %swap3A_345 = vector.shape_cast %select_n3A_341 : vector<16xi32> to vector<16xi32>
    tpu.vector_store %arg6[%swap3A_342], %swap3A_345 {strides = array<i32>} : memref<1024xi32, #tpu.memory_space<vmem>>, vector<16xi32>,
    %get3A_346 = arith.constant 384 : index
    %get3A_347 = tpu.vector_load %arg7[%get3A_346] {strides = array<i32>} : memref<1024xi32, #tpu.memory_space<vmem>>, vector<16xi32>,
    %get3A_348 = vector.shape_cast %get3A_347 : vector<16xi32> to vector<16xi32>
    %ge3A_349 = arith.constant 0 : i32
    %ge3A_350 = vector.broadcast %ge3A_349 : i32 to vector<16xi32>
    %ge3A_351 = arith.cmpi sge, %get3A_348, %ge3A_350 : vector<16xi32>
    %get3A_352 = arith.constant 384 : index
    %get3A_353 = tpu.vector_load %arg6[%get3A_352] {strides = array<i32>} : memref<1024xi32, #tpu.memory_space<vmem>>, vector<16xi32>,
    %get3A_354 = vector.shape_cast %get3A_353 : vector<16xi32> to vector<16xi32>
    %select_n3A_355 = arith.select %ge3A_351, %get3A_348, %get3A_354 : vector<16xi1>, vector<16xi32>
    %swap3A_356 = arith.constant 384 : index
    %swap3A_357 = tpu.vector_load %arg6[%swap3A_356] {strides = array<i32>} : memref<1024xi32, #tpu.memory_space<vmem>>, vector<16xi32>,
    %swap3A_358 = vector.shape_cast %swap3A_357 : vector<16xi32> to vector<16xi32>
    %swap3A_359 = vector.shape_cast %select_n3A_355 : vector<16xi32> to vector<16xi32>
    tpu.vector_store %arg6[%swap3A_356], %swap3A_359 {strides = array<i32>} : memref<1024xi32, #tpu.memory_space<vmem>>, vector<16xi32>,
    %get3A_360 = arith.constant 400 : index
    %get3A_361 = tpu.vector_load %arg7[%get3A_360] {strides = array<i32>} : memref<1024xi32, #tpu.memory_space<vmem>>, vector<16xi32>,
    %get3A_362 = vector.shape_cast %get3A_361 : vector<16xi32> to vector<16xi32>
    %ge3A_363 = arith.constant 0 : i32
    %ge3A_364 = vector.broadcast %ge3A_363 : i32 to vector<16xi32>
    %ge3A_365 = arith.cmpi sge, %get3A_362, %ge3A_364 : vector<16xi32>
    %get3A_366 = arith.constant 400 : index
    %get3A_367 = tpu.vector_load %arg6[%get3A_366] {strides = array<i32>} : memref<1024xi32, #tpu.memory_space<vmem>>, vector<16xi32>,
    %get3A_368 = vector.shape_cast %get3A_367 : vector<16xi32> to vector<16xi32>
    %select_n3A_369 = arith.select %ge3A_365, %get3A_362, %get3A_368 : vector<16xi1>, vector<16xi32>
    %swap3A_370 = arith.constant 400 : index
    %swap3A_371 = tpu.vector_load %arg6[%swap3A_370] {strides = array<i32>} : memref<1024xi32, #tpu.memory_space<vmem>>, vector<16xi32>,
    %swap3A_372 = vector.shape_cast %swap3A_371 : vector<16xi32> to vector<16xi32>
    %swap3A_373 = vector.shape_cast %select_n3A_369 : vector<16xi32> to vector<16xi32>
    tpu.vector_store %arg6[%swap3A_370], %swap3A_373 {strides = array<i32>} : memref<1024xi32, #tpu.memory_space<vmem>>, vector<16xi32>,
    %get3A_374 = arith.constant 416 : index
    %get3A_375 = tpu.vector_load %arg7[%get3A_374] {strides = array<i32>} : memref<1024xi32, #tpu.memory_space<vmem>>, vector<16xi32>,
    %get3A_376 = vector.shape_cast %get3A_375 : vector<16xi32> to vector<16xi32>
    %ge3A_377 = arith.constant 0 : i32
    %ge3A_378 = vector.broadcast %ge3A_377 : i32 to vector<16xi32>
    %ge3A_379 = arith.cmpi sge, %get3A_376, %ge3A_378 : vector<16xi32>
    %get3A_380 = arith.constant 416 : index
    %get3A_381 = tpu.vector_load %arg6[%get3A_380] {strides = array<i32>} : memref<1024xi32, #tpu.memory_space<vmem>>, vector<16xi32>,
    %get3A_382 = vector.shape_cast %get3A_381 : vector<16xi32> to vector<16xi32>
    %select_n3A_383 = arith.select %ge3A_379, %get3A_376, %get3A_382 : vector<16xi1>, vector<16xi32>
    %swap3A_384 = arith.constant 416 : index
    %swap3A_385 = tpu.vector_load %arg6[%swap3A_384] {strides = array<i32>} : memref<1024xi32, #tpu.memory_space<vmem>>, vector<16xi32>,
    %swap3A_386 = vector.shape_cast %swap3A_385 : vector<16xi32> to vector<16xi32>
    %swap3A_387 = vector.shape_cast %select_n3A_383 : vector<16xi32> to vector<16xi32>
    tpu.vector_store %arg6[%swap3A_384], %swap3A_387 {strides = array<i32>} : memref<1024xi32, #tpu.memory_space<vmem>>, vector<16xi32>,
    %get3A_388 = arith.constant 432 : index
    %get3A_389 = tpu.vector_load %arg7[%get3A_388] {strides = array<i32>} : memref<1024xi32, #tpu.memory_space<vmem>>, vector<16xi32>,
    %get3A_390 = vector.shape_cast %get3A_389 : vector<16xi32> to vector<16xi32>
    %ge3A_391 = arith.constant 0 : i32
    %ge3A_392 = vector.broadcast %ge3A_391 : i32 to vector<16xi32>
    %ge3A_393 = arith.cmpi sge, %get3A_390, %ge3A_392 : vector<16xi32>
    %get3A_394 = arith.constant 432 : index
    %get3A_395 = tpu.vector_load %arg6[%get3A_394] {strides = array<i32>} : memref<1024xi32, #tpu.memory_space<vmem>>, vector<16xi32>,
    %get3A_396 = vector.shape_cast %get3A_395 : vector<16xi32> to vector<16xi32>
    %select_n3A_397 = arith.select %ge3A_393, %get3A_390, %get3A_396 : vector<16xi1>, vector<16xi32>
    %swap3A_398 = arith.constant 432 : index
    %swap3A_399 = tpu.vector_load %arg6[%swap3A_398] {strides = array<i32>} : memref<1024xi32, #tpu.memory_space<vmem>>, vector<16xi32>,
    %swap3A_400 = vector.shape_cast %swap3A_399 : vector<16xi32> to vector<16xi32>
    %swap3A_401 = vector.shape_cast %select_n3A_397 : vector<16xi32> to vector<16xi32>
    tpu.vector_store %arg6[%swap3A_398], %swap3A_401 {strides = array<i32>} : memref<1024xi32, #tpu.memory_space<vmem>>, vector<16xi32>,
    %get3A_402 = arith.constant 448 : index
    %get3A_403 = tpu.vector_load %arg7[%get3A_402] {strides = array<i32>} : memref<1024xi32, #tpu.memory_space<vmem>>, vector<16xi32>,
    %get3A_404 = vector.shape_cast %get3A_403 : vector<16xi32> to vector<16xi32>
    %ge3A_405 = arith.constant 0 : i32
    %ge3A_406 = vector.broadcast %ge3A_405 : i32 to vector<16xi32>
    %ge3A_407 = arith.cmpi sge, %get3A_404, %ge3A_406 : vector<16xi32>
    %get3A_408 = arith.constant 448 : index
    %get3A_409 = tpu.vector_load %arg6[%get3A_408] {strides = array<i32>} : memref<1024xi32, #tpu.memory_space<vmem>>, vector<16xi32>,
    %get3A_410 = vector.shape_cast %get3A_409 : vector<16xi32> to vector<16xi32>
    %select_n3A_411 = arith.select %ge3A_407, %get3A_404, %get3A_410 : vector<16xi1>, vector<16xi32>
    %swap3A_412 = arith.constant 448 : index
    %swap3A_413 = tpu.vector_load %arg6[%swap3A_412] {strides = array<i32>} : memref<1024xi32, #tpu.memory_space<vmem>>, vector<16xi32>,
    %swap3A_414 = vector.shape_cast %swap3A_413 : vector<16xi32> to vector<16xi32>
    %swap3A_415 = vector.shape_cast %select_n3A_411 : vector<16xi32> to vector<16xi32>
    tpu.vector_store %arg6[%swap3A_412], %swap3A_415 {strides = array<i32>} : memref<1024xi32, #tpu.memory_space<vmem>>, vector<16xi32>,
    %get3A_416 = arith.constant 464 : index
    %get3A_417 = tpu.vector_load %arg7[%get3A_416] {strides = array<i32>} : memref<1024xi32, #tpu.memory_space<vmem>>, vector<16xi32>,
    %get3A_418 = vector.shape_cast %get3A_417 : vector<16xi32> to vector<16xi32>
    %ge3A_419 = arith.constant 0 : i32
    %ge3A_420 = vector.broadcast %ge3A_419 : i32 to vector<16xi32>
    %ge3A_421 = arith.cmpi sge, %get3A_418, %ge3A_420 : vector<16xi32>
    %get3A_422 = arith.constant 464 : index
    %get3A_423 = tpu.vector_load %arg6[%get3A_422] {strides = array<i32>} : memref<1024xi32, #tpu.memory_space<vmem>>, vector<16xi32>,
    %get3A_424 = vector.shape_cast %get3A_423 : vector<16xi32> to vector<16xi32>
    %select_n3A_425 = arith.select %ge3A_421, %get3A_418, %get3A_424 : vector<16xi1>, vector<16xi32>
    %swap3A_426 = arith.constant 464 : index
    %swap3A_427 = tpu.vector_load %arg6[%swap3A_426] {strides = array<i32>} : memref<1024xi32, #tpu.memory_space<vmem>>, vector<16xi32>,
    %swap3A_428 = vector.shape_cast %swap3A_427 : vector<16xi32> to vector<16xi32>
    %swap3A_429 = vector.shape_cast %select_n3A_425 : vector<16xi32> to vector<16xi32>
    tpu.vector_store %arg6[%swap3A_426], %swap3A_429 {strides = array<i32>} : memref<1024xi32, #tpu.memory_space<vmem>>, vector<16xi32>,
    %get3A_430 = arith.constant 480 : index
    %get3A_431 = tpu.vector_load %arg7[%get3A_430] {strides = array<i32>} : memref<1024xi32, #tpu.memory_space<vmem>>, vector<16xi32>,
    %get3A_432 = vector.shape_cast %get3A_431 : vector<16xi32> to vector<16xi32>
    %ge3A_433 = arith.constant 0 : i32
    %ge3A_434 = vector.broadcast %ge3A_433 : i32 to vector<16xi32>
    %ge3A_435 = arith.cmpi sge, %get3A_432, %ge3A_434 : vector<16xi32>
    %get3A_436 = arith.constant 480 : index
    %get3A_437 = tpu.vector_load %arg6[%get3A_436] {strides = array<i32>} : memref<1024xi32, #tpu.memory_space<vmem>>, vector<16xi32>,
    %get3A_438 = vector.shape_cast %get3A_437 : vector<16xi32> to vector<16xi32>
    %select_n3A_439 = arith.select %ge3A_435, %get3A_432, %get3A_438 : vector<16xi1>, vector<16xi32>
    %swap3A_440 = arith.constant 480 : index
    %swap3A_441 = tpu.vector_load %arg6[%swap3A_440] {strides = array<i32>} : memref<1024xi32, #tpu.memory_space<vmem>>, vector<16xi32>,
    %swap3A_442 = vector.shape_cast %swap3A_441 : vector<16xi32> to vector<16xi32>
    %swap3A_443 = vector.shape_cast %select_n3A_439 : vector<16xi32> to vector<16xi32>
    tpu.vector_store %arg6[%swap3A_440], %swap3A_443 {strides = array<i32>} : memref<1024xi32, #tpu.memory_space<vmem>>, vector<16xi32>,
    %get3A_444 = arith.constant 496 : index
    %get3A_445 = tpu.vector_load %arg7[%get3A_444] {strides = array<i32>} : memref<1024xi32, #tpu.memory_space<vmem>>, vector<16xi32>,
    %get3A_446 = vector.shape_cast %get3A_445 : vector<16xi32> to vector<16xi32>
    %ge3A_447 = arith.constant 0 : i32
    %ge3A_448 = vector.broadcast %ge3A_447 : i32 to vector<16xi32>
    %ge3A_449 = arith.cmpi sge, %get3A_446, %ge3A_448 : vector<16xi32>
    %get3A_450 = arith.constant 496 : index
    %get3A_451 = tpu.vector_load %arg6[%get3A_450] {strides = array<i32>} : memref<1024xi32, #tpu.memory_space<vmem>>, vector<16xi32>,
    %get3A_452 = vector.shape_cast %get3A_451 : vector<16xi32> to vector<16xi32>
    %select_n3A_453 = arith.select %ge3A_449, %get3A_446, %get3A_452 : vector<16xi1>, vector<16xi32>
    %swap3A_454 = arith.constant 496 : index
    %swap3A_455 = tpu.vector_load %arg6[%swap3A_454] {strides = array<i32>} : memref<1024xi32, #tpu.memory_space<vmem>>, vector<16xi32>,
    %swap3A_456 = vector.shape_cast %swap3A_455 : vector<16xi32> to vector<16xi32>
    %swap3A_457 = vector.shape_cast %select_n3A_453 : vector<16xi32> to vector<16xi32>
    tpu.vector_store %arg6[%swap3A_454], %swap3A_457 {strides = array<i32>} : memref<1024xi32, #tpu.memory_space<vmem>>, vector<16xi32>,
    %get3A_458 = arith.constant 512 : index
    %get3A_459 = tpu.vector_load %arg7[%get3A_458] {strides = array<i32>} : memref<1024xi32, #tpu.memory_space<vmem>>, vector<16xi32>,
    %get3A_460 = vector.shape_cast %get3A_459 : vector<16xi32> to vector<16xi32>
    %ge3A_461 = arith.constant 0 : i32
    %ge3A_462 = vector.broadcast %ge3A_461 : i32 to vector<16xi32>
    %ge3A_463 = arith.cmpi sge, %get3A_460, %ge3A_462 : vector<16xi32>
    %get3A_464 = arith.constant 512 : index
    %get3A_465 = tpu.vector_load %arg6[%get3A_464] {strides = array<i32>} : memref<1024xi32, #tpu.memory_space<vmem>>, vector<16xi32>,
    %get3A_466 = vector.shape_cast %get3A_465 : vector<16xi32> to vector<16xi32>
    %select_n3A_467 = arith.select %ge3A_463, %get3A_460, %get3A_466 : vector<16xi1>, vector<16xi32>
    %swap3A_468 = arith.constant 512 : index
    %swap3A_469 = tpu.vector_load %arg6[%swap3A_468] {strides = array<i32>} : memref<1024xi32, #tpu.memory_space<vmem>>, vector<16xi32>,
    %swap3A_470 = vector.shape_cast %swap3A_469 : vector<16xi32> to vector<16xi32>
    %swap3A_471 = vector.shape_cast %select_n3A_467 : vector<16xi32> to vector<16xi32>
    tpu.vector_store %arg6[%swap3A_468], %swap3A_471 {strides = array<i32>} : memref<1024xi32, #tpu.memory_space<vmem>>, vector<16xi32>,
    %get3A_472 = arith.constant 528 : index
    %get3A_473 = tpu.vector_load %arg7[%get3A_472] {strides = array<i32>} : memref<1024xi32, #tpu.memory_space<vmem>>, vector<16xi32>,
    %get3A_474 = vector.shape_cast %get3A_473 : vector<16xi32> to vector<16xi32>
    %ge3A_475 = arith.constant 0 : i32
    %ge3A_476 = vector.broadcast %ge3A_475 : i32 to vector<16xi32>
    %ge3A_477 = arith.cmpi sge, %get3A_474, %ge3A_476 : vector<16xi32>
    %get3A_478 = arith.constant 528 : index
    %get3A_479 = tpu.vector_load %arg6[%get3A_478] {strides = array<i32>} : memref<1024xi32, #tpu.memory_space<vmem>>, vector<16xi32>,
    %get3A_480 = vector.shape_cast %get3A_479 : vector<16xi32> to vector<16xi32>
    %select_n3A_481 = arith.select %ge3A_477, %get3A_474, %get3A_480 : vector<16xi1>, vector<16xi32>
    %swap3A_482 = arith.constant 528 : index
    %swap3A_483 = tpu.vector_load %arg6[%swap3A_482] {strides = array<i32>} : memref<1024xi32, #tpu.memory_space<vmem>>, vector<16xi32>,
    %swap3A_484 = vector.shape_cast %swap3A_483 : vector<16xi32> to vector<16xi32>
    %swap3A_485 = vector.shape_cast %select_n3A_481 : vector<16xi32> to vector<16xi32>
    tpu.vector_store %arg6[%swap3A_482], %swap3A_485 {strides = array<i32>} : memref<1024xi32, #tpu.memory_space<vmem>>, vector<16xi32>,
    %get3A_486 = arith.constant 544 : index
    %get3A_487 = tpu.vector_load %arg7[%get3A_486] {strides = array<i32>} : memref<1024xi32, #tpu.memory_space<vmem>>, vector<16xi32>,
    %get3A_488 = vector.shape_cast %get3A_487 : vector<16xi32> to vector<16xi32>
    %ge3A_489 = arith.constant 0 : i32
    %ge3A_490 = vector.broadcast %ge3A_489 : i32 to vector<16xi32>
    %ge3A_491 = arith.cmpi sge, %get3A_488, %ge3A_490 : vector<16xi32>
    %get3A_492 = arith.constant 544 : index
    %get3A_493 = tpu.vector_load %arg6[%get3A_492] {strides = array<i32>} : memref<1024xi32, #tpu.memory_space<vmem>>, vector<16xi32>,
    %get3A_494 = vector.shape_cast %get3A_493 : vector<16xi32> to vector<16xi32>
    %select_n3A_495 = arith.select %ge3A_491, %get3A_488, %get3A_494 : vector<16xi1>, vector<16xi32>
    %swap3A_496 = arith.constant 544 : index
    %swap3A_497 = tpu.vector_load %arg6[%swap3A_496] {strides = array<i32>} : memref<1024xi32, #tpu.memory_space<vmem>>, vector<16xi32>,
    %swap3A_498 = vector.shape_cast %swap3A_497 : vector<16xi32> to vector<16xi32>
    %swap3A_499 = vector.shape_cast %select_n3A_495 : vector<16xi32> to vector<16xi32>
    tpu.vector_store %arg6[%swap3A_496], %swap3A_499 {strides = array<i32>} : memref<1024xi32, #tpu.memory_space<vmem>>, vector<16xi32>,
    %get3A_500 = arith.constant 560 : index
    %get3A_501 = tpu.vector_load %arg7[%get3A_500] {strides = array<i32>} : memref<1024xi32, #tpu.memory_space<vmem>>, vector<16xi32>,
    %get3A_502 = vector.shape_cast %get3A_501 : vector<16xi32> to vector<16xi32>
    %ge3A_503 = arith.constant 0 : i32
    %ge3A_504 = vector.broadcast %ge3A_503 : i32 to vector<16xi32>
    %ge3A_505 = arith.cmpi sge, %get3A_502, %ge3A_504 : vector<16xi32>
    %get3A_506 = arith.constant 560 : index
    %get3A_507 = tpu.vector_load %arg6[%get3A_506] {strides = array<i32>} : memref<1024xi32, #tpu.memory_space<vmem>>, vector<16xi32>,
    %get3A_508 = vector.shape_cast %get3A_507 : vector<16xi32> to vector<16xi32>
    %select_n3A_509 = arith.select %ge3A_505, %get3A_502, %get3A_508 : vector<16xi1>, vector<16xi32>
    %swap3A_510 = arith.constant 560 : index
    %swap3A_511 = tpu.vector_load %arg6[%swap3A_510] {strides = array<i32>} : memref<1024xi32, #tpu.memory_space<vmem>>, vector<16xi32>,
    %swap3A_512 = vector.shape_cast %swap3A_511 : vector<16xi32> to vector<16xi32>
    %swap3A_513 = vector.shape_cast %select_n3A_509 : vector<16xi32> to vector<16xi32>
    tpu.vector_store %arg6[%swap3A_510], %swap3A_513 {strides = array<i32>} : memref<1024xi32, #tpu.memory_space<vmem>>, vector<16xi32>,
    %get3A_514 = arith.constant 576 : index
    %get3A_515 = tpu.vector_load %arg7[%get3A_514] {strides = array<i32>} : memref<1024xi32, #tpu.memory_space<vmem>>, vector<16xi32>,
    %get3A_516 = vector.shape_cast %get3A_515 : vector<16xi32> to vector<16xi32>
    %ge3A_517 = arith.constant 0 : i32
    %ge3A_518 = vector.broadcast %ge3A_517 : i32 to vector<16xi32>
    %ge3A_519 = arith.cmpi sge, %get3A_516, %ge3A_518 : vector<16xi32>
    %get3A_520 = arith.constant 576 : index
    %get3A_521 = tpu.vector_load %arg6[%get3A_520] {strides = array<i32>} : memref<1024xi32, #tpu.memory_space<vmem>>, vector<16xi32>,
    %get3A_522 = vector.shape_cast %get3A_521 : vector<16xi32> to vector<16xi32>
    %select_n3A_523 = arith.select %ge3A_519, %get3A_516, %get3A_522 : vector<16xi1>, vector<16xi32>
    %swap3A_524 = arith.constant 576 : index
    %swap3A_525 = tpu.vector_load %arg6[%swap3A_524] {strides = array<i32>} : memref<1024xi32, #tpu.memory_space<vmem>>, vector<16xi32>,
    %swap3A_526 = vector.shape_cast %swap3A_525 : vector<16xi32> to vector<16xi32>
    %swap3A_527 = vector.shape_cast %select_n3A_523 : vector<16xi32> to vector<16xi32>
    tpu.vector_store %arg6[%swap3A_524], %swap3A_527 {strides = array<i32>} : memref<1024xi32, #tpu.memory_space<vmem>>, vector<16xi32>,
    %get3A_528 = arith.constant 592 : index
    %get3A_529 = tpu.vector_load %arg7[%get3A_528] {strides = array<i32>} : memref<1024xi32, #tpu.memory_space<vmem>>, vector<16xi32>,
    %get3A_530 = vector.shape_cast %get3A_529 : vector<16xi32> to vector<16xi32>
    %ge3A_531 = arith.constant 0 : i32
    %ge3A_532 = vector.broadcast %ge3A_531 : i32 to vector<16xi32>
    %ge3A_533 = arith.cmpi sge, %get3A_530, %ge3A_532 : vector<16xi32>
    %get3A_534 = arith.constant 592 : index
    %get3A_535 = tpu.vector_load %arg6[%get3A_534] {strides = array<i32>} : memref<1024xi32, #tpu.memory_space<vmem>>, vector<16xi32>,
    %get3A_536 = vector.shape_cast %get3A_535 : vector<16xi32> to vector<16xi32>
    %select_n3A_537 = arith.select %ge3A_533, %get3A_530, %get3A_536 : vector<16xi1>, vector<16xi32>
    %swap3A_538 = arith.constant 592 : index
    %swap3A_539 = tpu.vector_load %arg6[%swap3A_538] {strides = array<i32>} : memref<1024xi32, #tpu.memory_space<vmem>>, vector<16xi32>,
    %swap3A_540 = vector.shape_cast %swap3A_539 : vector<16xi32> to vector<16xi32>
    %swap3A_541 = vector.shape_cast %select_n3A_537 : vector<16xi32> to vector<16xi32>
    tpu.vector_store %arg6[%swap3A_538], %swap3A_541 {strides = array<i32>} : memref<1024xi32, #tpu.memory_space<vmem>>, vector<16xi32>,
    %get3A_542 = arith.constant 608 : index
    %get3A_543 = tpu.vector_load %arg7[%get3A_542] {strides = array<i32>} : memref<1024xi32, #tpu.memory_space<vmem>>, vector<16xi32>,
    %get3A_544 = vector.shape_cast %get3A_543 : vector<16xi32> to vector<16xi32>
    %ge3A_545 = arith.constant 0 : i32
    %ge3A_546 = vector.broadcast %ge3A_545 : i32 to vector<16xi32>
    %ge3A_547 = arith.cmpi sge, %get3A_544, %ge3A_546 : vector<16xi32>
    %get3A_548 = arith.constant 608 : index
    %get3A_549 = tpu.vector_load %arg6[%get3A_548] {strides = array<i32>} : memref<1024xi32, #tpu.memory_space<vmem>>, vector<16xi32>,
    %get3A_550 = vector.shape_cast %get3A_549 : vector<16xi32> to vector<16xi32>
    %select_n3A_551 = arith.select %ge3A_547, %get3A_544, %get3A_550 : vector<16xi1>, vector<16xi32>
    %swap3A_552 = arith.constant 608 : index
    %swap3A_553 = tpu.vector_load %arg6[%swap3A_552] {strides = array<i32>} : memref<1024xi32, #tpu.memory_space<vmem>>, vector<16xi32>,
    %swap3A_554 = vector.shape_cast %swap3A_553 : vector<16xi32> to vector<16xi32>
    %swap3A_555 = vector.shape_cast %select_n3A_551 : vector<16xi32> to vector<16xi32>
    tpu.vector_store %arg6[%swap3A_552], %swap3A_555 {strides = array<i32>} : memref<1024xi32, #tpu.memory_space<vmem>>, vector<16xi32>,
    %get3A_556 = arith.constant 624 : index
    %get3A_557 = tpu.vector_load %arg7[%get3A_556] {strides = array<i32>} : memref<1024xi32, #tpu.memory_space<vmem>>, vector<16xi32>,
    %get3A_558 = vector.shape_cast %get3A_557 : vector<16xi32> to vector<16xi32>
    %ge3A_559 = arith.constant 0 : i32
    %ge3A_560 = vector.broadcast %ge3A_559 : i32 to vector<16xi32>
    %ge3A_561 = arith.cmpi sge, %get3A_558, %ge3A_560 : vector<16xi32>
    %get3A_562 = arith.constant 624 : index
    %get3A_563 = tpu.vector_load %arg6[%get3A_562] {strides = array<i32>} : memref<1024xi32, #tpu.memory_space<vmem>>, vector<16xi32>,
    %get3A_564 = vector.shape_cast %get3A_563 : vector<16xi32> to vector<16xi32>
    %select_n3A_565 = arith.select %ge3A_561, %get3A_558, %get3A_564 : vector<16xi1>, vector<16xi32>
    %swap3A_566 = arith.constant 624 : index
    %swap3A_567 = tpu.vector_load %arg6[%swap3A_566] {strides = array<i32>} : memref<1024xi32, #tpu.memory_space<vmem>>, vector<16xi32>,
    %swap3A_568 = vector.shape_cast %swap3A_567 : vector<16xi32> to vector<16xi32>
    %swap3A_569 = vector.shape_cast %select_n3A_565 : vector<16xi32> to vector<16xi32>
    tpu.vector_store %arg6[%swap3A_566], %swap3A_569 {strides = array<i32>} : memref<1024xi32, #tpu.memory_space<vmem>>, vector<16xi32>,
    %get3A_570 = arith.constant 640 : index
    %get3A_571 = tpu.vector_load %arg7[%get3A_570] {strides = array<i32>} : memref<1024xi32, #tpu.memory_space<vmem>>, vector<16xi32>,
    %get3A_572 = vector.shape_cast %get3A_571 : vector<16xi32> to vector<16xi32>
    %ge3A_573 = arith.constant 0 : i32
    %ge3A_574 = vector.broadcast %ge3A_573 : i32 to vector<16xi32>
    %ge3A_575 = arith.cmpi sge, %get3A_572, %ge3A_574 : vector<16xi32>
    %get3A_576 = arith.constant 640 : index
    %get3A_577 = tpu.vector_load %arg6[%get3A_576] {strides = array<i32>} : memref<1024xi32, #tpu.memory_space<vmem>>, vector<16xi32>,
    %get3A_578 = vector.shape_cast %get3A_577 : vector<16xi32> to vector<16xi32>
    %select_n3A_579 = arith.select %ge3A_575, %get3A_572, %get3A_578 : vector<16xi1>, vector<16xi32>
    %swap3A_580 = arith.constant 640 : index
    %swap3A_581 = tpu.vector_load %arg6[%swap3A_580] {strides = array<i32>} : memref<1024xi32, #tpu.memory_space<vmem>>, vector<16xi32>,
    %swap3A_582 = vector.shape_cast %swap3A_581 : vector<16xi32> to vector<16xi32>
    %swap3A_583 = vector.shape_cast %select_n3A_579 : vector<16xi32> to vector<16xi32>
    tpu.vector_store %arg6[%swap3A_580], %swap3A_583 {strides = array<i32>} : memref<1024xi32, #tpu.memory_space<vmem>>, vector<16xi32>,
    %get3A_584 = arith.constant 656 : index
    %get3A_585 = tpu.vector_load %arg7[%get3A_584] {strides = array<i32>} : memref<1024xi32, #tpu.memory_space<vmem>>, vector<16xi32>,
    %get3A_586 = vector.shape_cast %get3A_585 : vector<16xi32> to vector<16xi32>
    %ge3A_587 = arith.constant 0 : i32
    %ge3A_588 = vector.broadcast %ge3A_587 : i32 to vector<16xi32>
    %ge3A_589 = arith.cmpi sge, %get3A_586, %ge3A_588 : vector<16xi32>
    %get3A_590 = arith.constant 656 : index
    %get3A_591 = tpu.vector_load %arg6[%get3A_590] {strides = array<i32>} : memref<1024xi32, #tpu.memory_space<vmem>>, vector<16xi32>,
    %get3A_592 = vector.shape_cast %get3A_591 : vector<16xi32> to vector<16xi32>
    %select_n3A_593 = arith.select %ge3A_589, %get3A_586, %get3A_592 : vector<16xi1>, vector<16xi32>
    %swap3A_594 = arith.constant 656 : index
    %swap3A_595 = tpu.vector_load %arg6[%swap3A_594] {strides = array<i32>} : memref<1024xi32, #tpu.memory_space<vmem>>, vector<16xi32>,
    %swap3A_596 = vector.shape_cast %swap3A_595 : vector<16xi32> to vector<16xi32>
    %swap3A_597 = vector.shape_cast %select_n3A_593 : vector<16xi32> to vector<16xi32>
    tpu.vector_store %arg6[%swap3A_594], %swap3A_597 {strides = array<i32>} : memref<1024xi32, #tpu.memory_space<vmem>>, vector<16xi32>,
    %get3A_598 = arith.constant 672 : index
    %get3A_599 = tpu.vector_load %arg7[%get3A_598] {strides = array<i32>} : memref<1024xi32, #tpu.memory_space<vmem>>, vector<16xi32>,
    %get3A_600 = vector.shape_cast %get3A_599 : vector<16xi32> to vector<16xi32>
    %ge3A_601 = arith.constant 0 : i32
    %ge3A_602 = vector.broadcast %ge3A_601 : i32 to vector<16xi32>
    %ge3A_603 = arith.cmpi sge, %get3A_600, %ge3A_602 : vector<16xi32>
    %get3A_604 = arith.constant 672 : index
    %get3A_605 = tpu.vector_load %arg6[%get3A_604] {strides = array<i32>} : memref<1024xi32, #tpu.memory_space<vmem>>, vector<16xi32>,
    %get3A_606 = vector.shape_cast %get3A_605 : vector<16xi32> to vector<16xi32>
    %select_n3A_607 = arith.select %ge3A_603, %get3A_600, %get3A_606 : vector<16xi1>, vector<16xi32>
    %swap3A_608 = arith.constant 672 : index
    %swap3A_609 = tpu.vector_load %arg6[%swap3A_608] {strides = array<i32>} : memref<1024xi32, #tpu.memory_space<vmem>>, vector<16xi32>,
    %swap3A_610 = vector.shape_cast %swap3A_609 : vector<16xi32> to vector<16xi32>
    %swap3A_611 = vector.shape_cast %select_n3A_607 : vector<16xi32> to vector<16xi32>
    tpu.vector_store %arg6[%swap3A_608], %swap3A_611 {strides = array<i32>} : memref<1024xi32, #tpu.memory_space<vmem>>, vector<16xi32>,
    %get3A_612 = arith.constant 688 : index
    %get3A_613 = tpu.vector_load %arg7[%get3A_612] {strides = array<i32>} : memref<1024xi32, #tpu.memory_space<vmem>>, vector<16xi32>,
    %get3A_614 = vector.shape_cast %get3A_613 : vector<16xi32> to vector<16xi32>
    %ge3A_615 = arith.constant 0 : i32
    %ge3A_616 = vector.broadcast %ge3A_615 : i32 to vector<16xi32>
    %ge3A_617 = arith.cmpi sge, %get3A_614, %ge3A_616 : vector<16xi32>
    %get3A_618 = arith.constant 688 : index
    %get3A_619 = tpu.vector_load %arg6[%get3A_618] {strides = array<i32>} : memref<1024xi32, #tpu.memory_space<vmem>>, vector<16xi32>,
    %get3A_620 = vector.shape_cast %get3A_619 : vector<16xi32> to vector<16xi32>
    %select_n3A_621 = arith.select %ge3A_617, %get3A_614, %get3A_620 : vector<16xi1>, vector<16xi32>
    %swap3A_622 = arith.constant 688 : index
    %swap3A_623 = tpu.vector_load %arg6[%swap3A_622] {strides = array<i32>} : memref<1024xi32, #tpu.memory_space<vmem>>, vector<16xi32>,
    %swap3A_624 = vector.shape_cast %swap3A_623 : vector<16xi32> to vector<16xi32>
    %swap3A_625 = vector.shape_cast %select_n3A_621 : vector<16xi32> to vector<16xi32>
    tpu.vector_store %arg6[%swap3A_622], %swap3A_625 {strides = array<i32>} : memref<1024xi32, #tpu.memory_space<vmem>>, vector<16xi32>,
    %get3A_626 = arith.constant 704 : index
    %get3A_627 = tpu.vector_load %arg7[%get3A_626] {strides = array<i32>} : memref<1024xi32, #tpu.memory_space<vmem>>, vector<16xi32>,
    %get3A_628 = vector.shape_cast %get3A_627 : vector<16xi32> to vector<16xi32>
    %ge3A_629 = arith.constant 0 : i32
    %ge3A_630 = vector.broadcast %ge3A_629 : i32 to vector<16xi32>
    %ge3A_631 = arith.cmpi sge, %get3A_628, %ge3A_630 : vector<16xi32>
    %get3A_632 = arith.constant 704 : index
    %get3A_633 = tpu.vector_load %arg6[%get3A_632] {strides = array<i32>} : memref<1024xi32, #tpu.memory_space<vmem>>, vector<16xi32>,
    %get3A_634 = vector.shape_cast %get3A_633 : vector<16xi32> to vector<16xi32>
    %select_n3A_635 = arith.select %ge3A_631, %get3A_628, %get3A_634 : vector<16xi1>, vector<16xi32>
    %swap3A_636 = arith.constant 704 : index
    %swap3A_637 = tpu.vector_load %arg6[%swap3A_636] {strides = array<i32>} : memref<1024xi32, #tpu.memory_space<vmem>>, vector<16xi32>,
    %swap3A_638 = vector.shape_cast %swap3A_637 : vector<16xi32> to vector<16xi32>
    %swap3A_639 = vector.shape_cast %select_n3A_635 : vector<16xi32> to vector<16xi32>
    tpu.vector_store %arg6[%swap3A_636], %swap3A_639 {strides = array<i32>} : memref<1024xi32, #tpu.memory_space<vmem>>, vector<16xi32>,
    %get3A_640 = arith.constant 720 : index
    %get3A_641 = tpu.vector_load %arg7[%get3A_640] {strides = array<i32>} : memref<1024xi32, #tpu.memory_space<vmem>>, vector<16xi32>,
    %get3A_642 = vector.shape_cast %get3A_641 : vector<16xi32> to vector<16xi32>
    %ge3A_643 = arith.constant 0 : i32
    %ge3A_644 = vector.broadcast %ge3A_643 : i32 to vector<16xi32>
    %ge3A_645 = arith.cmpi sge, %get3A_642, %ge3A_644 : vector<16xi32>
    %get3A_646 = arith.constant 720 : index
    %get3A_647 = tpu.vector_load %arg6[%get3A_646] {strides = array<i32>} : memref<1024xi32, #tpu.memory_space<vmem>>, vector<16xi32>,
    %get3A_648 = vector.shape_cast %get3A_647 : vector<16xi32> to vector<16xi32>
    %select_n3A_649 = arith.select %ge3A_645, %get3A_642, %get3A_648 : vector<16xi1>, vector<16xi32>
    %swap3A_650 = arith.constant 720 : index
    %swap3A_651 = tpu.vector_load %arg6[%swap3A_650] {strides = array<i32>} : memref<1024xi32, #tpu.memory_space<vmem>>, vector<16xi32>,
    %swap3A_652 = vector.shape_cast %swap3A_651 : vector<16xi32> to vector<16xi32>
    %swap3A_653 = vector.shape_cast %select_n3A_649 : vector<16xi32> to vector<16xi32>
    tpu.vector_store %arg6[%swap3A_650], %swap3A_653 {strides = array<i32>} : memref<1024xi32, #tpu.memory_space<vmem>>, vector<16xi32>,
    %get3A_654 = arith.constant 736 : index
    %get3A_655 = tpu.vector_load %arg7[%get3A_654] {strides = array<i32>} : memref<1024xi32, #tpu.memory_space<vmem>>, vector<16xi32>,
    %get3A_656 = vector.shape_cast %get3A_655 : vector<16xi32> to vector<16xi32>
    %ge3A_657 = arith.constant 0 : i32
    %ge3A_658 = vector.broadcast %ge3A_657 : i32 to vector<16xi32>
    %ge3A_659 = arith.cmpi sge, %get3A_656, %ge3A_658 : vector<16xi32>
    %get3A_660 = arith.constant 736 : index
    %get3A_661 = tpu.vector_load %arg6[%get3A_660] {strides = array<i32>} : memref<1024xi32, #tpu.memory_space<vmem>>, vector<16xi32>,
    %get3A_662 = vector.shape_cast %get3A_661 : vector<16xi32> to vector<16xi32>
    %select_n3A_663 = arith.select %ge3A_659, %get3A_656, %get3A_662 : vector<16xi1>, vector<16xi32>
    %swap3A_664 = arith.constant 736 : index
    %swap3A_665 = tpu.vector_load %arg6[%swap3A_664] {strides = array<i32>} : memref<1024xi32, #tpu.memory_space<vmem>>, vector<16xi32>,
    %swap3A_666 = vector.shape_cast %swap3A_665 : vector<16xi32> to vector<16xi32>
    %swap3A_667 = vector.shape_cast %select_n3A_663 : vector<16xi32> to vector<16xi32>
    tpu.vector_store %arg6[%swap3A_664], %swap3A_667 {strides = array<i32>} : memref<1024xi32, #tpu.memory_space<vmem>>, vector<16xi32>,
    %get3A_668 = arith.constant 752 : index
    %get3A_669 = tpu.vector_load %arg7[%get3A_668] {strides = array<i32>} : memref<1024xi32, #tpu.memory_space<vmem>>, vector<16xi32>,
    %get3A_670 = vector.shape_cast %get3A_669 : vector<16xi32> to vector<16xi32>
    %ge3A_671 = arith.constant 0 : i32
    %ge3A_672 = vector.broadcast %ge3A_671 : i32 to vector<16xi32>
    %ge3A_673 = arith.cmpi sge, %get3A_670, %ge3A_672 : vector<16xi32>
    %get3A_674 = arith.constant 752 : index
    %get3A_675 = tpu.vector_load %arg6[%get3A_674] {strides = array<i32>} : memref<1024xi32, #tpu.memory_space<vmem>>, vector<16xi32>,
    %get3A_676 = vector.shape_cast %get3A_675 : vector<16xi32> to vector<16xi32>
    %select_n3A_677 = arith.select %ge3A_673, %get3A_670, %get3A_676 : vector<16xi1>, vector<16xi32>
    %swap3A_678 = arith.constant 752 : index
    %swap3A_679 = tpu.vector_load %arg6[%swap3A_678] {strides = array<i32>} : memref<1024xi32, #tpu.memory_space<vmem>>, vector<16xi32>,
    %swap3A_680 = vector.shape_cast %swap3A_679 : vector<16xi32> to vector<16xi32>
    %swap3A_681 = vector.shape_cast %select_n3A_677 : vector<16xi32> to vector<16xi32>
    tpu.vector_store %arg6[%swap3A_678], %swap3A_681 {strides = array<i32>} : memref<1024xi32, #tpu.memory_space<vmem>>, vector<16xi32>,
    %get3A_682 = arith.constant 768 : index
    %get3A_683 = tpu.vector_load %arg7[%get3A_682] {strides = array<i32>} : memref<1024xi32, #tpu.memory_space<vmem>>, vector<16xi32>,
    %get3A_684 = vector.shape_cast %get3A_683 : vector<16xi32> to vector<16xi32>
    %ge3A_685 = arith.constant 0 : i32
    %ge3A_686 = vector.broadcast %ge3A_685 : i32 to vector<16xi32>
    %ge3A_687 = arith.cmpi sge, %get3A_684, %ge3A_686 : vector<16xi32>
    %get3A_688 = arith.constant 768 : index
    %get3A_689 = tpu.vector_load %arg6[%get3A_688] {strides = array<i32>} : memref<1024xi32, #tpu.memory_space<vmem>>, vector<16xi32>,
    %get3A_690 = vector.shape_cast %get3A_689 : vector<16xi32> to vector<16xi32>
    %select_n3A_691 = arith.select %ge3A_687, %get3A_684, %get3A_690 : vector<16xi1>, vector<16xi32>
    %swap3A_692 = arith.constant 768 : index
    %swap3A_693 = tpu.vector_load %arg6[%swap3A_692] {strides = array<i32>} : memref<1024xi32, #tpu.memory_space<vmem>>, vector<16xi32>,
    %swap3A_694 = vector.shape_cast %swap3A_693 : vector<16xi32> to vector<16xi32>
    %swap3A_695 = vector.shape_cast %select_n3A_691 : vector<16xi32> to vector<16xi32>
    tpu.vector_store %arg6[%swap3A_692], %swap3A_695 {strides = array<i32>} : memref<1024xi32, #tpu.memory_space<vmem>>, vector<16xi32>,
    %get3A_696 = arith.constant 784 : index
    %get3A_697 = tpu.vector_load %arg7[%get3A_696] {strides = array<i32>} : memref<1024xi32, #tpu.memory_space<vmem>>, vector<16xi32>,
    %get3A_698 = vector.shape_cast %get3A_697 : vector<16xi32> to vector<16xi32>
    %ge3A_699 = arith.constant 0 : i32
    %ge3A_700 = vector.broadcast %ge3A_699 : i32 to vector<16xi32>
    %ge3A_701 = arith.cmpi sge, %get3A_698, %ge3A_700 : vector<16xi32>
    %get3A_702 = arith.constant 784 : index
    %get3A_703 = tpu.vector_load %arg6[%get3A_702] {strides = array<i32>} : memref<1024xi32, #tpu.memory_space<vmem>>, vector<16xi32>,
    %get3A_704 = vector.shape_cast %get3A_703 : vector<16xi32> to vector<16xi32>
    %select_n3A_705 = arith.select %ge3A_701, %get3A_698, %get3A_704 : vector<16xi1>, vector<16xi32>
    %swap3A_706 = arith.constant 784 : index
    %swap3A_707 = tpu.vector_load %arg6[%swap3A_706] {strides = array<i32>} : memref<1024xi32, #tpu.memory_space<vmem>>, vector<16xi32>,
    %swap3A_708 = vector.shape_cast %swap3A_707 : vector<16xi32> to vector<16xi32>
    %swap3A_709 = vector.shape_cast %select_n3A_705 : vector<16xi32> to vector<16xi32>
    tpu.vector_store %arg6[%swap3A_706], %swap3A_709 {strides = array<i32>} : memref<1024xi32, #tpu.memory_space<vmem>>, vector<16xi32>,
    %get3A_710 = arith.constant 800 : index
    %get3A_711 = tpu.vector_load %arg7[%get3A_710] {strides = array<i32>} : memref<1024xi32, #tpu.memory_space<vmem>>, vector<16xi32>,
    %get3A_712 = vector.shape_cast %get3A_711 : vector<16xi32> to vector<16xi32>
    %ge3A_713 = arith.constant 0 : i32
    %ge3A_714 = vector.broadcast %ge3A_713 : i32 to vector<16xi32>
    %ge3A_715 = arith.cmpi sge, %get3A_712, %ge3A_714 : vector<16xi32>
    %get3A_716 = arith.constant 800 : index
    %get3A_717 = tpu.vector_load %arg6[%get3A_716] {strides = array<i32>} : memref<1024xi32, #tpu.memory_space<vmem>>, vector<16xi32>,
    %get3A_718 = vector.shape_cast %get3A_717 : vector<16xi32> to vector<16xi32>
    %select_n3A_719 = arith.select %ge3A_715, %get3A_712, %get3A_718 : vector<16xi1>, vector<16xi32>
    %swap3A_720 = arith.constant 800 : index
    %swap3A_721 = tpu.vector_load %arg6[%swap3A_720] {strides = array<i32>} : memref<1024xi32, #tpu.memory_space<vmem>>, vector<16xi32>,
    %swap3A_722 = vector.shape_cast %swap3A_721 : vector<16xi32> to vector<16xi32>
    %swap3A_723 = vector.shape_cast %select_n3A_719 : vector<16xi32> to vector<16xi32>
    tpu.vector_store %arg6[%swap3A_720], %swap3A_723 {strides = array<i32>} : memref<1024xi32, #tpu.memory_space<vmem>>, vector<16xi32>,
    %get3A_724 = arith.constant 816 : index
    %get3A_725 = tpu.vector_load %arg7[%get3A_724] {strides = array<i32>} : memref<1024xi32, #tpu.memory_space<vmem>>, vector<16xi32>,
    %get3A_726 = vector.shape_cast %get3A_725 : vector<16xi32> to vector<16xi32>
    %ge3A_727 = arith.constant 0 : i32
    %ge3A_728 = vector.broadcast %ge3A_727 : i32 to vector<16xi32>
    %ge3A_729 = arith.cmpi sge, %get3A_726, %ge3A_728 : vector<16xi32>
    %get3A_730 = arith.constant 816 : index
    %get3A_731 = tpu.vector_load %arg6[%get3A_730] {strides = array<i32>} : memref<1024xi32, #tpu.memory_space<vmem>>, vector<16xi32>,
    %get3A_732 = vector.shape_cast %get3A_731 : vector<16xi32> to vector<16xi32>
    %select_n3A_733 = arith.select %ge3A_729, %get3A_726, %get3A_732 : vector<16xi1>, vector<16xi32>
    %swap3A_734 = arith.constant 816 : index
    %swap3A_735 = tpu.vector_load %arg6[%swap3A_734] {strides = array<i32>} : memref<1024xi32, #tpu.memory_space<vmem>>, vector<16xi32>,
    %swap3A_736 = vector.shape_cast %swap3A_735 : vector<16xi32> to vector<16xi32>
    %swap3A_737 = vector.shape_cast %select_n3A_733 : vector<16xi32> to vector<16xi32>
    tpu.vector_store %arg6[%swap3A_734], %swap3A_737 {strides = array<i32>} : memref<1024xi32, #tpu.memory_space<vmem>>, vector<16xi32>,
    %get3A_738 = arith.constant 832 : index
    %get3A_739 = tpu.vector_load %arg7[%get3A_738] {strides = array<i32>} : memref<1024xi32, #tpu.memory_space<vmem>>, vector<16xi32>,
    %get3A_740 = vector.shape_cast %get3A_739 : vector<16xi32> to vector<16xi32>
    %ge3A_741 = arith.constant 0 : i32
    %ge3A_742 = vector.broadcast %ge3A_741 : i32 to vector<16xi32>
    %ge3A_743 = arith.cmpi sge, %get3A_740, %ge3A_742 : vector<16xi32>
    %get3A_744 = arith.constant 832 : index
    %get3A_745 = tpu.vector_load %arg6[%get3A_744] {strides = array<i32>} : memref<1024xi32, #tpu.memory_space<vmem>>, vector<16xi32>,
    %get3A_746 = vector.shape_cast %get3A_745 : vector<16xi32> to vector<16xi32>
    %select_n3A_747 = arith.select %ge3A_743, %get3A_740, %get3A_746 : vector<16xi1>, vector<16xi32>
    %swap3A_748 = arith.constant 832 : index
    %swap3A_749 = tpu.vector_load %arg6[%swap3A_748] {strides = array<i32>} : memref<1024xi32, #tpu.memory_space<vmem>>, vector<16xi32>,
    %swap3A_750 = vector.shape_cast %swap3A_749 : vector<16xi32> to vector<16xi32>
    %swap3A_751 = vector.shape_cast %select_n3A_747 : vector<16xi32> to vector<16xi32>
    tpu.vector_store %arg6[%swap3A_748], %swap3A_751 {strides = array<i32>} : memref<1024xi32, #tpu.memory_space<vmem>>, vector<16xi32>,
    %get3A_752 = arith.constant 848 : index
    %get3A_753 = tpu.vector_load %arg7[%get3A_752] {strides = array<i32>} : memref<1024xi32, #tpu.memory_space<vmem>>, vector<16xi32>,
    %get3A_754 = vector.shape_cast %get3A_753 : vector<16xi32> to vector<16xi32>
    %ge3A_755 = arith.constant 0 : i32
    %ge3A_756 = vector.broadcast %ge3A_755 : i32 to vector<16xi32>
    %ge3A_757 = arith.cmpi sge, %get3A_754, %ge3A_756 : vector<16xi32>
    %get3A_758 = arith.constant 848 : index
    %get3A_759 = tpu.vector_load %arg6[%get3A_758] {strides = array<i32>} : memref<1024xi32, #tpu.memory_space<vmem>>, vector<16xi32>,
    %get3A_760 = vector.shape_cast %get3A_759 : vector<16xi32> to vector<16xi32>
    %select_n3A_761 = arith.select %ge3A_757, %get3A_754, %get3A_760 : vector<16xi1>, vector<16xi32>
    %swap3A_762 = arith.constant 848 : index
    %swap3A_763 = tpu.vector_load %arg6[%swap3A_762] {strides = array<i32>} : memref<1024xi32, #tpu.memory_space<vmem>>, vector<16xi32>,
    %swap3A_764 = vector.shape_cast %swap3A_763 : vector<16xi32> to vector<16xi32>
    %swap3A_765 = vector.shape_cast %select_n3A_761 : vector<16xi32> to vector<16xi32>
    tpu.vector_store %arg6[%swap3A_762], %swap3A_765 {strides = array<i32>} : memref<1024xi32, #tpu.memory_space<vmem>>, vector<16xi32>,
    %get3A_766 = arith.constant 864 : index
    %get3A_767 = tpu.vector_load %arg7[%get3A_766] {strides = array<i32>} : memref<1024xi32, #tpu.memory_space<vmem>>, vector<16xi32>,
    %get3A_768 = vector.shape_cast %get3A_767 : vector<16xi32> to vector<16xi32>
    %ge3A_769 = arith.constant 0 : i32
    %ge3A_770 = vector.broadcast %ge3A_769 : i32 to vector<16xi32>
    %ge3A_771 = arith.cmpi sge, %get3A_768, %ge3A_770 : vector<16xi32>
    %get3A_772 = arith.constant 864 : index
    %get3A_773 = tpu.vector_load %arg6[%get3A_772] {strides = array<i32>} : memref<1024xi32, #tpu.memory_space<vmem>>, vector<16xi32>,
    %get3A_774 = vector.shape_cast %get3A_773 : vector<16xi32> to vector<16xi32>
    %select_n3A_775 = arith.select %ge3A_771, %get3A_768, %get3A_774 : vector<16xi1>, vector<16xi32>
    %swap3A_776 = arith.constant 864 : index
    %swap3A_777 = tpu.vector_load %arg6[%swap3A_776] {strides = array<i32>} : memref<1024xi32, #tpu.memory_space<vmem>>, vector<16xi32>,
    %swap3A_778 = vector.shape_cast %swap3A_777 : vector<16xi32> to vector<16xi32>
    %swap3A_779 = vector.shape_cast %select_n3A_775 : vector<16xi32> to vector<16xi32>
    tpu.vector_store %arg6[%swap3A_776], %swap3A_779 {strides = array<i32>} : memref<1024xi32, #tpu.memory_space<vmem>>, vector<16xi32>,
    %get3A_780 = arith.constant 880 : index
    %get3A_781 = tpu.vector_load %arg7[%get3A_780] {strides = array<i32>} : memref<1024xi32, #tpu.memory_space<vmem>>, vector<16xi32>,
    %get3A_782 = vector.shape_cast %get3A_781 : vector<16xi32> to vector<16xi32>
    %ge3A_783 = arith.constant 0 : i32
    %ge3A_784 = vector.broadcast %ge3A_783 : i32 to vector<16xi32>
    %ge3A_785 = arith.cmpi sge, %get3A_782, %ge3A_784 : vector<16xi32>
    %get3A_786 = arith.constant 880 : index
    %get3A_787 = tpu.vector_load %arg6[%get3A_786] {strides = array<i32>} : memref<1024xi32, #tpu.memory_space<vmem>>, vector<16xi32>,
    %get3A_788 = vector.shape_cast %get3A_787 : vector<16xi32> to vector<16xi32>
    %select_n3A_789 = arith.select %ge3A_785, %get3A_782, %get3A_788 : vector<16xi1>, vector<16xi32>
    %swap3A_790 = arith.constant 880 : index
    %swap3A_791 = tpu.vector_load %arg6[%swap3A_790] {strides = array<i32>} : memref<1024xi32, #tpu.memory_space<vmem>>, vector<16xi32>,
    %swap3A_792 = vector.shape_cast %swap3A_791 : vector<16xi32> to vector<16xi32>
    %swap3A_793 = vector.shape_cast %select_n3A_789 : vector<16xi32> to vector<16xi32>
    tpu.vector_store %arg6[%swap3A_790], %swap3A_793 {strides = array<i32>} : memref<1024xi32, #tpu.memory_space<vmem>>, vector<16xi32>,
    %get3A_794 = arith.constant 896 : index
    %get3A_795 = tpu.vector_load %arg7[%get3A_794] {strides = array<i32>} : memref<1024xi32, #tpu.memory_space<vmem>>, vector<16xi32>,
    %get3A_796 = vector.shape_cast %get3A_795 : vector<16xi32> to vector<16xi32>
    %ge3A_797 = arith.constant 0 : i32
    %ge3A_798 = vector.broadcast %ge3A_797 : i32 to vector<16xi32>
    %ge3A_799 = arith.cmpi sge, %get3A_796, %ge3A_798 : vector<16xi32>
    %get3A_800 = arith.constant 896 : index
    %get3A_801 = tpu.vector_load %arg6[%get3A_800] {strides = array<i32>} : memref<1024xi32, #tpu.memory_space<vmem>>, vector<16xi32>,
    %get3A_802 = vector.shape_cast %get3A_801 : vector<16xi32> to vector<16xi32>
    %select_n3A_803 = arith.select %ge3A_799, %get3A_796, %get3A_802 : vector<16xi1>, vector<16xi32>
    %swap3A_804 = arith.constant 896 : index
    %swap3A_805 = tpu.vector_load %arg6[%swap3A_804] {strides = array<i32>} : memref<1024xi32, #tpu.memory_space<vmem>>, vector<16xi32>,
    %swap3A_806 = vector.shape_cast %swap3A_805 : vector<16xi32> to vector<16xi32>
    %swap3A_807 = vector.shape_cast %select_n3A_803 : vector<16xi32> to vector<16xi32>
    tpu.vector_store %arg6[%swap3A_804], %swap3A_807 {strides = array<i32>} : memref<1024xi32, #tpu.memory_space<vmem>>, vector<16xi32>,
    %get3A_808 = arith.constant 912 : index
    %get3A_809 = tpu.vector_load %arg7[%get3A_808] {strides = array<i32>} : memref<1024xi32, #tpu.memory_space<vmem>>, vector<16xi32>,
    %get3A_810 = vector.shape_cast %get3A_809 : vector<16xi32> to vector<16xi32>
    %ge3A_811 = arith.constant 0 : i32
    %ge3A_812 = vector.broadcast %ge3A_811 : i32 to vector<16xi32>
    %ge3A_813 = arith.cmpi sge, %get3A_810, %ge3A_812 : vector<16xi32>
    %get3A_814 = arith.constant 912 : index
    %get3A_815 = tpu.vector_load %arg6[%get3A_814] {strides = array<i32>} : memref<1024xi32, #tpu.memory_space<vmem>>, vector<16xi32>,
    %get3A_816 = vector.shape_cast %get3A_815 : vector<16xi32> to vector<16xi32>
    %select_n3A_817 = arith.select %ge3A_813, %get3A_810, %get3A_816 : vector<16xi1>, vector<16xi32>
    %swap3A_818 = arith.constant 912 : index
    %swap3A_819 = tpu.vector_load %arg6[%swap3A_818] {strides = array<i32>} : memref<1024xi32, #tpu.memory_space<vmem>>, vector<16xi32>,
    %swap3A_820 = vector.shape_cast %swap3A_819 : vector<16xi32> to vector<16xi32>
    %swap3A_821 = vector.shape_cast %select_n3A_817 : vector<16xi32> to vector<16xi32>
    tpu.vector_store %arg6[%swap3A_818], %swap3A_821 {strides = array<i32>} : memref<1024xi32, #tpu.memory_space<vmem>>, vector<16xi32>,
    %get3A_822 = arith.constant 928 : index
    %get3A_823 = tpu.vector_load %arg7[%get3A_822] {strides = array<i32>} : memref<1024xi32, #tpu.memory_space<vmem>>, vector<16xi32>,
    %get3A_824 = vector.shape_cast %get3A_823 : vector<16xi32> to vector<16xi32>
    %ge3A_825 = arith.constant 0 : i32
    %ge3A_826 = vector.broadcast %ge3A_825 : i32 to vector<16xi32>
    %ge3A_827 = arith.cmpi sge, %get3A_824, %ge3A_826 : vector<16xi32>
    %get3A_828 = arith.constant 928 : index
    %get3A_829 = tpu.vector_load %arg6[%get3A_828] {strides = array<i32>} : memref<1024xi32, #tpu.memory_space<vmem>>, vector<16xi32>,
    %get3A_830 = vector.shape_cast %get3A_829 : vector<16xi32> to vector<16xi32>
    %select_n3A_831 = arith.select %ge3A_827, %get3A_824, %get3A_830 : vector<16xi1>, vector<16xi32>
    %swap3A_832 = arith.constant 928 : index
    %swap3A_833 = tpu.vector_load %arg6[%swap3A_832] {strides = array<i32>} : memref<1024xi32, #tpu.memory_space<vmem>>, vector<16xi32>,
    %swap3A_834 = vector.shape_cast %swap3A_833 : vector<16xi32> to vector<16xi32>
    %swap3A_835 = vector.shape_cast %select_n3A_831 : vector<16xi32> to vector<16xi32>
    tpu.vector_store %arg6[%swap3A_832], %swap3A_835 {strides = array<i32>} : memref<1024xi32, #tpu.memory_space<vmem>>, vector<16xi32>,
    %get3A_836 = arith.constant 944 : index
    %get3A_837 = tpu.vector_load %arg7[%get3A_836] {strides = array<i32>} : memref<1024xi32, #tpu.memory_space<vmem>>, vector<16xi32>,
    %get3A_838 = vector.shape_cast %get3A_837 : vector<16xi32> to vector<16xi32>
    %ge3A_839 = arith.constant 0 : i32
    %ge3A_840 = vector.broadcast %ge3A_839 : i32 to vector<16xi32>
    %ge3A_841 = arith.cmpi sge, %get3A_838, %ge3A_840 : vector<16xi32>
    %get3A_842 = arith.constant 944 : index
    %get3A_843 = tpu.vector_load %arg6[%get3A_842] {strides = array<i32>} : memref<1024xi32, #tpu.memory_space<vmem>>, vector<16xi32>,
    %get3A_844 = vector.shape_cast %get3A_843 : vector<16xi32> to vector<16xi32>
    %select_n3A_845 = arith.select %ge3A_841, %get3A_838, %get3A_844 : vector<16xi1>, vector<16xi32>
    %swap3A_846 = arith.constant 944 : index
    %swap3A_847 = tpu.vector_load %arg6[%swap3A_846] {strides = array<i32>} : memref<1024xi32, #tpu.memory_space<vmem>>, vector<16xi32>,
    %swap3A_848 = vector.shape_cast %swap3A_847 : vector<16xi32> to vector<16xi32>
    %swap3A_849 = vector.shape_cast %select_n3A_845 : vector<16xi32> to vector<16xi32>
    tpu.vector_store %arg6[%swap3A_846], %swap3A_849 {strides = array<i32>} : memref<1024xi32, #tpu.memory_space<vmem>>, vector<16xi32>,
    %get3A_850 = arith.constant 960 : index
    %get3A_851 = tpu.vector_load %arg7[%get3A_850] {strides = array<i32>} : memref<1024xi32, #tpu.memory_space<vmem>>, vector<16xi32>,
    %get3A_852 = vector.shape_cast %get3A_851 : vector<16xi32> to vector<16xi32>
    %ge3A_853 = arith.constant 0 : i32
    %ge3A_854 = vector.broadcast %ge3A_853 : i32 to vector<16xi32>
    %ge3A_855 = arith.cmpi sge, %get3A_852, %ge3A_854 : vector<16xi32>
    %get3A_856 = arith.constant 960 : index
    %get3A_857 = tpu.vector_load %arg6[%get3A_856] {strides = array<i32>} : memref<1024xi32, #tpu.memory_space<vmem>>, vector<16xi32>,
    %get3A_858 = vector.shape_cast %get3A_857 : vector<16xi32> to vector<16xi32>
    %select_n3A_859 = arith.select %ge3A_855, %get3A_852, %get3A_858 : vector<16xi1>, vector<16xi32>
    %swap3A_860 = arith.constant 960 : index
    %swap3A_861 = tpu.vector_load %arg6[%swap3A_860] {strides = array<i32>} : memref<1024xi32, #tpu.memory_space<vmem>>, vector<16xi32>,
    %swap3A_862 = vector.shape_cast %swap3A_861 : vector<16xi32> to vector<16xi32>
    %swap3A_863 = vector.shape_cast %select_n3A_859 : vector<16xi32> to vector<16xi32>
    tpu.vector_store %arg6[%swap3A_860], %swap3A_863 {strides = array<i32>} : memref<1024xi32, #tpu.memory_space<vmem>>, vector<16xi32>,
    %get3A_864 = arith.constant 976 : index
    %get3A_865 = tpu.vector_load %arg7[%get3A_864] {strides = array<i32>} : memref<1024xi32, #tpu.memory_space<vmem>>, vector<16xi32>,
    %get3A_866 = vector.shape_cast %get3A_865 : vector<16xi32> to vector<16xi32>
    %ge3A_867 = arith.constant 0 : i32
    %ge3A_868 = vector.broadcast %ge3A_867 : i32 to vector<16xi32>
    %ge3A_869 = arith.cmpi sge, %get3A_866, %ge3A_868 : vector<16xi32>
    %get3A_870 = arith.constant 976 : index
    %get3A_871 = tpu.vector_load %arg6[%get3A_870] {strides = array<i32>} : memref<1024xi32, #tpu.memory_space<vmem>>, vector<16xi32>,
    %get3A_872 = vector.shape_cast %get3A_871 : vector<16xi32> to vector<16xi32>
    %select_n3A_873 = arith.select %ge3A_869, %get3A_866, %get3A_872 : vector<16xi1>, vector<16xi32>
    %swap3A_874 = arith.constant 976 : index
    %swap3A_875 = tpu.vector_load %arg6[%swap3A_874] {strides = array<i32>} : memref<1024xi32, #tpu.memory_space<vmem>>, vector<16xi32>,
    %swap3A_876 = vector.shape_cast %swap3A_875 : vector<16xi32> to vector<16xi32>
    %swap3A_877 = vector.shape_cast %select_n3A_873 : vector<16xi32> to vector<16xi32>
    tpu.vector_store %arg6[%swap3A_874], %swap3A_877 {strides = array<i32>} : memref<1024xi32, #tpu.memory_space<vmem>>, vector<16xi32>,
    %get3A_878 = arith.constant 992 : index
    %get3A_879 = tpu.vector_load %arg7[%get3A_878] {strides = array<i32>} : memref<1024xi32, #tpu.memory_space<vmem>>, vector<16xi32>,
    %get3A_880 = vector.shape_cast %get3A_879 : vector<16xi32> to vector<16xi32>
    %ge3A_881 = arith.constant 0 : i32
    %ge3A_882 = vector.broadcast %ge3A_881 : i32 to vector<16xi32>
    %ge3A_883 = arith.cmpi sge, %get3A_880, %ge3A_882 : vector<16xi32>
    %get3A_884 = arith.constant 992 : index
    %get3A_885 = tpu.vector_load %arg6[%get3A_884] {strides = array<i32>} : memref<1024xi32, #tpu.memory_space<vmem>>, vector<16xi32>,
    %get3A_886 = vector.shape_cast %get3A_885 : vector<16xi32> to vector<16xi32>
    %select_n3A_887 = arith.select %ge3A_883, %get3A_880, %get3A_886 : vector<16xi1>, vector<16xi32>
    %swap3A_888 = arith.constant 992 : index
    %swap3A_889 = tpu.vector_load %arg6[%swap3A_888] {strides = array<i32>} : memref<1024xi32, #tpu.memory_space<vmem>>, vector<16xi32>,
    %swap3A_890 = vector.shape_cast %swap3A_889 : vector<16xi32> to vector<16xi32>
    %swap3A_891 = vector.shape_cast %select_n3A_887 : vector<16xi32> to vector<16xi32>
    tpu.vector_store %arg6[%swap3A_888], %swap3A_891 {strides = array<i32>} : memref<1024xi32, #tpu.memory_space<vmem>>, vector<16xi32>,
    %get3A_892 = arith.constant 1008 : index
    %get3A_893 = tpu.vector_load %arg7[%get3A_892] {strides = array<i32>} : memref<1024xi32, #tpu.memory_space<vmem>>, vector<16xi32>,
    %get3A_894 = vector.shape_cast %get3A_893 : vector<16xi32> to vector<16xi32>
    %ge3A_895 = arith.constant 0 : i32
    %ge3A_896 = vector.broadcast %ge3A_895 : i32 to vector<16xi32>
    %ge3A_897 = arith.cmpi sge, %get3A_894, %ge3A_896 : vector<16xi32>
    %get3A_898 = arith.constant 1008 : index
    %get3A_899 = tpu.vector_load %arg6[%get3A_898] {strides = array<i32>} : memref<1024xi32, #tpu.memory_space<vmem>>, vector<16xi32>,
    %get3A_900 = vector.shape_cast %get3A_899 : vector<16xi32> to vector<16xi32>
    %select_n3A_901 = arith.select %ge3A_897, %get3A_894, %get3A_900 : vector<16xi1>, vector<16xi32>
    %swap3A_902 = arith.constant 1008 : index
    %swap3A_903 = tpu.vector_load %arg6[%swap3A_902] {strides = array<i32>} : memref<1024xi32, #tpu.memory_space<vmem>>, vector<16xi32>,
    %swap3A_904 = vector.shape_cast %swap3A_903 : vector<16xi32> to vector<16xi32>
    %swap3A_905 = vector.shape_cast %select_n3A_901 : vector<16xi32> to vector<16xi32>
    tpu.vector_store %arg6[%swap3A_902], %swap3A_905 {strides = array<i32>} : memref<1024xi32, #tpu.memory_space<vmem>>, vector<16xi32>,
    %dma_start3A_906 = arith.constant 0 : i32
    %dma_start3A_907 = tpu.memref_slice %arg6[%dma_start3A_906] : memref<1024xi32, #tpu.memory_space<vmem>> -> memref<64xi32, #tpu.memory_space<vmem>>
    %dma_start3A_908 = arith.constant 0 : i32
    %dma_start3A_909 = arith.constant 0 : i32
    %dma_start3A_910 = tpu.memref_slice %arg4[%dma_start3A_908, %dma_start3A_909] : memref<365x256xf32, #tpu.memory_space<hbm>> -> memref<365x256xf32, #tpu.memory_space<hbm>>
    tpu.enqueue_indirect_dma source(%dma_start3A_910 : memref<365x256xf32, #tpu.memory_space<hbm>>) target(%arg8 : memref<64x256xf32, #tpu.memory_space<vmem>>) offsets(%dma_start3A_907 : memref<64xi32, #tpu.memory_space<vmem>>) semaphore(%arg12 : memref<!tpu.dma_semaphore, #tpu.memory_space<semaphore_mem>>)
    %dma_start3A_911 = arith.constant 64 : i32
    %dma_start3A_912 = tpu.memref_slice %arg6[%dma_start3A_911] : memref<1024xi32, #tpu.memory_space<vmem>> -> memref<64xi32, #tpu.memory_space<vmem>>
    %dma_start3A_913 = arith.constant 0 : i32
    %dma_start3A_914 = arith.constant 0 : i32
    %dma_start3A_915 = tpu.memref_slice %arg4[%dma_start3A_913, %dma_start3A_914] : memref<365x256xf32, #tpu.memory_space<hbm>> -> memref<365x256xf32, #tpu.memory_space<hbm>>
    tpu.enqueue_indirect_dma source(%dma_start3A_915 : memref<365x256xf32, #tpu.memory_space<hbm>>) target(%arg9 : memref<64x256xf32, #tpu.memory_space<vmem>>) offsets(%dma_start3A_912 : memref<64xi32, #tpu.memory_space<vmem>>) semaphore(%arg13 : memref<!tpu.dma_semaphore, #tpu.memory_space<semaphore_mem>>)
    %dma_start3A_916 = arith.constant 128 : i32
    %dma_start3A_917 = tpu.memref_slice %arg6[%dma_start3A_916] : memref<1024xi32, #tpu.memory_space<vmem>> -> memref<64xi32, #tpu.memory_space<vmem>>
    %dma_start3A_918 = arith.constant 0 : i32
    %dma_start3A_919 = arith.constant 0 : i32
    %dma_start3A_920 = tpu.memref_slice %arg4[%dma_start3A_918, %dma_start3A_919] : memref<365x256xf32, #tpu.memory_space<hbm>> -> memref<365x256xf32, #tpu.memory_space<hbm>>
    tpu.enqueue_indirect_dma source(%dma_start3A_920 : memref<365x256xf32, #tpu.memory_space<hbm>>) target(%arg10 : memref<64x256xf32, #tpu.memory_space<vmem>>) offsets(%dma_start3A_917 : memref<64xi32, #tpu.memory_space<vmem>>) semaphore(%arg14 : memref<!tpu.dma_semaphore, #tpu.memory_space<semaphore_mem>>)
    %dma_start3A_921 = arith.constant 192 : i32
    %dma_start3A_922 = tpu.memref_slice %arg6[%dma_start3A_921] : memref<1024xi32, #tpu.memory_space<vmem>> -> memref<64xi32, #tpu.memory_space<vmem>>
    %dma_start3A_923 = arith.constant 0 : i32
    %dma_start3A_924 = arith.constant 0 : i32
    %dma_start3A_925 = tpu.memref_slice %arg4[%dma_start3A_923, %dma_start3A_924] : memref<365x256xf32, #tpu.memory_space<hbm>> -> memref<365x256xf32, #tpu.memory_space<hbm>>
    tpu.enqueue_indirect_dma source(%dma_start3A_925 : memref<365x256xf32, #tpu.memory_space<hbm>>) target(%arg11 : memref<64x256xf32, #tpu.memory_space<vmem>>) offsets(%dma_start3A_922 : memref<64xi32, #tpu.memory_space<vmem>>) semaphore(%arg15 : memref<!tpu.dma_semaphore, #tpu.memory_space<semaphore_mem>>)
    %dma_wait3A_926 = arith.constant 0 : i32
    %dma_wait3A_927 = tpu.memref_slice %arg6[%dma_wait3A_926] : memref<1024xi32, #tpu.memory_space<vmem>> -> memref<64xi32, #tpu.memory_space<vmem>>
    %dma_wait3A_928 = arith.constant 0 : i32
    %dma_wait3A_929 = arith.constant 0 : i32
    %dma_wait3A_930 = tpu.memref_slice %arg4[%dma_wait3A_928, %dma_wait3A_929] : memref<365x256xf32, #tpu.memory_space<hbm>> -> memref<365x256xf32, #tpu.memory_space<hbm>>
    tpu.wait_indirect_dma semaphore(%arg12 : memref<!tpu.dma_semaphore, #tpu.memory_space<semaphore_mem>>) src(%dma_wait3A_930 : memref<365x256xf32, #tpu.memory_space<hbm>>) dst(%arg8 : memref<64x256xf32, #tpu.memory_space<vmem>>)
    %add3A_931 = arith.constant 0 : i32
    %add3A_932 = arith.addi %add3A_4, %add3A_931 : i32
    %dma_start3A_933 = arith.constant 0 : i32
    %dma_start3A_934 = arith.constant 0 : i32
    %dma_start3A_935 = tpu.memref_slice %arg5[%add3A_932, %dma_start3A_933, %dma_start3A_934] : memref<500x64x256xf32, #tpu.memory_space<hbm>> -> memref<1x64x256xf32, #tpu.memory_space<hbm>>
    %dma_start3A_936 = tpu.memref_squeeze %dma_start3A_935 : memref<1x64x256xf32, #tpu.memory_space<hbm>> -> memref<64x256xf32, #tpu.memory_space<hbm>>
    %dma_start3A_937 = arith.constant 0 : i32
    %dma_start3A_938 = arith.constant 0 : i32
    %dma_start3A_939 = tpu.memref_slice %arg5[%add3A_932, %dma_start3A_937, %dma_start3A_938] : memref<500x64x256xf32, #tpu.memory_space<hbm>> -> memref<1x64x256xf32, #tpu.memory_space<hbm>>
    %dma_start3A_940 = tpu.memref_squeeze %dma_start3A_939 : memref<1x64x256xf32, #tpu.memory_space<hbm>> -> memref<64x256xf32, #tpu.memory_space<hbm>>
    tpu.enqueue_dma source(%arg8 : memref<64x256xf32, #tpu.memory_space<vmem>>) target(%dma_start3A_940 : memref<64x256xf32, #tpu.memory_space<hbm>>) target_semaphore(%arg16 : memref<!tpu.dma_semaphore, #tpu.memory_space<semaphore_mem>>)
    %dma_wait3A_941 = arith.constant 0 : i32
    %dma_wait3A_942 = arith.constant 0 : i32
    %dma_wait3A_943 = tpu.memref_slice %arg5[%add3A_932, %dma_wait3A_941, %dma_wait3A_942] : memref<500x64x256xf32, #tpu.memory_space<hbm>> -> memref<1x64x256xf32, #tpu.memory_space<hbm>>
    %dma_wait3A_944 = tpu.memref_squeeze %dma_wait3A_943 : memref<1x64x256xf32, #tpu.memory_space<hbm>> -> memref<64x256xf32, #tpu.memory_space<hbm>>
    %dma_wait3A_945 = arith.constant 0 : i32
    %dma_wait3A_946 = arith.constant 0 : i32
    %dma_wait3A_947 = tpu.memref_slice %arg5[%add3A_932, %dma_wait3A_945, %dma_wait3A_946] : memref<500x64x256xf32, #tpu.memory_space<hbm>> -> memref<1x64x256xf32, #tpu.memory_space<hbm>>
    %dma_wait3A_948 = tpu.memref_squeeze %dma_wait3A_947 : memref<1x64x256xf32, #tpu.memory_space<hbm>> -> memref<64x256xf32, #tpu.memory_space<hbm>>
    tpu.wait_dma2 semaphore(%arg16 : memref<!tpu.dma_semaphore, #tpu.memory_space<semaphore_mem>>) src(%arg8 : memref<64x256xf32, #tpu.memory_space<vmem>>) dst(%dma_wait3A_948 : memref<64x256xf32, #tpu.memory_space<hbm>>)
    %dma_start3A_949 = arith.constant 256 : i32
    %dma_start3A_950 = tpu.memref_slice %arg6[%dma_start3A_949] : memref<1024xi32, #tpu.memory_space<vmem>> -> memref<64xi32, #tpu.memory_space<vmem>>
    %dma_start3A_951 = arith.constant 0 : i32
    %dma_start3A_952 = arith.constant 0 : i32
    %dma_start3A_953 = tpu.memref_slice %arg4[%dma_start3A_951, %dma_start3A_952] : memref<365x256xf32, #tpu.memory_space<hbm>> -> memref<365x256xf32, #tpu.memory_space<hbm>>
    tpu.enqueue_indirect_dma source(%dma_start3A_953 : memref<365x256xf32, #tpu.memory_space<hbm>>) target(%arg8 : memref<64x256xf32, #tpu.memory_space<vmem>>) offsets(%dma_start3A_950 : memref<64xi32, #tpu.memory_space<vmem>>) semaphore(%arg12 : memref<!tpu.dma_semaphore, #tpu.memory_space<semaphore_mem>>)
    %dma_wait3A_954 = arith.constant 64 : i32
    %dma_wait3A_955 = tpu.memref_slice %arg6[%dma_wait3A_954] : memref<1024xi32, #tpu.memory_space<vmem>> -> memref<64xi32, #tpu.memory_space<vmem>>
    %dma_wait3A_956 = arith.constant 0 : i32
    %dma_wait3A_957 = arith.constant 0 : i32
    %dma_wait3A_958 = tpu.memref_slice %arg4[%dma_wait3A_956, %dma_wait3A_957] : memref<365x256xf32, #tpu.memory_space<hbm>> -> memref<365x256xf32, #tpu.memory_space<hbm>>
    tpu.wait_indirect_dma semaphore(%arg13 : memref<!tpu.dma_semaphore, #tpu.memory_space<semaphore_mem>>) src(%dma_wait3A_958 : memref<365x256xf32, #tpu.memory_space<hbm>>) dst(%arg9 : memref<64x256xf32, #tpu.memory_space<vmem>>)
    %add3A_959 = arith.constant 1 : i32
    %add3A_960 = arith.addi %add3A_4, %add3A_959 : i32
    %dma_start3A_961 = arith.constant 0 : i32
    %dma_start3A_962 = arith.constant 0 : i32
    %dma_start3A_963 = tpu.memref_slice %arg5[%add3A_960, %dma_start3A_961, %dma_start3A_962] : memref<500x64x256xf32, #tpu.memory_space<hbm>> -> memref<1x64x256xf32, #tpu.memory_space<hbm>>
    %dma_start3A_964 = tpu.memref_squeeze %dma_start3A_963 : memref<1x64x256xf32, #tpu.memory_space<hbm>> -> memref<64x256xf32, #tpu.memory_space<hbm>>
    %dma_start3A_965 = arith.constant 0 : i32
    %dma_start3A_966 = arith.constant 0 : i32
    %dma_start3A_967 = tpu.memref_slice %arg5[%add3A_960, %dma_start3A_965, %dma_start3A_966] : memref<500x64x256xf32, #tpu.memory_space<hbm>> -> memref<1x64x256xf32, #tpu.memory_space<hbm>>
    %dma_start3A_968 = tpu.memref_squeeze %dma_start3A_967 : memref<1x64x256xf32, #tpu.memory_space<hbm>> -> memref<64x256xf32, #tpu.memory_space<hbm>>
    tpu.enqueue_dma source(%arg9 : memref<64x256xf32, #tpu.memory_space<vmem>>) target(%dma_start3A_968 : memref<64x256xf32, #tpu.memory_space<hbm>>) target_semaphore(%arg17 : memref<!tpu.dma_semaphore, #tpu.memory_space<semaphore_mem>>)
    %dma_wait3A_969 = arith.constant 0 : i32
    %dma_wait3A_970 = arith.constant 0 : i32
    %dma_wait3A_971 = tpu.memref_slice %arg5[%add3A_960, %dma_wait3A_969, %dma_wait3A_970] : memref<500x64x256xf32, #tpu.memory_space<hbm>> -> memref<1x64x256xf32, #tpu.memory_space<hbm>>
    %dma_wait3A_972 = tpu.memref_squeeze %dma_wait3A_971 : memref<1x64x256xf32, #tpu.memory_space<hbm>> -> memref<64x256xf32, #tpu.memory_space<hbm>>
    %dma_wait3A_973 = arith.constant 0 : i32
    %dma_wait3A_974 = arith.constant 0 : i32
    %dma_wait3A_975 = tpu.memref_slice %arg5[%add3A_960, %dma_wait3A_973, %dma_wait3A_974] : memref<500x64x256xf32, #tpu.memory_space<hbm>> -> memref<1x64x256xf32, #tpu.memory_space<hbm>>
    %dma_wait3A_976 = tpu.memref_squeeze %dma_wait3A_975 : memref<1x64x256xf32, #tpu.memory_space<hbm>> -> memref<64x256xf32, #tpu.memory_space<hbm>>
    tpu.wait_dma2 semaphore(%arg17 : memref<!tpu.dma_semaphore, #tpu.memory_space<semaphore_mem>>) src(%arg9 : memref<64x256xf32, #tpu.memory_space<vmem>>) dst(%dma_wait3A_976 : memref<64x256xf32, #tpu.memory_space<hbm>>)
    %dma_start3A_977 = arith.constant 320 : i32
    %dma_start3A_978 = tpu.memref_slice %arg6[%dma_start3A_977] : memref<1024xi32, #tpu.memory_space<vmem>> -> memref<64xi32, #tpu.memory_space<vmem>>
    %dma_start3A_979 = arith.constant 0 : i32
    %dma_start3A_980 = arith.constant 0 : i32
    %dma_start3A_981 = tpu.memref_slice %arg4[%dma_start3A_979, %dma_start3A_980] : memref<365x256xf32, #tpu.memory_space<hbm>> -> memref<365x256xf32, #tpu.memory_space<hbm>>
    tpu.enqueue_indirect_dma source(%dma_start3A_981 : memref<365x256xf32, #tpu.memory_space<hbm>>) target(%arg9 : memref<64x256xf32, #tpu.memory_space<vmem>>) offsets(%dma_start3A_978 : memref<64xi32, #tpu.memory_space<vmem>>) semaphore(%arg13 : memref<!tpu.dma_semaphore, #tpu.memory_space<semaphore_mem>>)
    %dma_wait3A_982 = arith.constant 128 : i32
    %dma_wait3A_983 = tpu.memref_slice %arg6[%dma_wait3A_982] : memref<1024xi32, #tpu.memory_space<vmem>> -> memref<64xi32, #tpu.memory_space<vmem>>
    %dma_wait3A_984 = arith.constant 0 : i32
    %dma_wait3A_985 = arith.constant 0 : i32
    %dma_wait3A_986 = tpu.memref_slice %arg4[%dma_wait3A_984, %dma_wait3A_985] : memref<365x256xf32, #tpu.memory_space<hbm>> -> memref<365x256xf32, #tpu.memory_space<hbm>>
    tpu.wait_indirect_dma semaphore(%arg14 : memref<!tpu.dma_semaphore, #tpu.memory_space<semaphore_mem>>) src(%dma_wait3A_986 : memref<365x256xf32, #tpu.memory_space<hbm>>) dst(%arg10 : memref<64x256xf32, #tpu.memory_space<vmem>>)
    %add3A_987 = arith.constant 2 : i32
    %add3A_988 = arith.addi %add3A_4, %add3A_987 : i32
    %dma_start3A_989 = arith.constant 0 : i32
    %dma_start3A_990 = arith.constant 0 : i32
    %dma_start3A_991 = tpu.memref_slice %arg5[%add3A_988, %dma_start3A_989, %dma_start3A_990] : memref<500x64x256xf32, #tpu.memory_space<hbm>> -> memref<1x64x256xf32, #tpu.memory_space<hbm>>
    %dma_start3A_992 = tpu.memref_squeeze %dma_start3A_991 : memref<1x64x256xf32, #tpu.memory_space<hbm>> -> memref<64x256xf32, #tpu.memory_space<hbm>>
    %dma_start3A_993 = arith.constant 0 : i32
    %dma_start3A_994 = arith.constant 0 : i32
    %dma_start3A_995 = tpu.memref_slice %arg5[%add3A_988, %dma_start3A_993, %dma_start3A_994] : memref<500x64x256xf32, #tpu.memory_space<hbm>> -> memref<1x64x256xf32, #tpu.memory_space<hbm>>
    %dma_start3A_996 = tpu.memref_squeeze %dma_start3A_995 : memref<1x64x256xf32, #tpu.memory_space<hbm>> -> memref<64x256xf32, #tpu.memory_space<hbm>>
    tpu.enqueue_dma source(%arg10 : memref<64x256xf32, #tpu.memory_space<vmem>>) target(%dma_start3A_996 : memref<64x256xf32, #tpu.memory_space<hbm>>) target_semaphore(%arg18 : memref<!tpu.dma_semaphore, #tpu.memory_space<semaphore_mem>>)
    %dma_wait3A_997 = arith.constant 0 : i32
    %dma_wait3A_998 = arith.constant 0 : i32
    %dma_wait3A_999 = tpu.memref_slice %arg5[%add3A_988, %dma_wait3A_997, %dma_wait3A_998] : memref<500x64x256xf32, #tpu.memory_space<hbm>> -> memref<1x64x256xf32, #tpu.memory_space<hbm>>
    %dma_wait3A_1000 = tpu.memref_squeeze %dma_wait3A_999 : memref<1x64x256xf32, #tpu.memory_space<hbm>> -> memref<64x256xf32, #tpu.memory_space<hbm>>
    %dma_wait3A_1001 = arith.constant 0 : i32
    %dma_wait3A_1002 = arith.constant 0 : i32
    %dma_wait3A_1003 = tpu.memref_slice %arg5[%add3A_988, %dma_wait3A_1001, %dma_wait3A_1002] : memref<500x64x256xf32, #tpu.memory_space<hbm>> -> memref<1x64x256xf32, #tpu.memory_space<hbm>>
    %dma_wait3A_1004 = tpu.memref_squeeze %dma_wait3A_1003 : memref<1x64x256xf32, #tpu.memory_space<hbm>> -> memref<64x256xf32, #tpu.memory_space<hbm>>
    tpu.wait_dma2 semaphore(%arg18 : memref<!tpu.dma_semaphore, #tpu.memory_space<semaphore_mem>>) src(%arg10 : memref<64x256xf32, #tpu.memory_space<vmem>>) dst(%dma_wait3A_1004 : memref<64x256xf32, #tpu.memory_space<hbm>>)
    %dma_start3A_1005 = arith.constant 384 : i32
    %dma_start3A_1006 = tpu.memref_slice %arg6[%dma_start3A_1005] : memref<1024xi32, #tpu.memory_space<vmem>> -> memref<64xi32, #tpu.memory_space<vmem>>
    %dma_start3A_1007 = arith.constant 0 : i32
    %dma_start3A_1008 = arith.constant 0 : i32
    %dma_start3A_1009 = tpu.memref_slice %arg4[%dma_start3A_1007, %dma_start3A_1008] : memref<365x256xf32, #tpu.memory_space<hbm>> -> memref<365x256xf32, #tpu.memory_space<hbm>>
    tpu.enqueue_indirect_dma source(%dma_start3A_1009 : memref<365x256xf32, #tpu.memory_space<hbm>>) target(%arg10 : memref<64x256xf32, #tpu.memory_space<vmem>>) offsets(%dma_start3A_1006 : memref<64xi32, #tpu.memory_space<vmem>>) semaphore(%arg14 : memref<!tpu.dma_semaphore, #tpu.memory_space<semaphore_mem>>)
    %dma_wait3A_1010 = arith.constant 192 : i32
    %dma_wait3A_1011 = tpu.memref_slice %arg6[%dma_wait3A_1010] : memref<1024xi32, #tpu.memory_space<vmem>> -> memref<64xi32, #tpu.memory_space<vmem>>
    %dma_wait3A_1012 = arith.constant 0 : i32
    %dma_wait3A_1013 = arith.constant 0 : i32
    %dma_wait3A_1014 = tpu.memref_slice %arg4[%dma_wait3A_1012, %dma_wait3A_1013] : memref<365x256xf32, #tpu.memory_space<hbm>> -> memref<365x256xf32, #tpu.memory_space<hbm>>
    tpu.wait_indirect_dma semaphore(%arg15 : memref<!tpu.dma_semaphore, #tpu.memory_space<semaphore_mem>>) src(%dma_wait3A_1014 : memref<365x256xf32, #tpu.memory_space<hbm>>) dst(%arg11 : memref<64x256xf32, #tpu.memory_space<vmem>>)
    %add3A_1015 = arith.constant 3 : i32
    %add3A_1016 = arith.addi %add3A_4, %add3A_1015 : i32
    %dma_start3A_1017 = arith.constant 0 : i32
    %dma_start3A_1018 = arith.constant 0 : i32
    %dma_start3A_1019 = tpu.memref_slice %arg5[%add3A_1016, %dma_start3A_1017, %dma_start3A_1018] : memref<500x64x256xf32, #tpu.memory_space<hbm>> -> memref<1x64x256xf32, #tpu.memory_space<hbm>>
    %dma_start3A_1020 = tpu.memref_squeeze %dma_start3A_1019 : memref<1x64x256xf32, #tpu.memory_space<hbm>> -> memref<64x256xf32, #tpu.memory_space<hbm>>
    %dma_start3A_1021 = arith.constant 0 : i32
    %dma_start3A_1022 = arith.constant 0 : i32
    %dma_start3A_1023 = tpu.memref_slice %arg5[%add3A_1016, %dma_start3A_1021, %dma_start3A_1022] : memref<500x64x256xf32, #tpu.memory_space<hbm>> -> memref<1x64x256xf32, #tpu.memory_space<hbm>>
    %dma_start3A_1024 = tpu.memref_squeeze %dma_start3A_1023 : memref<1x64x256xf32, #tpu.memory_space<hbm>> -> memref<64x256xf32, #tpu.memory_space<hbm>>
    tpu.enqueue_dma source(%arg11 : memref<64x256xf32, #tpu.memory_space<vmem>>) target(%dma_start3A_1024 : memref<64x256xf32, #tpu.memory_space<hbm>>) target_semaphore(%arg19 : memref<!tpu.dma_semaphore, #tpu.memory_space<semaphore_mem>>)
    %dma_wait3A_1025 = arith.constant 0 : i32
    %dma_wait3A_1026 = arith.constant 0 : i32
    %dma_wait3A_1027 = tpu.memref_slice %arg5[%add3A_1016, %dma_wait3A_1025, %dma_wait3A_1026] : memref<500x64x256xf32, #tpu.memory_space<hbm>> -> memref<1x64x256xf32, #tpu.memory_space<hbm>>
    %dma_wait3A_1028 = tpu.memref_squeeze %dma_wait3A_1027 : memref<1x64x256xf32, #tpu.memory_space<hbm>> -> memref<64x256xf32, #tpu.memory_space<hbm>>
    %dma_wait3A_1029 = arith.constant 0 : i32
    %dma_wait3A_1030 = arith.constant 0 : i32
    %dma_wait3A_1031 = tpu.memref_slice %arg5[%add3A_1016, %dma_wait3A_1029, %dma_wait3A_1030] : memref<500x64x256xf32, #tpu.memory_space<hbm>> -> memref<1x64x256xf32, #tpu.memory_space<hbm>>
    %dma_wait3A_1032 = tpu.memref_squeeze %dma_wait3A_1031 : memref<1x64x256xf32, #tpu.memory_space<hbm>> -> memref<64x256xf32, #tpu.memory_space<hbm>>
    tpu.wait_dma2 semaphore(%arg19 : memref<!tpu.dma_semaphore, #tpu.memory_space<semaphore_mem>>) src(%arg11 : memref<64x256xf32, #tpu.memory_space<vmem>>) dst(%dma_wait3A_1032 : memref<64x256xf32, #tpu.memory_space<hbm>>)
    %dma_start3A_1033 = arith.constant 448 : i32
    %dma_start3A_1034 = tpu.memref_slice %arg6[%dma_start3A_1033] : memref<1024xi32, #tpu.memory_space<vmem>> -> memref<64xi32, #tpu.memory_space<vmem>>
    %dma_start3A_1035 = arith.constant 0 : i32
    %dma_start3A_1036 = arith.constant 0 : i32
    %dma_start3A_1037 = tpu.memref_slice %arg4[%dma_start3A_1035, %dma_start3A_1036] : memref<365x256xf32, #tpu.memory_space<hbm>> -> memref<365x256xf32, #tpu.memory_space<hbm>>
    tpu.enqueue_indirect_dma source(%dma_start3A_1037 : memref<365x256xf32, #tpu.memory_space<hbm>>) target(%arg11 : memref<64x256xf32, #tpu.memory_space<vmem>>) offsets(%dma_start3A_1034 : memref<64xi32, #tpu.memory_space<vmem>>) semaphore(%arg15 : memref<!tpu.dma_semaphore, #tpu.memory_space<semaphore_mem>>)
    %dma_wait3A_1038 = arith.constant 256 : i32
    %dma_wait3A_1039 = tpu.memref_slice %arg6[%dma_wait3A_1038] : memref<1024xi32, #tpu.memory_space<vmem>> -> memref<64xi32, #tpu.memory_space<vmem>>
    %dma_wait3A_1040 = arith.constant 0 : i32
    %dma_wait3A_1041 = arith.constant 0 : i32
    %dma_wait3A_1042 = tpu.memref_slice %arg4[%dma_wait3A_1040, %dma_wait3A_1041] : memref<365x256xf32, #tpu.memory_space<hbm>> -> memref<365x256xf32, #tpu.memory_space<hbm>>
    tpu.wait_indirect_dma semaphore(%arg12 : memref<!tpu.dma_semaphore, #tpu.memory_space<semaphore_mem>>) src(%dma_wait3A_1042 : memref<365x256xf32, #tpu.memory_space<hbm>>) dst(%arg8 : memref<64x256xf32, #tpu.memory_space<vmem>>)
    %add3A_1043 = arith.constant 4 : i32
    %add3A_1044 = arith.addi %add3A_4, %add3A_1043 : i32
    %dma_start3A_1045 = arith.constant 0 : i32
    %dma_start3A_1046 = arith.constant 0 : i32
    %dma_start3A_1047 = tpu.memref_slice %arg5[%add3A_1044, %dma_start3A_1045, %dma_start3A_1046] : memref<500x64x256xf32, #tpu.memory_space<hbm>> -> memref<1x64x256xf32, #tpu.memory_space<hbm>>
    %dma_start3A_1048 = tpu.memref_squeeze %dma_start3A_1047 : memref<1x64x256xf32, #tpu.memory_space<hbm>> -> memref<64x256xf32, #tpu.memory_space<hbm>>
    %dma_start3A_1049 = arith.constant 0 : i32
    %dma_start3A_1050 = arith.constant 0 : i32
    %dma_start3A_1051 = tpu.memref_slice %arg5[%add3A_1044, %dma_start3A_1049, %dma_start3A_1050] : memref<500x64x256xf32, #tpu.memory_space<hbm>> -> memref<1x64x256xf32, #tpu.memory_space<hbm>>
    %dma_start3A_1052 = tpu.memref_squeeze %dma_start3A_1051 : memref<1x64x256xf32, #tpu.memory_space<hbm>> -> memref<64x256xf32, #tpu.memory_space<hbm>>
    tpu.enqueue_dma source(%arg8 : memref<64x256xf32, #tpu.memory_space<vmem>>) target(%dma_start3A_1052 : memref<64x256xf32, #tpu.memory_space<hbm>>) target_semaphore(%arg16 : memref<!tpu.dma_semaphore, #tpu.memory_space<semaphore_mem>>)
    %dma_wait3A_1053 = arith.constant 0 : i32
    %dma_wait3A_1054 = arith.constant 0 : i32
    %dma_wait3A_1055 = tpu.memref_slice %arg5[%add3A_1044, %dma_wait3A_1053, %dma_wait3A_1054] : memref<500x64x256xf32, #tpu.memory_space<hbm>> -> memref<1x64x256xf32, #tpu.memory_space<hbm>>
    %dma_wait3A_1056 = tpu.memref_squeeze %dma_wait3A_1055 : memref<1x64x256xf32, #tpu.memory_space<hbm>> -> memref<64x256xf32, #tpu.memory_space<hbm>>
    %dma_wait3A_1057 = arith.constant 0 : i32
    %dma_wait3A_1058 = arith.constant 0 : i32
    %dma_wait3A_1059 = tpu.memref_slice %arg5[%add3A_1044, %dma_wait3A_1057, %dma_wait3A_1058] : memref<500x64x256xf32, #tpu.memory_space<hbm>> -> memref<1x64x256xf32, #tpu.memory_space<hbm>>
    %dma_wait3A_1060 = tpu.memref_squeeze %dma_wait3A_1059 : memref<1x64x256xf32, #tpu.memory_space<hbm>> -> memref<64x256xf32, #tpu.memory_space<hbm>>
    tpu.wait_dma2 semaphore(%arg16 : memref<!tpu.dma_semaphore, #tpu.memory_space<semaphore_mem>>) src(%arg8 : memref<64x256xf32, #tpu.memory_space<vmem>>) dst(%dma_wait3A_1060 : memref<64x256xf32, #tpu.memory_space<hbm>>)
    %dma_start3A_1061 = arith.constant 512 : i32
    %dma_start3A_1062 = tpu.memref_slice %arg6[%dma_start3A_1061] : memref<1024xi32, #tpu.memory_space<vmem>> -> memref<64xi32, #tpu.memory_space<vmem>>
    %dma_start3A_1063 = arith.constant 0 : i32
    %dma_start3A_1064 = arith.constant 0 : i32
    %dma_start3A_1065 = tpu.memref_slice %arg4[%dma_start3A_1063, %dma_start3A_1064] : memref<365x256xf32, #tpu.memory_space<hbm>> -> memref<365x256xf32, #tpu.memory_space<hbm>>
    tpu.enqueue_indirect_dma source(%dma_start3A_1065 : memref<365x256xf32, #tpu.memory_space<hbm>>) target(%arg8 : memref<64x256xf32, #tpu.memory_space<vmem>>) offsets(%dma_start3A_1062 : memref<64xi32, #tpu.memory_space<vmem>>) semaphore(%arg12 : memref<!tpu.dma_semaphore, #tpu.memory_space<semaphore_mem>>)
    %dma_wait3A_1066 = arith.constant 320 : i32
    %dma_wait3A_1067 = tpu.memref_slice %arg6[%dma_wait3A_1066] : memref<1024xi32, #tpu.memory_space<vmem>> -> memref<64xi32, #tpu.memory_space<vmem>>
    %dma_wait3A_1068 = arith.constant 0 : i32
    %dma_wait3A_1069 = arith.constant 0 : i32
    %dma_wait3A_1070 = tpu.memref_slice %arg4[%dma_wait3A_1068, %dma_wait3A_1069] : memref<365x256xf32, #tpu.memory_space<hbm>> -> memref<365x256xf32, #tpu.memory_space<hbm>>
    tpu.wait_indirect_dma semaphore(%arg13 : memref<!tpu.dma_semaphore, #tpu.memory_space<semaphore_mem>>) src(%dma_wait3A_1070 : memref<365x256xf32, #tpu.memory_space<hbm>>) dst(%arg9 : memref<64x256xf32, #tpu.memory_space<vmem>>)
    %add3A_1071 = arith.constant 5 : i32
    %add3A_1072 = arith.addi %add3A_4, %add3A_1071 : i32
    %dma_start3A_1073 = arith.constant 0 : i32
    %dma_start3A_1074 = arith.constant 0 : i32
    %dma_start3A_1075 = tpu.memref_slice %arg5[%add3A_1072, %dma_start3A_1073, %dma_start3A_1074] : memref<500x64x256xf32, #tpu.memory_space<hbm>> -> memref<1x64x256xf32, #tpu.memory_space<hbm>>
    %dma_start3A_1076 = tpu.memref_squeeze %dma_start3A_1075 : memref<1x64x256xf32, #tpu.memory_space<hbm>> -> memref<64x256xf32, #tpu.memory_space<hbm>>
    %dma_start3A_1077 = arith.constant 0 : i32
    %dma_start3A_1078 = arith.constant 0 : i32
    %dma_start3A_1079 = tpu.memref_slice %arg5[%add3A_1072, %dma_start3A_1077, %dma_start3A_1078] : memref<500x64x256xf32, #tpu.memory_space<hbm>> -> memref<1x64x256xf32, #tpu.memory_space<hbm>>
    %dma_start3A_1080 = tpu.memref_squeeze %dma_start3A_1079 : memref<1x64x256xf32, #tpu.memory_space<hbm>> -> memref<64x256xf32, #tpu.memory_space<hbm>>
    tpu.enqueue_dma source(%arg9 : memref<64x256xf32, #tpu.memory_space<vmem>>) target(%dma_start3A_1080 : memref<64x256xf32, #tpu.memory_space<hbm>>) target_semaphore(%arg17 : memref<!tpu.dma_semaphore, #tpu.memory_space<semaphore_mem>>)
    %dma_wait3A_1081 = arith.constant 0 : i32
    %dma_wait3A_1082 = arith.constant 0 : i32
    %dma_wait3A_1083 = tpu.memref_slice %arg5[%add3A_1072, %dma_wait3A_1081, %dma_wait3A_1082] : memref<500x64x256xf32, #tpu.memory_space<hbm>> -> memref<1x64x256xf32, #tpu.memory_space<hbm>>
    %dma_wait3A_1084 = tpu.memref_squeeze %dma_wait3A_1083 : memref<1x64x256xf32, #tpu.memory_space<hbm>> -> memref<64x256xf32, #tpu.memory_space<hbm>>
    %dma_wait3A_1085 = arith.constant 0 : i32
    %dma_wait3A_1086 = arith.constant 0 : i32
    %dma_wait3A_1087 = tpu.memref_slice %arg5[%add3A_1072, %dma_wait3A_1085, %dma_wait3A_1086] : memref<500x64x256xf32, #tpu.memory_space<hbm>> -> memref<1x64x256xf32, #tpu.memory_space<hbm>>
    %dma_wait3A_1088 = tpu.memref_squeeze %dma_wait3A_1087 : memref<1x64x256xf32, #tpu.memory_space<hbm>> -> memref<64x256xf32, #tpu.memory_space<hbm>>
    tpu.wait_dma2 semaphore(%arg17 : memref<!tpu.dma_semaphore, #tpu.memory_space<semaphore_mem>>) src(%arg9 : memref<64x256xf32, #tpu.memory_space<vmem>>) dst(%dma_wait3A_1088 : memref<64x256xf32, #tpu.memory_space<hbm>>)
    %dma_start3A_1089 = arith.constant 576 : i32
    %dma_start3A_1090 = tpu.memref_slice %arg6[%dma_start3A_1089] : memref<1024xi32, #tpu.memory_space<vmem>> -> memref<64xi32, #tpu.memory_space<vmem>>
    %dma_start3A_1091 = arith.constant 0 : i32
    %dma_start3A_1092 = arith.constant 0 : i32
    %dma_start3A_1093 = tpu.memref_slice %arg4[%dma_start3A_1091, %dma_start3A_1092] : memref<365x256xf32, #tpu.memory_space<hbm>> -> memref<365x256xf32, #tpu.memory_space<hbm>>
    tpu.enqueue_indirect_dma source(%dma_start3A_1093 : memref<365x256xf32, #tpu.memory_space<hbm>>) target(%arg9 : memref<64x256xf32, #tpu.memory_space<vmem>>) offsets(%dma_start3A_1090 : memref<64xi32, #tpu.memory_space<vmem>>) semaphore(%arg13 : memref<!tpu.dma_semaphore, #tpu.memory_space<semaphore_mem>>)
    %dma_wait3A_1094 = arith.constant 384 : i32
    %dma_wait3A_1095 = tpu.memref_slice %arg6[%dma_wait3A_1094] : memref<1024xi32, #tpu.memory_space<vmem>> -> memref<64xi32, #tpu.memory_space<vmem>>
    %dma_wait3A_1096 = arith.constant 0 : i32
    %dma_wait3A_1097 = arith.constant 0 : i32
    %dma_wait3A_1098 = tpu.memref_slice %arg4[%dma_wait3A_1096, %dma_wait3A_1097] : memref<365x256xf32, #tpu.memory_space<hbm>> -> memref<365x256xf32, #tpu.memory_space<hbm>>
    tpu.wait_indirect_dma semaphore(%arg14 : memref<!tpu.dma_semaphore, #tpu.memory_space<semaphore_mem>>) src(%dma_wait3A_1098 : memref<365x256xf32, #tpu.memory_space<hbm>>) dst(%arg10 : memref<64x256xf32, #tpu.memory_space<vmem>>)
    %add3A_1099 = arith.constant 6 : i32
    %add3A_1100 = arith.addi %add3A_4, %add3A_1099 : i32
    %dma_start3A_1101 = arith.constant 0 : i32
    %dma_start3A_1102 = arith.constant 0 : i32
    %dma_start3A_1103 = tpu.memref_slice %arg5[%add3A_1100, %dma_start3A_1101, %dma_start3A_1102] : memref<500x64x256xf32, #tpu.memory_space<hbm>> -> memref<1x64x256xf32, #tpu.memory_space<hbm>>
    %dma_start3A_1104 = tpu.memref_squeeze %dma_start3A_1103 : memref<1x64x256xf32, #tpu.memory_space<hbm>> -> memref<64x256xf32, #tpu.memory_space<hbm>>
    %dma_start3A_1105 = arith.constant 0 : i32
    %dma_start3A_1106 = arith.constant 0 : i32
    %dma_start3A_1107 = tpu.memref_slice %arg5[%add3A_1100, %dma_start3A_1105, %dma_start3A_1106] : memref<500x64x256xf32, #tpu.memory_space<hbm>> -> memref<1x64x256xf32, #tpu.memory_space<hbm>>
    %dma_start3A_1108 = tpu.memref_squeeze %dma_start3A_1107 : memref<1x64x256xf32, #tpu.memory_space<hbm>> -> memref<64x256xf32, #tpu.memory_space<hbm>>
    tpu.enqueue_dma source(%arg10 : memref<64x256xf32, #tpu.memory_space<vmem>>) target(%dma_start3A_1108 : memref<64x256xf32, #tpu.memory_space<hbm>>) target_semaphore(%arg18 : memref<!tpu.dma_semaphore, #tpu.memory_space<semaphore_mem>>)
    %dma_wait3A_1109 = arith.constant 0 : i32
    %dma_wait3A_1110 = arith.constant 0 : i32
    %dma_wait3A_1111 = tpu.memref_slice %arg5[%add3A_1100, %dma_wait3A_1109, %dma_wait3A_1110] : memref<500x64x256xf32, #tpu.memory_space<hbm>> -> memref<1x64x256xf32, #tpu.memory_space<hbm>>
    %dma_wait3A_1112 = tpu.memref_squeeze %dma_wait3A_1111 : memref<1x64x256xf32, #tpu.memory_space<hbm>> -> memref<64x256xf32, #tpu.memory_space<hbm>>
    %dma_wait3A_1113 = arith.constant 0 : i32
    %dma_wait3A_1114 = arith.constant 0 : i32
    %dma_wait3A_1115 = tpu.memref_slice %arg5[%add3A_1100, %dma_wait3A_1113, %dma_wait3A_1114] : memref<500x64x256xf32, #tpu.memory_space<hbm>> -> memref<1x64x256xf32, #tpu.memory_space<hbm>>
    %dma_wait3A_1116 = tpu.memref_squeeze %dma_wait3A_1115 : memref<1x64x256xf32, #tpu.memory_space<hbm>> -> memref<64x256xf32, #tpu.memory_space<hbm>>
    tpu.wait_dma2 semaphore(%arg18 : memref<!tpu.dma_semaphore, #tpu.memory_space<semaphore_mem>>) src(%arg10 : memref<64x256xf32, #tpu.memory_space<vmem>>) dst(%dma_wait3A_1116 : memref<64x256xf32, #tpu.memory_space<hbm>>)
    %dma_start3A_1117 = arith.constant 640 : i32
    %dma_start3A_1118 = tpu.memref_slice %arg6[%dma_start3A_1117] : memref<1024xi32, #tpu.memory_space<vmem>> -> memref<64xi32, #tpu.memory_space<vmem>>
    %dma_start3A_1119 = arith.constant 0 : i32
    %dma_start3A_1120 = arith.constant 0 : i32
    %dma_start3A_1121 = tpu.memref_slice %arg4[%dma_start3A_1119, %dma_start3A_1120] : memref<365x256xf32, #tpu.memory_space<hbm>> -> memref<365x256xf32, #tpu.memory_space<hbm>>
    tpu.enqueue_indirect_dma source(%dma_start3A_1121 : memref<365x256xf32, #tpu.memory_space<hbm>>) target(%arg10 : memref<64x256xf32, #tpu.memory_space<vmem>>) offsets(%dma_start3A_1118 : memref<64xi32, #tpu.memory_space<vmem>>) semaphore(%arg14 : memref<!tpu.dma_semaphore, #tpu.memory_space<semaphore_mem>>)
    %dma_wait3A_1122 = arith.constant 448 : i32
    %dma_wait3A_1123 = tpu.memref_slice %arg6[%dma_wait3A_1122] : memref<1024xi32, #tpu.memory_space<vmem>> -> memref<64xi32, #tpu.memory_space<vmem>>
    %dma_wait3A_1124 = arith.constant 0 : i32
    %dma_wait3A_1125 = arith.constant 0 : i32
    %dma_wait3A_1126 = tpu.memref_slice %arg4[%dma_wait3A_1124, %dma_wait3A_1125] : memref<365x256xf32, #tpu.memory_space<hbm>> -> memref<365x256xf32, #tpu.memory_space<hbm>>
    tpu.wait_indirect_dma semaphore(%arg15 : memref<!tpu.dma_semaphore, #tpu.memory_space<semaphore_mem>>) src(%dma_wait3A_1126 : memref<365x256xf32, #tpu.memory_space<hbm>>) dst(%arg11 : memref<64x256xf32, #tpu.memory_space<vmem>>)
    %add3A_1127 = arith.constant 7 : i32
    %add3A_1128 = arith.addi %add3A_4, %add3A_1127 : i32
    %dma_start3A_1129 = arith.constant 0 : i32
    %dma_start3A_1130 = arith.constant 0 : i32
    %dma_start3A_1131 = tpu.memref_slice %arg5[%add3A_1128, %dma_start3A_1129, %dma_start3A_1130] : memref<500x64x256xf32, #tpu.memory_space<hbm>> -> memref<1x64x256xf32, #tpu.memory_space<hbm>>
    %dma_start3A_1132 = tpu.memref_squeeze %dma_start3A_1131 : memref<1x64x256xf32, #tpu.memory_space<hbm>> -> memref<64x256xf32, #tpu.memory_space<hbm>>
    %dma_start3A_1133 = arith.constant 0 : i32
    %dma_start3A_1134 = arith.constant 0 : i32
    %dma_start3A_1135 = tpu.memref_slice %arg5[%add3A_1128, %dma_start3A_1133, %dma_start3A_1134] : memref<500x64x256xf32, #tpu.memory_space<hbm>> -> memref<1x64x256xf32, #tpu.memory_space<hbm>>
    %dma_start3A_1136 = tpu.memref_squeeze %dma_start3A_1135 : memref<1x64x256xf32, #tpu.memory_space<hbm>> -> memref<64x256xf32, #tpu.memory_space<hbm>>
    tpu.enqueue_dma source(%arg11 : memref<64x256xf32, #tpu.memory_space<vmem>>) target(%dma_start3A_1136 : memref<64x256xf32, #tpu.memory_space<hbm>>) target_semaphore(%arg19 : memref<!tpu.dma_semaphore, #tpu.memory_space<semaphore_mem>>)
    %dma_wait3A_1137 = arith.constant 0 : i32
    %dma_wait3A_1138 = arith.constant 0 : i32
    %dma_wait3A_1139 = tpu.memref_slice %arg5[%add3A_1128, %dma_wait3A_1137, %dma_wait3A_1138] : memref<500x64x256xf32, #tpu.memory_space<hbm>> -> memref<1x64x256xf32, #tpu.memory_space<hbm>>
    %dma_wait3A_1140 = tpu.memref_squeeze %dma_wait3A_1139 : memref<1x64x256xf32, #tpu.memory_space<hbm>> -> memref<64x256xf32, #tpu.memory_space<hbm>>
    %dma_wait3A_1141 = arith.constant 0 : i32
    %dma_wait3A_1142 = arith.constant 0 : i32
    %dma_wait3A_1143 = tpu.memref_slice %arg5[%add3A_1128, %dma_wait3A_1141, %dma_wait3A_1142] : memref<500x64x256xf32, #tpu.memory_space<hbm>> -> memref<1x64x256xf32, #tpu.memory_space<hbm>>
    %dma_wait3A_1144 = tpu.memref_squeeze %dma_wait3A_1143 : memref<1x64x256xf32, #tpu.memory_space<hbm>> -> memref<64x256xf32, #tpu.memory_space<hbm>>
    tpu.wait_dma2 semaphore(%arg19 : memref<!tpu.dma_semaphore, #tpu.memory_space<semaphore_mem>>) src(%arg11 : memref<64x256xf32, #tpu.memory_space<vmem>>) dst(%dma_wait3A_1144 : memref<64x256xf32, #tpu.memory_space<hbm>>)
    %dma_start3A_1145 = arith.constant 704 : i32
    %dma_start3A_1146 = tpu.memref_slice %arg6[%dma_start3A_1145] : memref<1024xi32, #tpu.memory_space<vmem>> -> memref<64xi32, #tpu.memory_space<vmem>>
    %dma_start3A_1147 = arith.constant 0 : i32
    %dma_start3A_1148 = arith.constant 0 : i32
    %dma_start3A_1149 = tpu.memref_slice %arg4[%dma_start3A_1147, %dma_start3A_1148] : memref<365x256xf32, #tpu.memory_space<hbm>> -> memref<365x256xf32, #tpu.memory_space<hbm>>
    tpu.enqueue_indirect_dma source(%dma_start3A_1149 : memref<365x256xf32, #tpu.memory_space<hbm>>) target(%arg11 : memref<64x256xf32, #tpu.memory_space<vmem>>) offsets(%dma_start3A_1146 : memref<64xi32, #tpu.memory_space<vmem>>) semaphore(%arg15 : memref<!tpu.dma_semaphore, #tpu.memory_space<semaphore_mem>>)
    %dma_wait3A_1150 = arith.constant 512 : i32
    %dma_wait3A_1151 = tpu.memref_slice %arg6[%dma_wait3A_1150] : memref<1024xi32, #tpu.memory_space<vmem>> -> memref<64xi32, #tpu.memory_space<vmem>>
    %dma_wait3A_1152 = arith.constant 0 : i32
    %dma_wait3A_1153 = arith.constant 0 : i32
    %dma_wait3A_1154 = tpu.memref_slice %arg4[%dma_wait3A_1152, %dma_wait3A_1153] : memref<365x256xf32, #tpu.memory_space<hbm>> -> memref<365x256xf32, #tpu.memory_space<hbm>>
    tpu.wait_indirect_dma semaphore(%arg12 : memref<!tpu.dma_semaphore, #tpu.memory_space<semaphore_mem>>) src(%dma_wait3A_1154 : memref<365x256xf32, #tpu.memory_space<hbm>>) dst(%arg8 : memref<64x256xf32, #tpu.memory_space<vmem>>)
    %add3A_1155 = arith.constant 8 : i32
    %add3A_1156 = arith.addi %add3A_4, %add3A_1155 : i32
    %dma_start3A_1157 = arith.constant 0 : i32
    %dma_start3A_1158 = arith.constant 0 : i32
    %dma_start3A_1159 = tpu.memref_slice %arg5[%add3A_1156, %dma_start3A_1157, %dma_start3A_1158] : memref<500x64x256xf32, #tpu.memory_space<hbm>> -> memref<1x64x256xf32, #tpu.memory_space<hbm>>
    %dma_start3A_1160 = tpu.memref_squeeze %dma_start3A_1159 : memref<1x64x256xf32, #tpu.memory_space<hbm>> -> memref<64x256xf32, #tpu.memory_space<hbm>>
    %dma_start3A_1161 = arith.constant 0 : i32
    %dma_start3A_1162 = arith.constant 0 : i32
    %dma_start3A_1163 = tpu.memref_slice %arg5[%add3A_1156, %dma_start3A_1161, %dma_start3A_1162] : memref<500x64x256xf32, #tpu.memory_space<hbm>> -> memref<1x64x256xf32, #tpu.memory_space<hbm>>
    %dma_start3A_1164 = tpu.memref_squeeze %dma_start3A_1163 : memref<1x64x256xf32, #tpu.memory_space<hbm>> -> memref<64x256xf32, #tpu.memory_space<hbm>>
    tpu.enqueue_dma source(%arg8 : memref<64x256xf32, #tpu.memory_space<vmem>>) target(%dma_start3A_1164 : memref<64x256xf32, #tpu.memory_space<hbm>>) target_semaphore(%arg16 : memref<!tpu.dma_semaphore, #tpu.memory_space<semaphore_mem>>)
    %dma_wait3A_1165 = arith.constant 0 : i32
    %dma_wait3A_1166 = arith.constant 0 : i32
    %dma_wait3A_1167 = tpu.memref_slice %arg5[%add3A_1156, %dma_wait3A_1165, %dma_wait3A_1166] : memref<500x64x256xf32, #tpu.memory_space<hbm>> -> memref<1x64x256xf32, #tpu.memory_space<hbm>>
    %dma_wait3A_1168 = tpu.memref_squeeze %dma_wait3A_1167 : memref<1x64x256xf32, #tpu.memory_space<hbm>> -> memref<64x256xf32, #tpu.memory_space<hbm>>
    %dma_wait3A_1169 = arith.constant 0 : i32
    %dma_wait3A_1170 = arith.constant 0 : i32
    %dma_wait3A_1171 = tpu.memref_slice %arg5[%add3A_1156, %dma_wait3A_1169, %dma_wait3A_1170] : memref<500x64x256xf32, #tpu.memory_space<hbm>> -> memref<1x64x256xf32, #tpu.memory_space<hbm>>
    %dma_wait3A_1172 = tpu.memref_squeeze %dma_wait3A_1171 : memref<1x64x256xf32, #tpu.memory_space<hbm>> -> memref<64x256xf32, #tpu.memory_space<hbm>>
    tpu.wait_dma2 semaphore(%arg16 : memref<!tpu.dma_semaphore, #tpu.memory_space<semaphore_mem>>) src(%arg8 : memref<64x256xf32, #tpu.memory_space<vmem>>) dst(%dma_wait3A_1172 : memref<64x256xf32, #tpu.memory_space<hbm>>)
    %dma_start3A_1173 = arith.constant 768 : i32
    %dma_start3A_1174 = tpu.memref_slice %arg6[%dma_start3A_1173] : memref<1024xi32, #tpu.memory_space<vmem>> -> memref<64xi32, #tpu.memory_space<vmem>>
    %dma_start3A_1175 = arith.constant 0 : i32
    %dma_start3A_1176 = arith.constant 0 : i32
    %dma_start3A_1177 = tpu.memref_slice %arg4[%dma_start3A_1175, %dma_start3A_1176] : memref<365x256xf32, #tpu.memory_space<hbm>> -> memref<365x256xf32, #tpu.memory_space<hbm>>
    tpu.enqueue_indirect_dma source(%dma_start3A_1177 : memref<365x256xf32, #tpu.memory_space<hbm>>) target(%arg8 : memref<64x256xf32, #tpu.memory_space<vmem>>) offsets(%dma_start3A_1174 : memref<64xi32, #tpu.memory_space<vmem>>) semaphore(%arg12 : memref<!tpu.dma_semaphore, #tpu.memory_space<semaphore_mem>>)
    %dma_wait3A_1178 = arith.constant 576 : i32
    %dma_wait3A_1179 = tpu.memref_slice %arg6[%dma_wait3A_1178] : memref<1024xi32, #tpu.memory_space<vmem>> -> memref<64xi32, #tpu.memory_space<vmem>>
    %dma_wait3A_1180 = arith.constant 0 : i32
    %dma_wait3A_1181 = arith.constant 0 : i32
    %dma_wait3A_1182 = tpu.memref_slice %arg4[%dma_wait3A_1180, %dma_wait3A_1181] : memref<365x256xf32, #tpu.memory_space<hbm>> -> memref<365x256xf32, #tpu.memory_space<hbm>>
    tpu.wait_indirect_dma semaphore(%arg13 : memref<!tpu.dma_semaphore, #tpu.memory_space<semaphore_mem>>) src(%dma_wait3A_1182 : memref<365x256xf32, #tpu.memory_space<hbm>>) dst(%arg9 : memref<64x256xf32, #tpu.memory_space<vmem>>)
    %add3A_1183 = arith.constant 9 : i32
    %add3A_1184 = arith.addi %add3A_4, %add3A_1183 : i32
    %dma_start3A_1185 = arith.constant 0 : i32
    %dma_start3A_1186 = arith.constant 0 : i32
    %dma_start3A_1187 = tpu.memref_slice %arg5[%add3A_1184, %dma_start3A_1185, %dma_start3A_1186] : memref<500x64x256xf32, #tpu.memory_space<hbm>> -> memref<1x64x256xf32, #tpu.memory_space<hbm>>
    %dma_start3A_1188 = tpu.memref_squeeze %dma_start3A_1187 : memref<1x64x256xf32, #tpu.memory_space<hbm>> -> memref<64x256xf32, #tpu.memory_space<hbm>>
    %dma_start3A_1189 = arith.constant 0 : i32
    %dma_start3A_1190 = arith.constant 0 : i32
    %dma_start3A_1191 = tpu.memref_slice %arg5[%add3A_1184, %dma_start3A_1189, %dma_start3A_1190] : memref<500x64x256xf32, #tpu.memory_space<hbm>> -> memref<1x64x256xf32, #tpu.memory_space<hbm>>
    %dma_start3A_1192 = tpu.memref_squeeze %dma_start3A_1191 : memref<1x64x256xf32, #tpu.memory_space<hbm>> -> memref<64x256xf32, #tpu.memory_space<hbm>>
    tpu.enqueue_dma source(%arg9 : memref<64x256xf32, #tpu.memory_space<vmem>>) target(%dma_start3A_1192 : memref<64x256xf32, #tpu.memory_space<hbm>>) target_semaphore(%arg17 : memref<!tpu.dma_semaphore, #tpu.memory_space<semaphore_mem>>)
    %dma_wait3A_1193 = arith.constant 0 : i32
    %dma_wait3A_1194 = arith.constant 0 : i32
    %dma_wait3A_1195 = tpu.memref_slice %arg5[%add3A_1184, %dma_wait3A_1193, %dma_wait3A_1194] : memref<500x64x256xf32, #tpu.memory_space<hbm>> -> memref<1x64x256xf32, #tpu.memory_space<hbm>>
    %dma_wait3A_1196 = tpu.memref_squeeze %dma_wait3A_1195 : memref<1x64x256xf32, #tpu.memory_space<hbm>> -> memref<64x256xf32, #tpu.memory_space<hbm>>
    %dma_wait3A_1197 = arith.constant 0 : i32
    %dma_wait3A_1198 = arith.constant 0 : i32
    %dma_wait3A_1199 = tpu.memref_slice %arg5[%add3A_1184, %dma_wait3A_1197, %dma_wait3A_1198] : memref<500x64x256xf32, #tpu.memory_space<hbm>> -> memref<1x64x256xf32, #tpu.memory_space<hbm>>
    %dma_wait3A_1200 = tpu.memref_squeeze %dma_wait3A_1199 : memref<1x64x256xf32, #tpu.memory_space<hbm>> -> memref<64x256xf32, #tpu.memory_space<hbm>>
    tpu.wait_dma2 semaphore(%arg17 : memref<!tpu.dma_semaphore, #tpu.memory_space<semaphore_mem>>) src(%arg9 : memref<64x256xf32, #tpu.memory_space<vmem>>) dst(%dma_wait3A_1200 : memref<64x256xf32, #tpu.memory_space<hbm>>)
    %dma_start3A_1201 = arith.constant 832 : i32
    %dma_start3A_1202 = tpu.memref_slice %arg6[%dma_start3A_1201] : memref<1024xi32, #tpu.memory_space<vmem>> -> memref<64xi32, #tpu.memory_space<vmem>>
    %dma_start3A_1203 = arith.constant 0 : i32
    %dma_start3A_1204 = arith.constant 0 : i32
    %dma_start3A_1205 = tpu.memref_slice %arg4[%dma_start3A_1203, %dma_start3A_1204] : memref<365x256xf32, #tpu.memory_space<hbm>> -> memref<365x256xf32, #tpu.memory_space<hbm>>
    tpu.enqueue_indirect_dma source(%dma_start3A_1205 : memref<365x256xf32, #tpu.memory_space<hbm>>) target(%arg9 : memref<64x256xf32, #tpu.memory_space<vmem>>) offsets(%dma_start3A_1202 : memref<64xi32, #tpu.memory_space<vmem>>) semaphore(%arg13 : memref<!tpu.dma_semaphore, #tpu.memory_space<semaphore_mem>>)
    %dma_wait3A_1206 = arith.constant 640 : i32
    %dma_wait3A_1207 = tpu.memref_slice %arg6[%dma_wait3A_1206] : memref<1024xi32, #tpu.memory_space<vmem>> -> memref<64xi32, #tpu.memory_space<vmem>>
    %dma_wait3A_1208 = arith.constant 0 : i32
    %dma_wait3A_1209 = arith.constant 0 : i32
    %dma_wait3A_1210 = tpu.memref_slice %arg4[%dma_wait3A_1208, %dma_wait3A_1209] : memref<365x256xf32, #tpu.memory_space<hbm>> -> memref<365x256xf32, #tpu.memory_space<hbm>>
    tpu.wait_indirect_dma semaphore(%arg14 : memref<!tpu.dma_semaphore, #tpu.memory_space<semaphore_mem>>) src(%dma_wait3A_1210 : memref<365x256xf32, #tpu.memory_space<hbm>>) dst(%arg10 : memref<64x256xf32, #tpu.memory_space<vmem>>)
    %add3A_1211 = arith.constant 10 : i32
    %add3A_1212 = arith.addi %add3A_4, %add3A_1211 : i32
    %dma_start3A_1213 = arith.constant 0 : i32
    %dma_start3A_1214 = arith.constant 0 : i32
    %dma_start3A_1215 = tpu.memref_slice %arg5[%add3A_1212, %dma_start3A_1213, %dma_start3A_1214] : memref<500x64x256xf32, #tpu.memory_space<hbm>> -> memref<1x64x256xf32, #tpu.memory_space<hbm>>
    %dma_start3A_1216 = tpu.memref_squeeze %dma_start3A_1215 : memref<1x64x256xf32, #tpu.memory_space<hbm>> -> memref<64x256xf32, #tpu.memory_space<hbm>>
    %dma_start3A_1217 = arith.constant 0 : i32
    %dma_start3A_1218 = arith.constant 0 : i32
    %dma_start3A_1219 = tpu.memref_slice %arg5[%add3A_1212, %dma_start3A_1217, %dma_start3A_1218] : memref<500x64x256xf32, #tpu.memory_space<hbm>> -> memref<1x64x256xf32, #tpu.memory_space<hbm>>
    %dma_start3A_1220 = tpu.memref_squeeze %dma_start3A_1219 : memref<1x64x256xf32, #tpu.memory_space<hbm>> -> memref<64x256xf32, #tpu.memory_space<hbm>>
    tpu.enqueue_dma source(%arg10 : memref<64x256xf32, #tpu.memory_space<vmem>>) target(%dma_start3A_1220 : memref<64x256xf32, #tpu.memory_space<hbm>>) target_semaphore(%arg18 : memref<!tpu.dma_semaphore, #tpu.memory_space<semaphore_mem>>)
    %dma_wait3A_1221 = arith.constant 0 : i32
    %dma_wait3A_1222 = arith.constant 0 : i32
    %dma_wait3A_1223 = tpu.memref_slice %arg5[%add3A_1212, %dma_wait3A_1221, %dma_wait3A_1222] : memref<500x64x256xf32, #tpu.memory_space<hbm>> -> memref<1x64x256xf32, #tpu.memory_space<hbm>>
    %dma_wait3A_1224 = tpu.memref_squeeze %dma_wait3A_1223 : memref<1x64x256xf32, #tpu.memory_space<hbm>> -> memref<64x256xf32, #tpu.memory_space<hbm>>
    %dma_wait3A_1225 = arith.constant 0 : i32
    %dma_wait3A_1226 = arith.constant 0 : i32
    %dma_wait3A_1227 = tpu.memref_slice %arg5[%add3A_1212, %dma_wait3A_1225, %dma_wait3A_1226] : memref<500x64x256xf32, #tpu.memory_space<hbm>> -> memref<1x64x256xf32, #tpu.memory_space<hbm>>
    %dma_wait3A_1228 = tpu.memref_squeeze %dma_wait3A_1227 : memref<1x64x256xf32, #tpu.memory_space<hbm>> -> memref<64x256xf32, #tpu.memory_space<hbm>>
    tpu.wait_dma2 semaphore(%arg18 : memref<!tpu.dma_semaphore, #tpu.memory_space<semaphore_mem>>) src(%arg10 : memref<64x256xf32, #tpu.memory_space<vmem>>) dst(%dma_wait3A_1228 : memref<64x256xf32, #tpu.memory_space<hbm>>)
    %dma_start3A_1229 = arith.constant 896 : i32
    %dma_start3A_1230 = tpu.memref_slice %arg6[%dma_start3A_1229] : memref<1024xi32, #tpu.memory_space<vmem>> -> memref<64xi32, #tpu.memory_space<vmem>>
    %dma_start3A_1231 = arith.constant 0 : i32
    %dma_start3A_1232 = arith.constant 0 : i32
    %dma_start3A_1233 = tpu.memref_slice %arg4[%dma_start3A_1231, %dma_start3A_1232] : memref<365x256xf32, #tpu.memory_space<hbm>> -> memref<365x256xf32, #tpu.memory_space<hbm>>
    tpu.enqueue_indirect_dma source(%dma_start3A_1233 : memref<365x256xf32, #tpu.memory_space<hbm>>) target(%arg10 : memref<64x256xf32, #tpu.memory_space<vmem>>) offsets(%dma_start3A_1230 : memref<64xi32, #tpu.memory_space<vmem>>) semaphore(%arg14 : memref<!tpu.dma_semaphore, #tpu.memory_space<semaphore_mem>>)
    %dma_wait3A_1234 = arith.constant 704 : i32
    %dma_wait3A_1235 = tpu.memref_slice %arg6[%dma_wait3A_1234] : memref<1024xi32, #tpu.memory_space<vmem>> -> memref<64xi32, #tpu.memory_space<vmem>>
    %dma_wait3A_1236 = arith.constant 0 : i32
    %dma_wait3A_1237 = arith.constant 0 : i32
    %dma_wait3A_1238 = tpu.memref_slice %arg4[%dma_wait3A_1236, %dma_wait3A_1237] : memref<365x256xf32, #tpu.memory_space<hbm>> -> memref<365x256xf32, #tpu.memory_space<hbm>>
    tpu.wait_indirect_dma semaphore(%arg15 : memref<!tpu.dma_semaphore, #tpu.memory_space<semaphore_mem>>) src(%dma_wait3A_1238 : memref<365x256xf32, #tpu.memory_space<hbm>>) dst(%arg11 : memref<64x256xf32, #tpu.memory_space<vmem>>)
    %add3A_1239 = arith.constant 11 : i32
    %add3A_1240 = arith.addi %add3A_4, %add3A_1239 : i32
    %dma_start3A_1241 = arith.constant 0 : i32
    %dma_start3A_1242 = arith.constant 0 : i32
    %dma_start3A_1243 = tpu.memref_slice %arg5[%add3A_1240, %dma_start3A_1241, %dma_start3A_1242] : memref<500x64x256xf32, #tpu.memory_space<hbm>> -> memref<1x64x256xf32, #tpu.memory_space<hbm>>
    %dma_start3A_1244 = tpu.memref_squeeze %dma_start3A_1243 : memref<1x64x256xf32, #tpu.memory_space<hbm>> -> memref<64x256xf32, #tpu.memory_space<hbm>>
    %dma_start3A_1245 = arith.constant 0 : i32
    %dma_start3A_1246 = arith.constant 0 : i32
    %dma_start3A_1247 = tpu.memref_slice %arg5[%add3A_1240, %dma_start3A_1245, %dma_start3A_1246] : memref<500x64x256xf32, #tpu.memory_space<hbm>> -> memref<1x64x256xf32, #tpu.memory_space<hbm>>
    %dma_start3A_1248 = tpu.memref_squeeze %dma_start3A_1247 : memref<1x64x256xf32, #tpu.memory_space<hbm>> -> memref<64x256xf32, #tpu.memory_space<hbm>>
    tpu.enqueue_dma source(%arg11 : memref<64x256xf32, #tpu.memory_space<vmem>>) target(%dma_start3A_1248 : memref<64x256xf32, #tpu.memory_space<hbm>>) target_semaphore(%arg19 : memref<!tpu.dma_semaphore, #tpu.memory_space<semaphore_mem>>)
    %dma_wait3A_1249 = arith.constant 0 : i32
    %dma_wait3A_1250 = arith.constant 0 : i32
    %dma_wait3A_1251 = tpu.memref_slice %arg5[%add3A_1240, %dma_wait3A_1249, %dma_wait3A_1250] : memref<500x64x256xf32, #tpu.memory_space<hbm>> -> memref<1x64x256xf32, #tpu.memory_space<hbm>>
    %dma_wait3A_1252 = tpu.memref_squeeze %dma_wait3A_1251 : memref<1x64x256xf32, #tpu.memory_space<hbm>> -> memref<64x256xf32, #tpu.memory_space<hbm>>
    %dma_wait3A_1253 = arith.constant 0 : i32
    %dma_wait3A_1254 = arith.constant 0 : i32
    %dma_wait3A_1255 = tpu.memref_slice %arg5[%add3A_1240, %dma_wait3A_1253, %dma_wait3A_1254] : memref<500x64x256xf32, #tpu.memory_space<hbm>> -> memref<1x64x256xf32, #tpu.memory_space<hbm>>
    %dma_wait3A_1256 = tpu.memref_squeeze %dma_wait3A_1255 : memref<1x64x256xf32, #tpu.memory_space<hbm>> -> memref<64x256xf32, #tpu.memory_space<hbm>>
    tpu.wait_dma2 semaphore(%arg19 : memref<!tpu.dma_semaphore, #tpu.memory_space<semaphore_mem>>) src(%arg11 : memref<64x256xf32, #tpu.memory_space<vmem>>) dst(%dma_wait3A_1256 : memref<64x256xf32, #tpu.memory_space<hbm>>)
    %dma_start3A_1257 = arith.constant 960 : i32
    %dma_start3A_1258 = tpu.memref_slice %arg6[%dma_start3A_1257] : memref<1024xi32, #tpu.memory_space<vmem>> -> memref<64xi32, #tpu.memory_space<vmem>>
    %dma_start3A_1259 = arith.constant 0 : i32
    %dma_start3A_1260 = arith.constant 0 : i32
    %dma_start3A_1261 = tpu.memref_slice %arg4[%dma_start3A_1259, %dma_start3A_1260] : memref<365x256xf32, #tpu.memory_space<hbm>> -> memref<365x256xf32, #tpu.memory_space<hbm>>
    tpu.enqueue_indirect_dma source(%dma_start3A_1261 : memref<365x256xf32, #tpu.memory_space<hbm>>) target(%arg11 : memref<64x256xf32, #tpu.memory_space<vmem>>) offsets(%dma_start3A_1258 : memref<64xi32, #tpu.memory_space<vmem>>) semaphore(%arg15 : memref<!tpu.dma_semaphore, #tpu.memory_space<semaphore_mem>>)
    %dma_wait3A_1262 = arith.constant 768 : i32
    %dma_wait3A_1263 = tpu.memref_slice %arg6[%dma_wait3A_1262] : memref<1024xi32, #tpu.memory_space<vmem>> -> memref<64xi32, #tpu.memory_space<vmem>>
    %dma_wait3A_1264 = arith.constant 0 : i32
    %dma_wait3A_1265 = arith.constant 0 : i32
    %dma_wait3A_1266 = tpu.memref_slice %arg4[%dma_wait3A_1264, %dma_wait3A_1265] : memref<365x256xf32, #tpu.memory_space<hbm>> -> memref<365x256xf32, #tpu.memory_space<hbm>>
    tpu.wait_indirect_dma semaphore(%arg12 : memref<!tpu.dma_semaphore, #tpu.memory_space<semaphore_mem>>) src(%dma_wait3A_1266 : memref<365x256xf32, #tpu.memory_space<hbm>>) dst(%arg8 : memref<64x256xf32, #tpu.memory_space<vmem>>)
    %add3A_1267 = arith.constant 12 : i32
    %add3A_1268 = arith.addi %add3A_4, %add3A_1267 : i32
    %dma_start3A_1269 = arith.constant 0 : i32
    %dma_start3A_1270 = arith.constant 0 : i32
    %dma_start3A_1271 = tpu.memref_slice %arg5[%add3A_1268, %dma_start3A_1269, %dma_start3A_1270] : memref<500x64x256xf32, #tpu.memory_space<hbm>> -> memref<1x64x256xf32, #tpu.memory_space<hbm>>
    %dma_start3A_1272 = tpu.memref_squeeze %dma_start3A_1271 : memref<1x64x256xf32, #tpu.memory_space<hbm>> -> memref<64x256xf32, #tpu.memory_space<hbm>>
    %dma_start3A_1273 = arith.constant 0 : i32
    %dma_start3A_1274 = arith.constant 0 : i32
    %dma_start3A_1275 = tpu.memref_slice %arg5[%add3A_1268, %dma_start3A_1273, %dma_start3A_1274] : memref<500x64x256xf32, #tpu.memory_space<hbm>> -> memref<1x64x256xf32, #tpu.memory_space<hbm>>
    %dma_start3A_1276 = tpu.memref_squeeze %dma_start3A_1275 : memref<1x64x256xf32, #tpu.memory_space<hbm>> -> memref<64x256xf32, #tpu.memory_space<hbm>>
    tpu.enqueue_dma source(%arg8 : memref<64x256xf32, #tpu.memory_space<vmem>>) target(%dma_start3A_1276 : memref<64x256xf32, #tpu.memory_space<hbm>>) target_semaphore(%arg16 : memref<!tpu.dma_semaphore, #tpu.memory_space<semaphore_mem>>)
    %dma_wait3A_1277 = arith.constant 832 : i32
    %dma_wait3A_1278 = tpu.memref_slice %arg6[%dma_wait3A_1277] : memref<1024xi32, #tpu.memory_space<vmem>> -> memref<64xi32, #tpu.memory_space<vmem>>
    %dma_wait3A_1279 = arith.constant 0 : i32
    %dma_wait3A_1280 = arith.constant 0 : i32
    %dma_wait3A_1281 = tpu.memref_slice %arg4[%dma_wait3A_1279, %dma_wait3A_1280] : memref<365x256xf32, #tpu.memory_space<hbm>> -> memref<365x256xf32, #tpu.memory_space<hbm>>
    tpu.wait_indirect_dma semaphore(%arg13 : memref<!tpu.dma_semaphore, #tpu.memory_space<semaphore_mem>>) src(%dma_wait3A_1281 : memref<365x256xf32, #tpu.memory_space<hbm>>) dst(%arg9 : memref<64x256xf32, #tpu.memory_space<vmem>>)
    %add3A_1282 = arith.constant 13 : i32
    %add3A_1283 = arith.addi %add3A_4, %add3A_1282 : i32
    %dma_start3A_1284 = arith.constant 0 : i32
    %dma_start3A_1285 = arith.constant 0 : i32
    %dma_start3A_1286 = tpu.memref_slice %arg5[%add3A_1283, %dma_start3A_1284, %dma_start3A_1285] : memref<500x64x256xf32, #tpu.memory_space<hbm>> -> memref<1x64x256xf32, #tpu.memory_space<hbm>>
    %dma_start3A_1287 = tpu.memref_squeeze %dma_start3A_1286 : memref<1x64x256xf32, #tpu.memory_space<hbm>> -> memref<64x256xf32, #tpu.memory_space<hbm>>
    %dma_start3A_1288 = arith.constant 0 : i32
    %dma_start3A_1289 = arith.constant 0 : i32
    %dma_start3A_1290 = tpu.memref_slice %arg5[%add3A_1283, %dma_start3A_1288, %dma_start3A_1289] : memref<500x64x256xf32, #tpu.memory_space<hbm>> -> memref<1x64x256xf32, #tpu.memory_space<hbm>>
    %dma_start3A_1291 = tpu.memref_squeeze %dma_start3A_1290 : memref<1x64x256xf32, #tpu.memory_space<hbm>> -> memref<64x256xf32, #tpu.memory_space<hbm>>
    tpu.enqueue_dma source(%arg9 : memref<64x256xf32, #tpu.memory_space<vmem>>) target(%dma_start3A_1291 : memref<64x256xf32, #tpu.memory_space<hbm>>) target_semaphore(%arg17 : memref<!tpu.dma_semaphore, #tpu.memory_space<semaphore_mem>>)
    %dma_wait3A_1292 = arith.constant 896 : i32
    %dma_wait3A_1293 = tpu.memref_slice %arg6[%dma_wait3A_1292] : memref<1024xi32, #tpu.memory_space<vmem>> -> memref<64xi32, #tpu.memory_space<vmem>>
    %dma_wait3A_1294 = arith.constant 0 : i32
    %dma_wait3A_1295 = arith.constant 0 : i32
    %dma_wait3A_1296 = tpu.memref_slice %arg4[%dma_wait3A_1294, %dma_wait3A_1295] : memref<365x256xf32, #tpu.memory_space<hbm>> -> memref<365x256xf32, #tpu.memory_space<hbm>>
    tpu.wait_indirect_dma semaphore(%arg14 : memref<!tpu.dma_semaphore, #tpu.memory_space<semaphore_mem>>) src(%dma_wait3A_1296 : memref<365x256xf32, #tpu.memory_space<hbm>>) dst(%arg10 : memref<64x256xf32, #tpu.memory_space<vmem>>)
    %add3A_1297 = arith.constant 14 : i32
    %add3A_1298 = arith.addi %add3A_4, %add3A_1297 : i32
    %dma_start3A_1299 = arith.constant 0 : i32
    %dma_start3A_1300 = arith.constant 0 : i32
    %dma_start3A_1301 = tpu.memref_slice %arg5[%add3A_1298, %dma_start3A_1299, %dma_start3A_1300] : memref<500x64x256xf32, #tpu.memory_space<hbm>> -> memref<1x64x256xf32, #tpu.memory_space<hbm>>
    %dma_start3A_1302 = tpu.memref_squeeze %dma_start3A_1301 : memref<1x64x256xf32, #tpu.memory_space<hbm>> -> memref<64x256xf32, #tpu.memory_space<hbm>>
    %dma_start3A_1303 = arith.constant 0 : i32
    %dma_start3A_1304 = arith.constant 0 : i32
    %dma_start3A_1305 = tpu.memref_slice %arg5[%add3A_1298, %dma_start3A_1303, %dma_start3A_1304] : memref<500x64x256xf32, #tpu.memory_space<hbm>> -> memref<1x64x256xf32, #tpu.memory_space<hbm>>
    %dma_start3A_1306 = tpu.memref_squeeze %dma_start3A_1305 : memref<1x64x256xf32, #tpu.memory_space<hbm>> -> memref<64x256xf32, #tpu.memory_space<hbm>>
    tpu.enqueue_dma source(%arg10 : memref<64x256xf32, #tpu.memory_space<vmem>>) target(%dma_start3A_1306 : memref<64x256xf32, #tpu.memory_space<hbm>>) target_semaphore(%arg18 : memref<!tpu.dma_semaphore, #tpu.memory_space<semaphore_mem>>)
    %dma_wait3A_1307 = arith.constant 960 : i32
    %dma_wait3A_1308 = tpu.memref_slice %arg6[%dma_wait3A_1307] : memref<1024xi32, #tpu.memory_space<vmem>> -> memref<64xi32, #tpu.memory_space<vmem>>
    %dma_wait3A_1309 = arith.constant 0 : i32
    %dma_wait3A_1310 = arith.constant 0 : i32
    %dma_wait3A_1311 = tpu.memref_slice %arg4[%dma_wait3A_1309, %dma_wait3A_1310] : memref<365x256xf32, #tpu.memory_space<hbm>> -> memref<365x256xf32, #tpu.memory_space<hbm>>
    tpu.wait_indirect_dma semaphore(%arg15 : memref<!tpu.dma_semaphore, #tpu.memory_space<semaphore_mem>>) src(%dma_wait3A_1311 : memref<365x256xf32, #tpu.memory_space<hbm>>) dst(%arg11 : memref<64x256xf32, #tpu.memory_space<vmem>>)
    %convert_element_type3A = arith.extui %lt3A_5 : i1 to i32
    %cond3A = arith.constant 0 : i32
    %cond3A_1312 = arith.cmpi ne, %convert_element_type3A, %cond3A : i32
    scf.if %cond3A_1312 {
      %add3A_1337 = arith.constant 15 : i32
      %add3A_1338 = arith.addi %add3A_4, %add3A_1337 : i32
      %dma_start3A_1339 = arith.constant 0 : i32
      %dma_start3A_1340 = arith.constant 0 : i32
      %dma_start3A_1341 = tpu.memref_slice %arg5[%add3A_1338, %dma_start3A_1339, %dma_start3A_1340] : memref<500x64x256xf32, #tpu.memory_space<hbm>> -> memref<1x64x256xf32, #tpu.memory_space<hbm>>
      %dma_start3A_1342 = tpu.memref_squeeze %dma_start3A_1341 : memref<1x64x256xf32, #tpu.memory_space<hbm>> -> memref<64x256xf32, #tpu.memory_space<hbm>>
      %dma_start3A_1343 = arith.constant 0 : i32
      %dma_start3A_1344 = arith.constant 0 : i32
      %dma_start3A_1345 = tpu.memref_slice %arg5[%add3A_1338, %dma_start3A_1343, %dma_start3A_1344] : memref<500x64x256xf32, #tpu.memory_space<hbm>> -> memref<1x64x256xf32, #tpu.memory_space<hbm>>
      %dma_start3A_1346 = tpu.memref_squeeze %dma_start3A_1345 : memref<1x64x256xf32, #tpu.memory_space<hbm>> -> memref<64x256xf32, #tpu.memory_space<hbm>>
      tpu.enqueue_dma source(%arg11 : memref<64x256xf32, #tpu.memory_space<vmem>>) target(%dma_start3A_1346 : memref<64x256xf32, #tpu.memory_space<hbm>>) target_semaphore(%arg19 : memref<!tpu.dma_semaphore, #tpu.memory_space<semaphore_mem>>)
      %dma_wait3A_1347 = arith.constant 0 : i32
      %dma_wait3A_1348 = arith.constant 0 : i32
      %dma_wait3A_1349 = tpu.memref_slice %arg5[%add3A_1338, %dma_wait3A_1347, %dma_wait3A_1348] : memref<500x64x256xf32, #tpu.memory_space<hbm>> -> memref<1x64x256xf32, #tpu.memory_space<hbm>>
      %dma_wait3A_1350 = tpu.memref_squeeze %dma_wait3A_1349 : memref<1x64x256xf32, #tpu.memory_space<hbm>> -> memref<64x256xf32, #tpu.memory_space<hbm>>
      %dma_wait3A_1351 = arith.constant 0 : i32
      %dma_wait3A_1352 = arith.constant 0 : i32
      %dma_wait3A_1353 = tpu.memref_slice %arg5[%add3A_1338, %dma_wait3A_1351, %dma_wait3A_1352] : memref<500x64x256xf32, #tpu.memory_space<hbm>> -> memref<1x64x256xf32, #tpu.memory_space<hbm>>
      %dma_wait3A_1354 = tpu.memref_squeeze %dma_wait3A_1353 : memref<1x64x256xf32, #tpu.memory_space<hbm>> -> memref<64x256xf32, #tpu.memory_space<hbm>>
      tpu.wait_dma2 semaphore(%arg19 : memref<!tpu.dma_semaphore, #tpu.memory_space<semaphore_mem>>) src(%arg11 : memref<64x256xf32, #tpu.memory_space<vmem>>) dst(%dma_wait3A_1354 : memref<64x256xf32, #tpu.memory_space<hbm>>)
    } else {
    }
    %dma_wait3A_1313 = arith.constant 0 : i32
    %dma_wait3A_1314 = arith.constant 0 : i32
    %dma_wait3A_1315 = tpu.memref_slice %arg5[%add3A_1268, %dma_wait3A_1313, %dma_wait3A_1314] : memref<500x64x256xf32, #tpu.memory_space<hbm>> -> memref<1x64x256xf32, #tpu.memory_space<hbm>>
    %dma_wait3A_1316 = tpu.memref_squeeze %dma_wait3A_1315 : memref<1x64x256xf32, #tpu.memory_space<hbm>> -> memref<64x256xf32, #tpu.memory_space<hbm>>
    %dma_wait3A_1317 = arith.constant 0 : i32
    %dma_wait3A_1318 = arith.constant 0 : i32
    %dma_wait3A_1319 = tpu.memref_slice %arg5[%add3A_1268, %dma_wait3A_1317, %dma_wait3A_1318] : memref<500x64x256xf32, #tpu.memory_space<hbm>> -> memref<1x64x256xf32, #tpu.memory_space<hbm>>
    %dma_wait3A_1320 = tpu.memref_squeeze %dma_wait3A_1319 : memref<1x64x256xf32, #tpu.memory_space<hbm>> -> memref<64x256xf32, #tpu.memory_space<hbm>>
    tpu.wait_dma2 semaphore(%arg16 : memref<!tpu.dma_semaphore, #tpu.memory_space<semaphore_mem>>) src(%arg8 : memref<64x256xf32, #tpu.memory_space<vmem>>) dst(%dma_wait3A_1320 : memref<64x256xf32, #tpu.memory_space<hbm>>)
    %dma_wait3A_1321 = arith.constant 0 : i32
    %dma_wait3A_1322 = arith.constant 0 : i32
    %dma_wait3A_1323 = tpu.memref_slice %arg5[%add3A_1283, %dma_wait3A_1321, %dma_wait3A_1322] : memref<500x64x256xf32, #tpu.memory_space<hbm>> -> memref<1x64x256xf32, #tpu.memory_space<hbm>>
    %dma_wait3A_1324 = tpu.memref_squeeze %dma_wait3A_1323 : memref<1x64x256xf32, #tpu.memory_space<hbm>> -> memref<64x256xf32, #tpu.memory_space<hbm>>
    %dma_wait3A_1325 = arith.constant 0 : i32
    %dma_wait3A_1326 = arith.constant 0 : i32
    %dma_wait3A_1327 = tpu.memref_slice %arg5[%add3A_1283, %dma_wait3A_1325, %dma_wait3A_1326] : memref<500x64x256xf32, #tpu.memory_space<hbm>> -> memref<1x64x256xf32, #tpu.memory_space<hbm>>
    %dma_wait3A_1328 = tpu.memref_squeeze %dma_wait3A_1327 : memref<1x64x256xf32, #tpu.memory_space<hbm>> -> memref<64x256xf32, #tpu.memory_space<hbm>>
    tpu.wait_dma2 semaphore(%arg17 : memref<!tpu.dma_semaphore, #tpu.memory_space<semaphore_mem>>) src(%arg9 : memref<64x256xf32, #tpu.memory_space<vmem>>) dst(%dma_wait3A_1328 : memref<64x256xf32, #tpu.memory_space<hbm>>)
    %dma_wait3A_1329 = arith.constant 0 : i32
    %dma_wait3A_1330 = arith.constant 0 : i32
    %dma_wait3A_1331 = tpu.memref_slice %arg5[%add3A_1298, %dma_wait3A_1329, %dma_wait3A_1330] : memref<500x64x256xf32, #tpu.memory_space<hbm>> -> memref<1x64x256xf32, #tpu.memory_space<hbm>>
    %dma_wait3A_1332 = tpu.memref_squeeze %dma_wait3A_1331 : memref<1x64x256xf32, #tpu.memory_space<hbm>> -> memref<64x256xf32, #tpu.memory_space<hbm>>
    %dma_wait3A_1333 = arith.constant 0 : i32
    %dma_wait3A_1334 = arith.constant 0 : i32
    %dma_wait3A_1335 = tpu.memref_slice %arg5[%add3A_1298, %dma_wait3A_1333, %dma_wait3A_1334] : memref<500x64x256xf32, #tpu.memory_space<hbm>> -> memref<1x64x256xf32, #tpu.memory_space<hbm>>
    %dma_wait3A_1336 = tpu.memref_squeeze %dma_wait3A_1335 : memref<1x64x256xf32, #tpu.memory_space<hbm>> -> memref<64x256xf32, #tpu.memory_space<hbm>>
    tpu.wait_dma2 semaphore(%arg18 : memref<!tpu.dma_semaphore, #tpu.memory_space<semaphore_mem>>) src(%arg10 : memref<64x256xf32, #tpu.memory_space<vmem>>) dst(%dma_wait3A_1336 : memref<64x256xf32, #tpu.memory_space<hbm>>)
    return
  }
}

module attributes {stable_mosaic.version = 14 : i64} {
  func.func @_tc_noise_body(%arg0: memref<64x4x500xf32, #tpu.memory_space<vmem>>, %arg1: memref<64x4x500xf32, #tpu.memory_space<vmem>>, %arg2: memref<64x4x500xf32, #tpu.memory_space<vmem>>) attributes {dimension_semantics = [], scalar_prefetch = 0 : i64, scratch_operands = 0 : i64, tpu.core_type = #tpu.core_type<tc>} {
    %get3A = arith.constant 0 : index
    %get3A_0 = arith.constant 0 : index
    %get3A_1 = arith.constant 0 : index
    %get3A_2 = vector.load %arg0[%get3A, %get3A_0, %get3A_1] : memref<64x4x500xf32, #tpu.memory_space<vmem>>, vector<64x4x500xf32>
    %get3A_3 = arith.constant 0 : index
    %get3A_4 = arith.constant 0 : index
    %get3A_5 = arith.constant 0 : index
    %get3A_6 = vector.load %arg1[%get3A_3, %get3A_4, %get3A_5] : memref<64x4x500xf32, #tpu.memory_space<vmem>>, vector<64x4x500xf32>
    %slice3A = vector.extract_strided_slice %get3A_2 {offsets = [0, 2, 0], sizes = [64, 2, 500], strides = [1, 1, 1]} : vector<64x4x500xf32> to vector<64x2x500xf32>
    %slice3A_7 = vector.extract_strided_slice %get3A_2 {offsets = [0, 0, 0], sizes = [64, 2, 500], strides = [1, 1, 1]} : vector<64x4x500xf32> to vector<64x2x500xf32>
    %concatenate3A = tpu.concatenate %slice3A, %slice3A_7 in 1 : vector<64x2x500xf32>, vector<64x2x500xf32> -> vector<64x4x500xf32>
    %iota3A = tpu.iota {dimensions = array<i32: 1>} : vector<64x4x500xi32>
    %lt3A = arith.constant 2 : i32
    %lt3A_8 = vector.broadcast %lt3A : i32 to vector<64x4x500xi32>
    %lt3A_9 = arith.cmpi slt, %iota3A, %lt3A_8 : vector<64x4x500xi32>
    %mul3A = arith.constant 5.000000e-01 : f32
    %mul3A_10 = vector.broadcast %mul3A : f32 to vector<64x4x500xf32>
    %mul3A_11 = arith.mulf %concatenate3A, %mul3A_10 : vector<64x4x500xf32>
    %select_n3A = arith.select %lt3A_9, %mul3A_11, %get3A_2 : vector<64x4x500xi1>, vector<64x4x500xf32>
    %mul3A_12 = arith.mulf %get3A_6, %select_n3A : vector<64x4x500xf32>
    %add3A = arith.addf %get3A_2, %mul3A_12 : vector<64x4x500xf32>
    %jit3A = arith.constant 0.000000e+00 : f32
    %jit3A_13 = arith.constant 1.000000e+00 : f32
    %max3A = vector.broadcast %jit3A : f32 to vector<64x4x500xf32>
    %max3A_14 = arith.maximumf %max3A, %add3A : vector<64x4x500xf32>
    %min3A = vector.broadcast %jit3A_13 : f32 to vector<64x4x500xf32>
    %min3A_15 = arith.minimumf %min3A, %max3A_14 : vector<64x4x500xf32>
    %max3A_16 = arith.constant 9.99999974E-6 : f32
    %max3A_17 = vector.broadcast %max3A_16 : f32 to vector<64x4x500xf32>
    %max3A_18 = arith.maximumf %min3A_15, %max3A_17 : vector<64x4x500xf32>
    %sub3A = arith.constant 1.000000e+00 : f32
    %sub3A_19 = vector.broadcast %sub3A : f32 to vector<64x4x500xf32>
    %sub3A_20 = arith.subf %sub3A_19, %min3A_15 : vector<64x4x500xf32>
    %max3A_21 = arith.constant 9.99999974E-6 : f32
    %max3A_22 = vector.broadcast %max3A_21 : f32 to vector<64x4x500xf32>
    %max3A_23 = arith.maximumf %sub3A_20, %max3A_22 : vector<64x4x500xf32>
    %div3A = arith.divf %max3A_18, %max3A_23 : vector<64x4x500xf32>
    %log3A = math.log %div3A : vector<64x4x500xf32>
    %swap3A = arith.constant 0 : index
    %swap3A_24 = arith.constant 0 : index
    %swap3A_25 = arith.constant 0 : index
    %swap3A_26 = vector.load %arg2[%swap3A, %swap3A_24, %swap3A_25] : memref<64x4x500xf32, #tpu.memory_space<vmem>>, vector<64x4x500xf32>
    tpu.vector_store %arg2[%swap3A, %swap3A_24, %swap3A_25], %log3A {strides = array<i32>} : memref<64x4x500xf32, #tpu.memory_space<vmem>>, vector<64x4x500xf32>,
    return
  }
}

</mosaic_0001>

<sc_bundles>
// kernel: kernel.4.cloned.1.call-start
scs
__scs_entry_jumppad:
0x0: {  	(pc) =	sbr.rel $0x88, $3  }
0x1: {  	(tag) =	ssettag $0x0;
	lr =	simm.s32 $0x1  }
0x2: {  	[smem:$0x3F9E] =	sst lr;
	_ =	strace $0xD0000000  }
0x3: {  	_ = 	snop  }
0x4: {  	_ = 	snop  }
0x5: {  	_ = 	snop  }
0x6: {  	_ = 	snop  }
0x7: {  	_ = 	snop  }
__scs_overlays_trampoline_lowered:
0x8: {  	[smem:$0x3FAD] =	sst s0  }
0x9: {  	[smem:$0x3FAE] =	sst s1  }
0xa: {  	[smem:$0x3FAF] =	sst s2  }
0xb: {  	[smem:$0x3FB0] =	sst s3  }
0xc: {  	[smem:$0x3FB1] =	sst s4  }
0xd: {  	[smem:$0x3FB2] =	sst s5  }
0xe: {  	[smem:$0x3FB3] =	sst s6  }
0xf: {  	[smem:$0x3FB4] =	sst s7  }
0x10: {  	[smem:$0x3FB5] =	sst s8  }
0x11: {  	[smem:$0x3FB6] =	sst s9;
	s0 =	simm.s32 @!p0 $0x0  }
0x12: {  	s1 =	sld [smem:$0x3F9C];
	s0 =	simm.s32 @p0 $0x1  }
0x13: {  	[smem:$0x3FB7] =	sst s0;
	s0 =	simm.s32 @!p1 $0x0  }
0x14: {  	s2 =	sld [smem:$0x3F9B];
	s0 =	simm.s32 @p1 $0x1  }
0x15: {  	[smem:$0x3FB8] =	sst s0;
	s0 =	simm.s32 @!p2 $0x0  }
0x16: {  	s3 =	sld [smem:$0x3FDB];
	s0 =	simm.s32 @p2 $0x1  }
0x17: {  	s4 =	simm.s32 $0x1BF5;
	[smem:$0x3FBA] =	sst s0  }
0x18: {  	s0 =	sld [smem:$0x3F9D];
	_ =	swait.ge [sflag:s4], $0x0  }
0x19: {  	s7 =	sld [smem:$0x3F9E]  }
0x1a: {  	s8 =	sadd.s32 $0xFFFFE003, lr  }
0x1b: {  	s9 =	sadd.s32 $0xFFFFFEF7, lr;
	s5 =	simm.s32 $0xFFFFFFFF;
	p2 =	slt.u32 s8, $0xFFFFF086  }
0x1c: {  	p1 =	slt.u32 s9, $0xF7A;
	s5 =	simm.s32 @!p2 $0x0  }
0x1d: {  	s5 =	simm.s32 @p1 $0x1;
	p0 =	seq.s32 s7, s2  }
0x1e: {  	s7 =	smul.u32 @!p0 $0xF7A, s2;
	p2 =	seq.s32 @!p0 s5, $0x0  }
0x1f: {  	s9 =	smul.u32 $0xF7A, s1;
	s8 =	simm.s32 @!p0 $0x1BF5;
	p2 =	por !p2, p0  }
0x20: {  	[sflag:s8] =	ssyncset.s32 @!p0 $0xFFFFF086;
	s6 =	sadd.s32 @!p0 s3, s7;
	s7 =	simm.s32 @!p0 $0x108  }
0x21: {  	s3 =	sadd.s32 s3, s9;
	s6 =	sadd.s32 @!p0 $0x88, s6;
	s7 =	simm.s32 @p2 $0x1082  }
0x22: {  	[simem:s7], [sflag:s8] =	dma.local @!p0 [hbm:s6], $0xF7A  }
0x23: {  	s9 =	sor.u32 $0xD0000000, s2;
	s6 =	simm.s32 $0x108;
	_ =	swait.ge @!p0 [sflag:s8], $0x0  }
0x24: {  	s3 =	sadd.s32 $0x88, s3;
	s6 =	simm.s32 @!p1 $0x1082;
	[sflag:s4] =	ssyncset.s32 $0xFFFFF086  }
0x25: {  	[simem:s6], [sflag:s4] =	dma.local [hbm:s3], $0xF7A  }
0x26: {  	[smem:$0x3F9E] =	sst s1;
	(tag) =	ssettag s2;
	_ =	strace s9  }
0x27: {  	s1 =	sld [smem:$0x3FAE]  }
0x28: {  	s2 =	sld [smem:$0x3FAF]  }
0x29: {  	s4 =	sld [smem:$0x3FB1]  }
0x2a: {  	p0 =	seq.s32 s5, $0x0;
	s5 =	sld [smem:$0x3FB2]  }
0x2b: {  	s6 =	sld [smem:$0x3FB3]  }
0x2c: {  	s7 =	sld [smem:$0x3FB4]  }
0x2d: {  	s3 =	simm.s32 $0x108;
	s8 =	sld [smem:$0x3FB5]  }
0x2e: {  	s3 =	simm.s32 @!p0 $0x1082;
	s9 =	sld [smem:$0x3FB6]  }
0x2f: {  	lr =	sadd.s32 s0, s3;
	s0 =	sld [smem:$0x3FAD]  }
0x30: {  	s3 =	sld [smem:$0x3FB0]  }
0x31: {  	[smem:$0x3FB9] =	sst s10  }
0x32: {  	s10 =	sld [smem:$0x3FB7];
	_ =	sdelay $0x3  }
0x33: {  	p0 =	seq.s32 s10, $0x1;
	s10 =	sld [smem:$0x3FB9];
	_ =	sdelay $0x3  }
0x34: {  	[smem:$0x3FB9] =	sst s10  }
0x35: {  	s10 =	sld [smem:$0x3FB8];
	_ =	sdelay $0x3  }
0x36: {  	p1 =	seq.s32 s10, $0x1;
	s10 =	sld [smem:$0x3FB9];
	_ =	sdelay $0x3  }
0x37: {  	[smem:$0x3FB9] =	sst s10  }
0x38: {  	s10 =	sld [smem:$0x3FBA]  }
0x39: {  	_ = 	snop;
	(pc) =	sbr.ind lr, $3  }
0x3a: {  	_ = 	snop  }
0x3b: {  	_ = 	snop  }
0x3c: {  	p2 =	seq.s32 s10, $0x1;
	s10 =	sld [smem:$0x3FB9]  }
0x3d: {  	_ =	shalt  }
0x3e: {  	_ =	shalt  }
0x3f: {  	_ =	shalt  }
0x40: {  	_ =	shalt  }
0x41: {  	_ =	shalt  }
0x42: {  	_ =	shalt  }
0x43: {  	_ =	shalt  }
0x44: {  	_ =	shalt  }
0x45: {  	_ =	shalt  }
0x46: {  	_ =	shalt  }
0x47: {  	_ =	shalt  }
0x48: {  	_ =	shalt  }
0x49: {  	_ =	shalt  }
0x4a: {  	_ =	shalt  }
0x4b: {  	_ =	shalt  }
0x4c: {  	_ =	shalt  }
0x4d: {  	_ =	shalt  }
0x4e: {  	_ =	shalt  }
0x4f: {  	_ =	shalt  }
0x50: {  	_ =	shalt  }
0x51: {  	_ =	shalt  }
0x52: {  	_ =	shalt  }
0x53: {  	_ =	shalt  }
0x54: {  	_ =	shalt  }
0x55: {  	_ =	shalt  }
0x56: {  	_ =	shalt  }
0x57: {  	_ =	shalt  }
0x58: {  	_ =	shalt  }
0x59: {  	_ =	shalt  }
0x5a: {  	_ =	shalt  }
0x5b: {  	_ =	shalt  }
0x5c: {  	_ =	shalt  }
0x5d: {  	_ =	shalt  }
0x5e: {  	_ =	shalt  }
0x5f: {  	_ =	shalt  }
0x60: {  	_ =	shalt  }
0x61: {  	_ =	shalt  }
0x62: {  	_ =	shalt  }
0x63: {  	_ =	shalt  }
0x64: {  	_ =	shalt  }
0x65: {  	_ =	shalt  }
0x66: {  	_ =	shalt  }
0x67: {  	_ =	shalt  }
0x68: {  	_ =	shalt  }
0x69: {  	_ =	shalt  }
0x6a: {  	_ =	shalt  }
0x6b: {  	_ =	shalt  }
0x6c: {  	_ =	shalt  }
0x6d: {  	_ =	shalt  }
0x6e: {  	_ =	shalt  }
0x6f: {  	_ =	shalt  }
0x70: {  	_ =	shalt  }
0x71: {  	_ =	shalt  }
0x72: {  	_ =	shalt  }
0x73: {  	_ =	shalt  }
0x74: {  	_ =	shalt  }
0x75: {  	_ =	shalt  }
0x76: {  	_ =	shalt  }
0x77: {  	_ =	shalt  }
0x78: {  	_ =	shalt  }
0x79: {  	_ =	shalt  }
0x7a: {  	_ =	shalt  }
0x7b: {  	_ =	shalt  }
0x7c: {  	_ =	shalt  }
0x7d: {  	_ =	shalt  }
0x7e: {  	_ =	shalt  }
0x7f: {  	_ =	shalt  }
0x80: {  	_ =	shalt  }
0x81: {  	_ =	shalt  }
0x82: {  	_ =	shalt  }
0x83: {  	_ =	shalt  }
0x84: {  	_ =	shalt  }
0x85: {  	_ =	shalt  }
0x86: {  	_ =	shalt  }
0x87: {  	_ =	shalt  }
.Lfunc_end0:
.L_simem_size_0:
called_computation_lowered:
.L_overlay_start_0:
0x88: {  	s2 =	sld [smem:$0x3FD9]  }
0x89: {  	s3 =	sld [smem:$0x3FFE];
	_ =	sdelay $0x1  }
0x8a: {  	s1 =	srdreg.scid  }
0x8b: {  	s0 =	sand.u32 $0x1, s1  }
0x8c: {  	s14 =	sshll.u32 s0, $0xA;
	s2 =	sadd.s32 s3, s2  }
0x8d: {  	s2 =	sadd.s32 s2, s14  }
0x8e: {  	[smem:$0x3FC5] =	sst s2  }
0x8f: {  	_ = 	snop  }
0x90: {  	s2 =	sld [smem:$0x3FD0];
	_ =	sdelay $0x2  }
0x91: {  	s4 =	simm.s32 $0xA;
	s5 =	simm.s32 $0x10;
	s15 =	sld [smem:$0x3FC7]  }
0x92: {  	[smem:s5], [sflag:s4] =	dma.local [hbm:s2], $0x1  }
0x93: {  	_ =	swait.eq [sflag:s4], $0x1  }
0x94: {  	[sflag:s4] =	ssyncset.done $0x0  }
0x95: {  	s16 =	sld [smem:$0x10];
	[sflag:s4] =	ssyncadd.s32 $0xFFFFFFFF  }
0x96: {  	s17 =	sld [smem:$0x12];
	(tm) =	ssettm $0x1  }
0x97: {  	s18 =	sld [smem:$0x3FFB];
	_ =	sdelay $0x3  }
0x98: {  	_ =	strace s18  }
0x99: {  	s5 =	sld [smem:$0x3FFC];
	_ =	sdelay $0x3  }
0x9a: {  	_ =	strace s5  }
0x9b: {  	s5 =	sld [smem:$0x3FFD];
	_ =	sdelay $0x3  }
0x9c: {  	_ =	strace s5  }
0x9d: {  	_ =	strace $0x8FFFFFFF  }
0x9e: {  	s19 =	sld [smem:$0x3FDB];
	_ =	sdelay $0x1  }
0x9f: {  	s6 =	simm.s32 $_scs_section_size  }
0xa0: {  	s7 =	simm.s32 $_size__tile_overlayer_lowered;
	s8 =	simm.s32 $_tile_overlayer_lowered  }
0xa1: {  	s22 =	simm.s32 $0x1BFF;
	s21 =	sshll.u32 s8, $0x1;
	s5 =	sadd.s32 s6, s19  }
0xa2: {  	s9 =	simm.s32 $0x0;
	s20 =	sshll.u32 s7, $0x1;
	s7 =	sadd.s32 s21, s5  }
0xa3: {  	[timem:s9], [sflag:s22] =	dma.local [hbm:s7], s20  }
0xa4: {  	_ =	swait.ge [sflag:s22], s20  }
0xa5: {  	s6 =	ssub.s32 $0x0, s20;
	[sflag:s22] =	ssyncset.done $0x0  }
0xa6: {  	[sflag:s22] =	ssyncadd.s32 s6;
	_ =	sdelay $0x1  }
0xa7: {  	s23 =	simm.s32 $0x1B8B  }
0xa8: {  	_ =	swait.ge [sflag:s23], $0x1  }
0xa9: {  	[sflag:s23] =	ssyncset.done $0x0  }
0xaa: {  	s25 =	simm.s32 $0x1B8E;
	s24 =	sld [smem:$0x3FFE];
	[sflag:s23] =	ssyncadd.s32 $0xFFFFFFFF  }
0xab: {  	s26 =	simm.s32 $execute0_lowered;
	[smem:$0x3FD2] =	sst s25  }
0xac: {  	s7 =	sshll.u32 s26, $0x1;
	_ =	strace $0x80000046;
	[dreg:$0x1] =	wrdreg $0xFFFFFFFF  }
0xad: {  	s28 =	simm.s32 $_size_execute0_lowered;
	s5 =	sadd.s32 s5, s7;
	[dreg:$0x0] =	wrdreg $0x0  }
0xae: {  	s7 =	sshll.u32 s28, $0x1;
	[dreg:$0x2] =	wrdreg s5  }
0xaf: {  	[dreg:$0x3] =	wrdreg s7  }
0xb0: {  	[dreg:$0x4] =	wrdreg $0xC0  }
0xb1: {  	_ =	task [dreg:s9], $0x5FFFF  }
0xb2: {  	[dreg:$0x1] =	wrdreg $0xFFFFFFFF  }
0xb3: {  	[dreg:$0x0] =	wrdreg $0x60  }
0xb4: {  	[dreg:$0x2] =	wrdreg s17  }
0xb5: {  	[dreg:$0x3] =	wrdreg s24  }
0xb6: {  	[dreg:$0x4] =	wrdreg s15  }
0xb7: {  	[dreg:$0x5] =	wrdreg s16  }
0xb8: {  	[dreg:$0x6] =	wrdreg $0x9  }
0xb9: {  	_ =	task.clear_ibuf [dreg:s9], $0x7FFFF;
	_ =	strace $0x90000046  }
0xba: {  	s29 =	simm.s32 $0x9;
	_ =	strace $0x80000048  }
0xbb: {  	_ =	swait.ge [sflag:s29], $0x1  }
0xbc: {  	[sflag:s29] =	ssyncadd.s32 $0xFFFFFFFF  }
0xbd: {  	_ =	strace $0x90000048  }
0xbe: {  	_ =	sfence  }
0xbf: {  	s30 =	sld [smem:$0x0];
	_ =	sdelay $0x2  }
0xc0: {  	s31 =	sshll.u32 s1, $0xD;
	s1 =	sshrl.u32 s1, $0x2  }
0xc1: {  	s3 =	sand.u32 $0x4000, s31;
	s1 =	sadd.s32 s1, s30  }
0xc2: {  	s0 =	sor.u32 s3, s0;
	s1 =	sshll.u32 s1, $0x11  }
0xc3: {  	s0 =	sor.u32 s1, s0  }
0xc4: {  	s0 =	sadd.s32 $0x8F2B, s0  }
0xc5: {  	[sflag:s0] =	ssyncadd.remote.s32 $0x1  }
0xc6: {  	_ =	sfence.sel $0xFFFF  }
0xc7: {  	[dreg:$0x0] =	wrdreg $0xFFFFFFFF;
	(pc) =	sbr.abs _section_cstart, $3  }
0xc8: {  	[dreg:$0x1] =	wrdreg $0xFFFFFFFF  }
0xc9: {  	_ =	task.clear_ibuf [dreg:s9], $0x2FFFF;
	_ =	strace $0x9FFFFFFF  }
0xca: {  	(tm) =	ssettm $0x7FFFFFFF  }
0xcb: {  	_ =	shalt  }
tec
execute0_lowered:
.L_overlay_start_1:
0x0: {  	(tag) =	ssettag $0x1  }
0x1: {  	s1 =	srdreg.scid;
	s8 =	stileid.u32  }
0x2: {  	s0 =	rddreg [dreg:$0x0];
	s1 =	sand.u32 $0x1, s1;
	s3 =	sshll.u32 s8, $0x1  }
0x3: {  	s4 =	rddreg [dreg:$0x1];
	s5 =	sor.u32 s1, s3  }
0x4: {  	s2 =	rddreg [dreg:$0x2];
	s7 =	smul.u32 $0xF, s5  }
0x5: {  	s6 =	rddreg [dreg:$0x3];
	s3 =	simm.s32 $0x0;
	s5 =	smin.u32 s5, $0x14  }
0x6: {  	[smem:$0x7FF] =	sst s3;
	s5 =	sadd.s32 s5, s7  }
0x7: {  	s31 =	simm.s32 $0x400;
	_ =	strace $0x80000047;
	s7 =	sshll.u32 s5, $0x3  }
0x8: {  	[dreg:$0x16] =	wrdreg s31;
	s5 =	sshll.u32 s5, $0xB;
	s0 =	sadd.s32 s0, s7  }
0x9: {  	s4 =	sadd.s32 s7, s4;
	s5 =	sadd.s32 s6, s5;
	[dreg:$0x5] =	wrdreg s0  }
0xa: {  	s13 =	sadd.s32 $0xA00, s4;
	[dreg:$0x17] =	wrdreg s5  }
0xb: {  	s14 =	sadd.s32 $0x800, s5;
	[dreg:$0x6] =	wrdreg s13  }
0xc: {  	s15 =	sadd.s32 $0x1000, s5;
	[dreg:$0x7] =	wrdreg s14  }
0xd: {  	s16 =	sadd.s32 $0x1800, s5;
	[dreg:$0x8] =	wrdreg s15  }
0xe: {  	s17 =	sadd.s32 $0x2000, s5;
	[dreg:$0x9] =	wrdreg s16  }
0xf: {  	s18 =	sadd.s32 $0x2800, s5;
	[dreg:$0xa] =	wrdreg s17  }
0x10: {  	s19 =	sadd.s32 $0x3000, s5;
	[dreg:$0xb] =	wrdreg s18  }
0x11: {  	s20 =	sadd.s32 $0x3800, s5;
	[dreg:$0xc] =	wrdreg s19  }
0x12: {  	s21 =	sadd.s32 $0x4000, s5;
	[dreg:$0xd] =	wrdreg s20  }
0x13: {  	s10 =	simm.s32 $0x5;
	s22 =	sadd.s32 $0x4800, s5;
	[dreg:$0xe] =	wrdreg s21  }
0x14: {  	p0 =	sgt.u32 s8, $0x9;
	s23 =	sadd.s32 $0x5000, s5;
	[dreg:$0xf] =	wrdreg s22  }
0x15: {  	s1 =	ssub.s32 $0x2, s1;
	s24 =	sadd.s32 $0x5800, s5;
	[dreg:$0x10] =	wrdreg s23  }
0x16: {  	s28 =	sshrl.u32 s1, $0x1;
	s25 =	sadd.s32 $0x6000, s5;
	[dreg:$0x11] =	wrdreg s24  }
0x17: {  	s1 =	ssub.s32 s1, s28;
	s26 =	sadd.s32 $0x6800, s5;
	[dreg:$0x12] =	wrdreg s25  }
0x18: {  	s6 =	simm.s32 $0x1;
	s29 =	sadd.s32 $0x7000, s5;
	[dreg:$0x13] =	wrdreg s26  }
0x19: {  	s7 =	simm.s32 $0x2;
	s30 =	sadd.s32 $0x7800, s5;
	[dreg:$0x14] =	wrdreg s29  }
0x1a: {  	v2 =	vlaneseq.u32;
	s5 =	smax.u32 s1, $0x1;
	[dreg:$0x15] =	wrdreg s30;
	s17 =	simm.s32 $0x6  }
0x1b: {  	vm0 =	vmmov $0xffff;
	v1 =	vshrl.u32 v2, $0x3;
	s18 =	simm.s32 $0x3;
	s19 =	simm.s32 $0x7;
	s20 =	simm.s32 $0x4  }
0x1c: {  	v0 =	vand.u32 $0x7, v2;
	v2 =	vor.u32 $0x8, v2;
	v1 =	vmul.u32 $0x8, v1;
	s16 =	simm.s32 $0x800;
	s24 =	simm.s32 $0x4800;
	s21 =	simm.s32 $0x8800  }
.LBB2_1:
0x1d: {  	s22 =	rddreg [dreg:$0x5]  }
0x1e: {  	s23 =	rddreg [dreg:$0x6]  }
0x1f: {  	[tilespmem:s3], [sflag:$0x1] =	stream.linear.gather [hbm4b:s22+s3], $0x400, $0x38;
	[tilespmem:$0x10800] =	vst v63  }
0x20: {  	s25 =	rddreg [dreg:$0x16]  }
0x21: {  	[tilespmem:s25], [sflag:$0x2] =	stream.linear.gather [hbm4b:s23+s3], $0x400, $0x38;
	[tilespmem:$0x10800] =	vst v63  }
0x22: {  	_ =	swait.ge [sflag:s6], $0x400  }
0x23: {  	[sflag:s6] =	ssyncset.done $0x0  }
0x24: {  	[sflag:s6] =	ssyncadd.s32 $0xFFFFFC00  }
0x25: {  	_ =	swait.ge [sflag:s7], $0x400  }
0x26: {  	[sflag:s7] =	ssyncset.done $0x0  }
0x27: {  	[sflag:s7] =	ssyncadd.s32 $0xFFFFFC00  }
0x28: {  	v3 =	vld [tilespmem:$0x400]  }
0x29: {  	v9 =	vld [tilespmem:$0x410]  }
0x2a: {  	v10 =	vld [tilespmem:$0x10]  }
0x2b: {  	v12 =	vld [tilespmem:$0x420]  }
0x2c: {  	v13 =	vld [tilespmem:$0x20]  }
0x2d: {  	v14 =	vld [tilespmem:$0x430]  }
0x2e: {  	v15 =	vld [tilespmem:$0x30]  }
0x2f: {  	v16 =	vld [tilespmem:$0x440]  }
0x30: {  	v17 =	vld [tilespmem:$0x40]  }
0x31: {  	v18 =	vld [tilespmem:$0x450]  }
0x32: {  	v19 =	vld [tilespmem:$0x50]  }
0x33: {  	v20 =	vld [tilespmem:$0x460]  }
0x34: {  	v21 =	vld [tilespmem:$0x60]  }
0x35: {  	v22 =	vld [tilespmem:$0x470]  }
0x36: {  	v23 =	vld [tilespmem:$0x70]  }
0x37: {  	v24 =	vld [tilespmem:$0x480]  }
0x38: {  	v25 =	vld [tilespmem:$0x80]  }
0x39: {  	v26 =	vld [tilespmem:$0x490]  }
0x3a: {  	v27 =	vld [tilespmem:$0x90]  }
0x3b: {  	v28 =	vld [tilespmem:$0x4A0]  }
0x3c: {  	v29 =	vld [tilespmem:$0xA0]  }
0x3d: {  	v30 =	vld [tilespmem:$0x4B0]  }
0x3e: {  	v31 =	vld [tilespmem:$0xB0]  }
0x3f: {  	v32 =	vld [tilespmem:$0x4C0]  }
0x40: {  	v33 =	vld [tilespmem:$0xC0]  }
0x41: {  	v34 =	vld [tilespmem:$0x4D0]  }
0x42: {  	v35 =	vld [tilespmem:$0xD0]  }
0x43: {  	v36 =	vld [tilespmem:$0x4E0]  }
0x44: {  	v37 =	vld [tilespmem:$0xE0]  }
0x45: {  	v38 =	vld [tilespmem:$0x4F0]  }
0x46: {  	v39 =	vld [tilespmem:$0xF0]  }
0x47: {  	v40 =	vld [tilespmem:$0x500]  }
0x48: {  	v41 =	vld [tilespmem:$0x100]  }
0x49: {  	v42 =	vld [tilespmem:$0x510]  }
0x4a: {  	v43 =	vld [tilespmem:$0x110]  }
0x4b: {  	v44 =	vld [tilespmem:$0x520]  }
0x4c: {  	v45 =	vld [tilespmem:$0x120]  }
0x4d: {  	v46 =	vld [tilespmem:$0x530]  }
0x4e: {  	v47 =	vld [tilespmem:$0x130]  }
0x4f: {  	v48 =	vld [tilespmem:$0x540]  }
0x50: {  	v49 =	vld [tilespmem:$0x140]  }
0x51: {  	v50 =	vld [tilespmem:$0x550]  }
0x52: {  	v51 =	vld [tilespmem:$0x150]  }
0x53: {  	v52 =	vld [tilespmem:$0x560]  }
0x54: {  	v53 =	vld [tilespmem:$0x160]  }
0x55: {  	v54 =	vld [tilespmem:$0x570]  }
0x56: {  	v55 =	vld [tilespmem:$0x170]  }
0x57: {  	v56 =	vld [tilespmem:$0x580]  }
0x58: {  	v57 =	vld [tilespmem:$0x180]  }
0x59: {  	v58 =	vld [tilespmem:$0x590]  }
0x5a: {  	v59 =	vld [tilespmem:$0x190]  }
0x5b: {  	v60 =	vld [tilespmem:$0x5A0];
	vm1 =	vlt.s32 v9, $0x0  }
0x5c: {  	v61 =	vld [tilespmem:$0x1A0];
	v10 =	vsel vm1, v10, v9;
	vm1 =	vlt.s32 v12, $0x0  }
0x5d: {  	v62 =	vld [tilespmem:$0x5B0];
	v12 =	vsel vm1, v13, v12;
	vm1 =	vlt.s32 v14, $0x0  }
0x5e: {  	v63 =	vld [tilespmem:$0x1B0];
	[tilespmem:$0x20] =	vst v12;
	v12 =	vsel vm1, v15, v14;
	vm1 =	vlt.s32 v16, $0x0  }
0x5f: {  	v4 =	vld [tilespmem:$0x1C0];
	v17 =	vsel vm1, v17, v16;
	vm1 =	vlt.s32 v18, $0x0  }
0x60: {  	v5 =	vld [tilespmem:$0x1D0];
	v19 =	vsel vm1, v19, v18;
	vm1 =	vlt.s32 v20, $0x0  }
0x61: {  	v6 =	vld [tilespmem:$0x1E0];
	v21 =	vsel vm1, v21, v20;
	vm1 =	vlt.s32 v22, $0x0  }
0x62: {  	v7 =	vld [tilespmem:$0x1F0];
	v23 =	vsel vm1, v23, v22;
	vm1 =	vlt.s32 v24, $0x0  }
0x63: {  	v8 =	vld [tilespmem:$0x600];
	v25 =	vsel vm1, v25, v24;
	vm1 =	vlt.s32 v26, $0x0  }
0x64: {  	v11 =	vld [tilespmem:$0x200];
	v26 =	vsel vm1, v27, v26;
	vm1 =	vlt.s32 v28, $0x0  }
0x65: {  	[tilespmem:$0x1FFE0] =	vst v3;
	v3 =	vld [tilespmem:$0x0];
	v27 =	vsel vm1, v29, v28;
	vm1 =	vlt.s32 v30, $0x0  }
0x66: {  	[tilespmem:$0x1FF80] =	vst v4;
	v4 =	vld [tilespmem:$0x5D0];
	v28 =	vsel vm1, v31, v30;
	vm1 =	vlt.s32 v32, $0x0  }
0x67: {  	[tilespmem:$0x1FF90] =	vst v5;
	v5 =	vld [tilespmem:$0x5E0];
	v29 =	vsel vm1, v33, v32;
	vm1 =	vlt.s32 v34, $0x0  }
0x68: {  	[tilespmem:$0x1FFA0] =	vst v6;
	v6 =	vld [tilespmem:$0x5F0];
	v30 =	vsel vm1, v35, v34;
	vm1 =	vlt.s32 v36, $0x0  }
0x69: {  	[tilespmem:$0x1FFB0] =	vst v7;
	v7 =	vld [tilespmem:$0x610];
	v31 =	vsel vm1, v37, v36;
	vm1 =	vlt.s32 v38, $0x0  }
0x6a: {  	[tilespmem:$0x1FFC0] =	vst v11;
	v11 =	vld [tilespmem:$0x210];
	v32 =	vsel vm1, v39, v38;
	vm1 =	vlt.s32 v40, $0x0  }
0x6b: {  	v9 =	vld [tilespmem:$0x220];
	v33 =	vsel vm1, v41, v40;
	vm1 =	vlt.s32 v42, $0x0  }
0x6c: {  	[tilespmem:$0x10] =	vst v10;
	v10 =	vld [tilespmem:$0x630];
	v34 =	vsel vm1, v43, v42;
	vm1 =	vlt.s32 v44, $0x0  }
0x6d: {  	v13 =	vld [tilespmem:$0x230];
	v35 =	vsel vm1, v45, v44;
	vm1 =	vlt.s32 v46, $0x0  }
0x6e: {  	v14 =	vld [tilespmem:$0x640];
	v36 =	vsel vm1, v47, v46;
	vm1 =	vlt.s32 v48, $0x0  }
0x6f: {  	v15 =	vld [tilespmem:$0x240];
	v37 =	vsel vm1, v49, v48;
	vm1 =	vlt.s32 v50, $0x0  }
0x70: {  	v16 =	vld [tilespmem:$0x650];
	v38 =	vsel vm1, v51, v50;
	vm1 =	vlt.s32 v52, $0x0  }
0x71: {  	[tilespmem:$0x1FFF0] =	vst v3;
	v3 =	vld [tilespmem:$0x5C0];
	v39 =	vsel vm1, v53, v52;
	vm1 =	vlt.s32 v54, $0x0  }
0x72: {  	v50 =	vld [tilespmem:$0x1FF80];
	v40 =	vsel vm1, v55, v54;
	vm1 =	vlt.s32 v56, $0x0  }
0x73: {  	[tilespmem:$0x1FFD0] =	vst v11;
	v11 =	vld [tilespmem:$0x620];
	v42 =	vsel vm1, v57, v56;
	vm1 =	vlt.s32 v58, $0x0  }
0x74: {  	[tilespmem:$0x40] =	vst v17;
	v17 =	vld [tilespmem:$0x250];
	v44 =	vsel vm1, v59, v58;
	vm1 =	vlt.s32 v60, $0x0  }
0x75: {  	v18 =	vld [tilespmem:$0x660];
	v46 =	vsel vm1, v61, v60;
	vm1 =	vlt.s32 v62, $0x0  }
0x76: {  	[tilespmem:$0x50] =	vst v19;
	v19 =	vld [tilespmem:$0x260];
	v48 =	vsel vm1, v63, v62;
	vm1 =	vlt.s32 v3, $0x0  }
0x77: {  	v20 =	vld [tilespmem:$0x670];
	v3 =	vsel vm1, v50, v3  }
0x78: {  	[tilespmem:$0x1C0] =	vst v3;
	v3 =	vld [tilespmem:$0x1FF90]  }
0x79: {  	[tilespmem:$0x60] =	vst v21;
	v21 =	vld [tilespmem:$0x270]  }
0x7a: {  	v22 =	vld [tilespmem:$0x680]  }
0x7b: {  	[tilespmem:$0x70] =	vst v23;
	v23 =	vld [tilespmem:$0x280]  }
0x7c: {  	v24 =	vld [tilespmem:$0x690];
	vm1 =	vlt.s32 v4, $0x0  }
0x7d: {  	[tilespmem:$0x80] =	vst v25;
	v25 =	vld [tilespmem:$0x290];
	v3 =	vsel vm1, v3, v4  }
0x7e: {  	[tilespmem:$0x1D0] =	vst v3;
	v3 =	vld [tilespmem:$0x1FFA0]  }
0x7f: {  	[tilespmem:$0x90] =	vst v26;
	v26 =	vld [tilespmem:$0x6A0]  }
0x80: {  	[tilespmem:$0xA0] =	vst v27;
	v27 =	vld [tilespmem:$0x2A0]  }
0x81: {  	[tilespmem:$0xB0] =	vst v28;
	v28 =	vld [tilespmem:$0x6B0]  }
0x82: {  	[tilespmem:$0xC0] =	vst v29;
	v29 =	vld [tilespmem:$0x2B0];
	vm1 =	vlt.s32 v5, $0x0  }
0x83: {  	[tilespmem:$0xD0] =	vst v30;
	v30 =	vld [tilespmem:$0x6C0];
	v3 =	vsel vm1, v3, v5  }
0x84: {  	[tilespmem:$0x1E0] =	vst v3;
	v3 =	vld [tilespmem:$0x1FFB0]  }
0x85: {  	[tilespmem:$0xE0] =	vst v31;
	v31 =	vld [tilespmem:$0x2C0]  }
0x86: {  	[tilespmem:$0xF0] =	vst v32;
	v32 =	vld [tilespmem:$0x6D0]  }
0x87: {  	[tilespmem:$0x30] =	vst v12;
	v41 =	vld [tilespmem:$0x2D0]  }
0x88: {  	[tilespmem:$0x100] =	vst v33;
	v43 =	vld [tilespmem:$0x6E0];
	vm1 =	vlt.s32 v6, $0x0  }
0x89: {  	v33 =	vld [tilespmem:$0x380];
	[tilespmem:$0x110] =	vst v34;
	v3 =	vsel vm1, v3, v6  }
0x8a: {  	[tilespmem:$0x1F0] =	vst v3;
	v3 =	vld [tilespmem:$0x1FFC0]  }
0x8b: {  	v45 =	vld [tilespmem:$0x2E0];
	[tilespmem:$0x120] =	vst v35  }
0x8c: {  	v34 =	vld [tilespmem:$0x790];
	[tilespmem:$0x130] =	vst v36  }
0x8d: {  	v47 =	vld [tilespmem:$0x6F0];
	[tilespmem:$0x140] =	vst v37  }
0x8e: {  	v35 =	vld [tilespmem:$0x390];
	[tilespmem:$0x150] =	vst v38;
	vm1 =	vlt.s32 v8, $0x0  }
0x8f: {  	v49 =	vld [tilespmem:$0x2F0];
	[tilespmem:$0x160] =	vst v39;
	v3 =	vsel vm1, v3, v8  }
0x90: {  	[tilespmem:$0x200] =	vst v3;
	v3 =	vld [tilespmem:$0x1FFD0]  }
0x91: {  	v36 =	vld [tilespmem:$0x7A0];
	[tilespmem:$0x170] =	vst v40  }
0x92: {  	v51 =	vld [tilespmem:$0x700];
	[tilespmem:$0x180] =	vst v42  }
0x93: {  	v37 =	vld [tilespmem:$0x3A0];
	[tilespmem:$0x190] =	vst v44  }
0x94: {  	v52 =	vld [tilespmem:$0x300];
	[tilespmem:$0x1A0] =	vst v46;
	vm1 =	vlt.s32 v7, $0x0  }
0x95: {  	v53 =	vld [tilespmem:$0x710];
	[tilespmem:$0x1B0] =	vst v48;
	v3 =	vsel vm1, v3, v7;
	vm1 =	vlt.s32 v11, $0x0  }
0x96: {  	v38 =	vld [tilespmem:$0x7B0];
	[tilespmem:$0x210] =	vst v3;
	v3 =	vsel vm1, v9, v11;
	vm1 =	vlt.s32 v10, $0x0  }
0x97: {  	v54 =	vld [tilespmem:$0x310];
	[tilespmem:$0x220] =	vst v3;
	v3 =	vsel vm1, v13, v10;
	vm1 =	vlt.s32 v14, $0x0  }
0x98: {  	v55 =	vld [tilespmem:$0x720];
	[tilespmem:$0x230] =	vst v3;
	v3 =	vsel vm1, v15, v14;
	vm1 =	vlt.s32 v16, $0x0  }
0x99: {  	v39 =	vld [tilespmem:$0x3B0];
	[tilespmem:$0x240] =	vst v3;
	v3 =	vsel vm1, v17, v16;
	vm1 =	vlt.s32 v18, $0x0  }
0x9a: {  	v56 =	vld [tilespmem:$0x320];
	[tilespmem:$0x250] =	vst v3;
	v3 =	vsel vm1, v19, v18;
	vm1 =	vlt.s32 v20, $0x0  }
0x9b: {  	v57 =	vld [tilespmem:$0x730];
	[tilespmem:$0x260] =	vst v3;
	v3 =	vsel vm1, v21, v20;
	vm1 =	vlt.s32 v22, $0x0  }
0x9c: {  	v40 =	vld [tilespmem:$0x7C0];
	[tilespmem:$0x270] =	vst v3;
	v3 =	vsel vm1, v23, v22;
	vm1 =	vlt.s32 v24, $0x0  }
0x9d: {  	v58 =	vld [tilespmem:$0x330];
	[tilespmem:$0x280] =	vst v3;
	v3 =	vsel vm1, v25, v24;
	vm1 =	vlt.s32 v26, $0x0  }
0x9e: {  	v59 =	vld [tilespmem:$0x740];
	[tilespmem:$0x290] =	vst v3;
	v3 =	vsel vm1, v27, v26;
	vm1 =	vlt.s32 v28, $0x0  }
0x9f: {  	v27 =	vld [tilespmem:$0x770];
	[tilespmem:$0x2A0] =	vst v3;
	v3 =	vsel vm1, v29, v28;
	vm1 =	vlt.s32 v30, $0x0  }
0xa0: {  	v29 =	vld [tilespmem:$0x370];
	[tilespmem:$0x2B0] =	vst v3;
	v3 =	vsel vm1, v31, v30;
	vm1 =	vlt.s32 v32, $0x0  }
0xa1: {  	v42 =	vld [tilespmem:$0x1FFE0];
	[tilespmem:$0x2C0] =	vst v3;
	v3 =	vsel vm1, v41, v32;
	vm1 =	vlt.s32 v43, $0x0  }
0xa2: {  	v60 =	vld [tilespmem:$0x340];
	[tilespmem:$0x2D0] =	vst v3;
	v3 =	vsel vm1, v45, v43;
	vm1 =	vlt.s32 v47, $0x0  }
0xa3: {  	v61 =	vld [tilespmem:$0x750];
	[tilespmem:$0x2E0] =	vst v3;
	v3 =	vsel vm1, v49, v47;
	vm1 =	vlt.s32 v51, $0x0  }
0xa4: {  	v62 =	vld [tilespmem:$0x350];
	vm2 =	vlt.s32 v27, $0x0;
	[tilespmem:$0x2F0] =	vst v3;
	v3 =	vsel vm1, v52, v51  }
0xa5: {  	v63 =	vld [tilespmem:$0x760];
	vm1 =	vlt.s32 v53, $0x0;
	v46 =	vsel vm2, v29, v27;
	[tilespmem:$0x300] =	vst v3  }
0xa6: {  	v43 =	vld [tilespmem:$0x1FFF0];
	v3 =	vsel vm1, v54, v53;
	vm1 =	vlt.s32 v55, $0x0;
	[tilespmem:$0x370] =	vst v46  }
0xa7: {  	v25 =	vld [tilespmem:$0x360];
	[tilespmem:$0x310] =	vst v3;
	v3 =	vsel vm1, v56, v55;
	vm1 =	vlt.s32 v57, $0x0  }
0xa8: {  	v31 =	vld [tilespmem:$0x780];
	vm2 =	vlt.s32 v36, $0x0;
	[tilespmem:$0x320] =	vst v3;
	v3 =	vsel vm1, v58, v57;
	vm1 =	vlt.s32 v59, $0x0  }
0xa9: {  	v44 =	vld [tilespmem:$0x7D0];
	v4 =	vsel vm2, v37, v36;
	[tilespmem:$0x330] =	vst v3;
	v3 =	vsel vm1, v60, v59;
	vm1 =	vlt.s32 v61, $0x0  }
0xaa: {  	v47 =	vld [tilespmem:$0x3D0];
	[tilespmem:$0x3A0] =	vst v4;
	v41 =	vsel vm1, v62, v61;
	vm1 =	vlt.s32 v42, $0x0  }
0xab: {  	[tilespmem:$0x340] =	vst v3;
	v3 =	vld [tilespmem:$0x3C0];
	v10 =	vsel vm1, v43, v42;
	vm1 =	vlt.s32 v63, $0x0  }
0xac: {  	v49 =	vld [tilespmem:$0x7E0];
	vm2 =	vlt.s32 v40, $0x0;
	[tilespmem:$0x350] =	vst v41;
	v45 =	vsel vm1, v25, v63;
	v50 =	vshll.u32 v10, $0x1  }
0xad: {  	v51 =	vld [tilespmem:$0x3E0];
	[tilespmem:$0x0] =	vst v10;
	vm1 =	vlt.s32 v31, $0x0;
	v10 =	vand.u32 $0x7, v10;
	v15 =	vand.u32 $0xFFFFFFF0, v50  }
0xae: {  	v53 =	vld [tilespmem:$0x7F0];
	[tilespmem:$0x360] =	vst v45;
	v48 =	vsel vm1, v33, v31;
	vm1 =	vlt.s32 v34, $0x0;
	v10 =	vor.u32 v10, v15  }
0xaf: {  	v54 =	vld [tilespmem:$0x3F0];
	[tilespmem:$0x380] =	vst v48;
	v52 =	vsel vm1, v35, v34;
	vm1 =	vlt.s32 v38, $0x0;
	v15 =	vperm.xlane v10, v0  }
0xb0: {  	[tilespmem:$0x390] =	vst v52;
	v6 =	vsel vm1, v39, v38;
	v3 =	vsel vm2, v3, v40  }
0xb1: {  	vm1 =	vlt.s32 v44, $0x0;
	v56 =	vperm.xlane v10, v2;
	[tilespmem:$0x3B0] =	vst v6;
	v55 =	vadd.s32 v1, v15  }
0xb2: {  	[tilespmem:$0x3C0] =	vst v3;
	v3 =	vsel vm1, v47, v44;
	vm1 =	vlt.s32 v49, $0x0  }
0xb3: {  	[tilespmem:$0x3D0] =	vst v3;
	v3 =	vsel vm1, v51, v49;
	vm1 =	vlt.s32 v53, $0x0;
	v6 =	vadd.s32 v1, v56  }
0xb4: {  	[tilespmem:$0x3E0] =	vst v3;
	v3 =	vsel vm1, v54, v53  }
0xb5: {  	[tilespmem:$0x3F0] =	vst v3  }
0xb6: {  	[tilespmem:s16], [sflag:$0x1] =	stream.indirect_vreg.gather [hbm4b:s2+s3], $0x80, v55, vm0, $0xb8;
	[tilespmem:$0x10800] =	vst v63  }
0xb7: {  	s0 =	simm.s32 $0x1000  }
0xb8: {  	[tilespmem:s0], [sflag:$0x1] =	stream.indirect_vreg.gather [hbm4b:s2+s3], $0x80, v6, vm0, $0xb8;
	[tilespmem:$0x10800] =	vst v63  }
0xb9: {  	v3 =	vld [tilespmem:$0x10];
	_ =	sdelay $0x4  }
0xba: {  	v57 =	vshll.u32 v3, $0x1  }
0xbb: {  	v3 =	vand.u32 $0x7, v3;
	v4 =	vand.u32 $0xFFFFFFF0, v57  }
0xbc: {  	v3 =	vor.u32 v3, v4  }
0xbd: {  	v4 =	vperm.xlane v3, v0;
	_ =	sdelay $0x1  }
0xbe: {  	v3 =	vperm.xlane v3, v2;
	v4 =	vadd.s32 v1, v4;
	_ =	sdelay $0x1  }
0xbf: {  	v3 =	vadd.s32 v1, v3;
	_ =	sdelay $0x1  }
0xc0: {  	s14 =	simm.s32 $0x1800  }
0xc1: {  	[tilespmem:s14], [sflag:$0x1] =	stream.indirect_vreg.gather [hbm4b:s2+s3], $0x80, v4, vm0, $0xb8;
	[tilespmem:$0x10800] =	vst v63  }
0xc2: {  	s15 =	simm.s32 $0x2000  }
0xc3: {  	[tilespmem:s15], [sflag:$0x1] =	stream.indirect_vreg.gather [hbm4b:s2+s3], $0x80, v3, vm0, $0xb8;
	[tilespmem:$0x10800] =	vst v63  }
0xc4: {  	v3 =	vld [tilespmem:$0x20];
	_ =	sdelay $0x4  }
0xc5: {  	v58 =	vshll.u32 v3, $0x1  }
0xc6: {  	v3 =	vand.u32 $0x7, v3;
	v4 =	vand.u32 $0xFFFFFFF0, v58  }
0xc7: {  	v3 =	vor.u32 v3, v4  }
0xc8: {  	v4 =	vperm.xlane v3, v0;
	_ =	sdelay $0x1  }
0xc9: {  	v3 =	vperm.xlane v3, v2;
	v4 =	vadd.s32 v1, v4;
	_ =	sdelay $0x1  }
0xca: {  	v3 =	vadd.s32 v1, v3;
	_ =	sdelay $0x1  }
0xcb: {  	s22 =	simm.s32 $0x2800  }
0xcc: {  	[tilespmem:s22], [sflag:$0x1] =	stream.indirect_vreg.gather [hbm4b:s2+s3], $0x80, v4, vm0, $0xb8;
	[tilespmem:$0x10800] =	vst v63  }
0xcd: {  	s23 =	simm.s32 $0x3000  }
0xce: {  	[tilespmem:s23], [sflag:$0x1] =	stream.indirect_vreg.gather [hbm4b:s2+s3], $0x80, v3, vm0, $0xb8;
	[tilespmem:$0x10800] =	vst v63  }
0xcf: {  	v3 =	vld [tilespmem:$0x30];
	_ =	sdelay $0x4  }
0xd0: {  	v59 =	vshll.u32 v3, $0x1  }
0xd1: {  	v3 =	vand.u32 $0x7, v3;
	v4 =	vand.u32 $0xFFFFFFF0, v59  }
0xd2: {  	v3 =	vor.u32 v3, v4  }
0xd3: {  	v4 =	vperm.xlane v3, v0;
	_ =	sdelay $0x1  }
0xd4: {  	v3 =	vperm.xlane v3, v2;
	v4 =	vadd.s32 v1, v4;
	_ =	sdelay $0x1  }
0xd5: {  	v3 =	vadd.s32 v1, v3;
	_ =	sdelay $0x1  }
0xd6: {  	s25 =	simm.s32 $0x3800  }
0xd7: {  	[tilespmem:s25], [sflag:$0x1] =	stream.indirect_vreg.gather [hbm4b:s2+s3], $0x80, v4, vm0, $0xb8;
	[tilespmem:$0x10800] =	vst v63  }
0xd8: {  	s26 =	simm.s32 $0x4000  }
0xd9: {  	[tilespmem:s26], [sflag:$0x1] =	stream.indirect_vreg.gather [hbm4b:s2+s3], $0x80, v3, vm0, $0xb8;
	[tilespmem:$0x10800] =	vst v63  }
0xda: {  	v3 =	vld [tilespmem:$0x40];
	_ =	sdelay $0x4  }
0xdb: {  	v60 =	vshll.u32 v3, $0x1  }
0xdc: {  	v3 =	vand.u32 $0x7, v3;
	v4 =	vand.u32 $0xFFFFFFF0, v60  }
0xdd: {  	v3 =	vor.u32 v3, v4  }
0xde: {  	v4 =	vperm.xlane v3, v0;
	_ =	sdelay $0x1  }
0xdf: {  	v3 =	vperm.xlane v3, v2;
	v4 =	vadd.s32 v1, v4;
	_ =	sdelay $0x1  }
0xe0: {  	v3 =	vadd.s32 v1, v3;
	_ =	sdelay $0x2  }
0xe1: {  	[tilespmem:s24], [sflag:$0x2] =	stream.indirect_vreg.gather [hbm4b:s2+s3], $0x80, v4, vm0, $0xb8;
	[tilespmem:$0x10800] =	vst v63  }
0xe2: {  	s28 =	simm.s32 $0x5000  }
0xe3: {  	[tilespmem:s28], [sflag:$0x2] =	stream.indirect_vreg.gather [hbm4b:s2+s3], $0x80, v3, vm0, $0xb8;
	[tilespmem:$0x10800] =	vst v63  }
0xe4: {  	v3 =	vld [tilespmem:$0x50];
	_ =	sdelay $0x4  }
0xe5: {  	v61 =	vshll.u32 v3, $0x1  }
0xe6: {  	v3 =	vand.u32 $0x7, v3;
	v4 =	vand.u32 $0xFFFFFFF0, v61  }
0xe7: {  	v3 =	vor.u32 v3, v4  }
0xe8: {  	v4 =	vperm.xlane v3, v0;
	_ =	sdelay $0x1  }
0xe9: {  	v3 =	vperm.xlane v3, v2;
	v4 =	vadd.s32 v1, v4;
	_ =	sdelay $0x1  }
0xea: {  	v3 =	vadd.s32 v1, v3;
	_ =	sdelay $0x1  }
0xeb: {  	s29 =	simm.s32 $0x5800  }
0xec: {  	[tilespmem:s29], [sflag:$0x2] =	stream.indirect_vreg.gather [hbm4b:s2+s3], $0x80, v4, vm0, $0xb8;
	[tilespmem:$0x10800] =	vst v63  }
0xed: {  	s30 =	simm.s32 $0x6000  }
0xee: {  	[tilespmem:s30], [sflag:$0x2] =	stream.indirect_vreg.gather [hbm4b:s2+s3], $0x80, v3, vm0, $0xb8;
	[tilespmem:$0x10800] =	vst v63  }
0xef: {  	v3 =	vld [tilespmem:$0x60];
	_ =	sdelay $0x4  }
0xf0: {  	v62 =	vshll.u32 v3, $0x1  }
0xf1: {  	v3 =	vand.u32 $0x7, v3;
	v4 =	vand.u32 $0xFFFFFFF0, v62  }
0xf2: {  	v3 =	vor.u32 v3, v4  }
0xf3: {  	v4 =	vperm.xlane v3, v0;
	_ =	sdelay $0x1  }
0xf4: {  	v3 =	vperm.xlane v3, v2;
	v4 =	vadd.s32 v1, v4;
	_ =	sdelay $0x1  }
0xf5: {  	v3 =	vadd.s32 v1, v3;
	_ =	sdelay $0x1  }
0xf6: {  	s1 =	simm.s32 $0x6800  }
0xf7: {  	[tilespmem:s1], [sflag:$0x2] =	stream.indirect_vreg.gather [hbm4b:s2+s3], $0x80, v4, vm0, $0xb8;
	[tilespmem:$0x10800] =	vst v63  }
0xf8: {  	s4 =	simm.s32 $0x7000  }
0xf9: {  	[tilespmem:s4], [sflag:$0x2] =	stream.indirect_vreg.gather [hbm4b:s2+s3], $0x80, v3, vm0, $0xb8;
	[tilespmem:$0x10800] =	vst v63  }
0xfa: {  	v3 =	vld [tilespmem:$0x70];
	_ =	sdelay $0x4  }
0xfb: {  	v63 =	vshll.u32 v3, $0x1  }
0xfc: {  	v3 =	vand.u32 $0x7, v3;
	v4 =	vand.u32 $0xFFFFFFF0, v63  }
0xfd: {  	v3 =	vor.u32 v3, v4  }
0xfe: {  	v4 =	vperm.xlane v3, v0;
	_ =	sdelay $0x1  }
0xff: {  	v3 =	vperm.xlane v3, v2;
	v4 =	vadd.s32 v1, v4;
	_ =	sdelay $0x1  }
0x100: {  	v3 =	vadd.s32 v1, v3;
	_ =	sdelay $0x1  }
0x101: {  	s8 =	simm.s32 $0x7800  }
0x102: {  	[tilespmem:s8], [sflag:$0x2] =	stream.indirect_vreg.gather [hbm4b:s2+s3], $0x80, v4, vm0, $0xb8;
	[tilespmem:$0x10800] =	vst v63  }
0x103: {  	s9 =	simm.s32 $0x8000  }
0x104: {  	[tilespmem:s9], [sflag:$0x2] =	stream.indirect_vreg.gather [hbm4b:s2+s3], $0x80, v3, vm0, $0xb8;
	[tilespmem:$0x10800] =	vst v63  }
0x105: {  	v3 =	vld [tilespmem:$0x80];
	_ =	sdelay $0x4  }
0x106: {  	v8 =	vshll.u32 v3, $0x1  }
0x107: {  	v3 =	vand.u32 $0x7, v3;
	v4 =	vand.u32 $0xFFFFFFF0, v8  }
0x108: {  	v3 =	vor.u32 v3, v4  }
0x109: {  	v4 =	vperm.xlane v3, v0;
	_ =	sdelay $0x1  }
0x10a: {  	v3 =	vperm.xlane v3, v2;
	v4 =	vadd.s32 v1, v4;
	_ =	sdelay $0x1  }
0x10b: {  	v3 =	vadd.s32 v1, v3;
	_ =	sdelay $0x2  }
0x10c: {  	[tilespmem:s21], [sflag:$0x3] =	stream.indirect_vreg.gather [hbm4b:s2+s3], $0x80, v4, vm0, $0xb8;
	[tilespmem:$0x10800] =	vst v63  }
0x10d: {  	s11 =	simm.s32 $0x9000  }
0x10e: {  	[tilespmem:s11], [sflag:$0x3] =	stream.indirect_vreg.gather [hbm4b:s2+s3], $0x80, v3, vm0, $0xb8;
	[tilespmem:$0x10800] =	vst v63  }
0x10f: {  	v3 =	vld [tilespmem:$0x90];
	_ =	sdelay $0x4  }
0x110: {  	v9 =	vshll.u32 v3, $0x1  }
0x111: {  	v3 =	vand.u32 $0x7, v3;
	v4 =	vand.u32 $0xFFFFFFF0, v9  }
0x112: {  	v3 =	vor.u32 v3, v4  }
0x113: {  	v4 =	vperm.xlane v3, v0;
	_ =	sdelay $0x1  }
0x114: {  	v3 =	vperm.xlane v3, v2;
	v4 =	vadd.s32 v1, v4;
	_ =	sdelay $0x1  }
0x115: {  	v3 =	vadd.s32 v1, v3;
	_ =	sdelay $0x1  }
0x116: {  	s14 =	simm.s32 $0x9800  }
0x117: {  	[tilespmem:s14], [sflag:$0x3] =	stream.indirect_vreg.gather [hbm4b:s2+s3], $0x80, v4, vm0, $0xb8;
	[tilespmem:$0x10800] =	vst v63  }
0x118: {  	s15 =	simm.s32 $0xA000  }
0x119: {  	[tilespmem:s15], [sflag:$0x3] =	stream.indirect_vreg.gather [hbm4b:s2+s3], $0x80, v3, vm0, $0xb8;
	[tilespmem:$0x10800] =	vst v63  }
0x11a: {  	v3 =	vld [tilespmem:$0xA0];
	_ =	sdelay $0x4  }
0x11b: {  	v10 =	vshll.u32 v3, $0x1  }
0x11c: {  	v3 =	vand.u32 $0x7, v3;
	v4 =	vand.u32 $0xFFFFFFF0, v10  }
0x11d: {  	v3 =	vor.u32 v3, v4  }
0x11e: {  	v4 =	vperm.xlane v3, v0;
	_ =	sdelay $0x1  }
0x11f: {  	v3 =	vperm.xlane v3, v2;
	v4 =	vadd.s32 v1, v4;
	_ =	sdelay $0x1  }
0x120: {  	v3 =	vadd.s32 v1, v3;
	_ =	sdelay $0x1  }
0x121: {  	s22 =	simm.s32 $0xA800  }
0x122: {  	[tilespmem:s22], [sflag:$0x3] =	stream.indirect_vreg.gather [hbm4b:s2+s3], $0x80, v4, vm0, $0xb8;
	[tilespmem:$0x10800] =	vst v63  }
0x123: {  	s23 =	simm.s32 $0xB000  }
0x124: {  	[tilespmem:s23], [sflag:$0x3] =	stream.indirect_vreg.gather [hbm4b:s2+s3], $0x80, v3, vm0, $0xb8;
	[tilespmem:$0x10800] =	vst v63  }
0x125: {  	v3 =	vld [tilespmem:$0xB0];
	_ =	sdelay $0x4  }
0x126: {  	v11 =	vshll.u32 v3, $0x1  }
0x127: {  	v3 =	vand.u32 $0x7, v3;
	v4 =	vand.u32 $0xFFFFFFF0, v11  }
0x128: {  	v3 =	vor.u32 v3, v4  }
0x129: {  	v4 =	vperm.xlane v3, v0;
	_ =	sdelay $0x1  }
0x12a: {  	v3 =	vperm.xlane v3, v2;
	v4 =	vadd.s32 v1, v4;
	_ =	sdelay $0x1  }
0x12b: {  	v3 =	vadd.s32 v1, v3;
	_ =	sdelay $0x1  }
0x12c: {  	s25 =	simm.s32 $0xB800  }
0x12d: {  	[tilespmem:s25], [sflag:$0x3] =	stream.indirect_vreg.gather [hbm4b:s2+s3], $0x80, v4, vm0, $0xb8;
	[tilespmem:$0x10800] =	vst v63  }
0x12e: {  	s1 =	simm.s32 $0xC000  }
0x12f: {  	[tilespmem:s1], [sflag:$0x3] =	stream.indirect_vreg.gather [hbm4b:s2+s3], $0x80, v3, vm0, $0xb8;
	[tilespmem:$0x10800] =	vst v63  }
0x130: {  	v3 =	vld [tilespmem:$0xC0];
	_ =	sdelay $0x4  }
0x131: {  	v12 =	vshll.u32 v3, $0x1  }
0x132: {  	v3 =	vand.u32 $0x7, v3;
	v4 =	vand.u32 $0xFFFFFFF0, v12  }
0x133: {  	v3 =	vor.u32 v3, v4  }
0x134: {  	v4 =	vperm.xlane v3, v0;
	_ =	sdelay $0x1  }
0x135: {  	v3 =	vperm.xlane v3, v2;
	v4 =	vadd.s32 v1, v4;
	_ =	sdelay $0x1  }
0x136: {  	v3 =	vadd.s32 v1, v3;
	_ =	sdelay $0x1  }
0x137: {  	s0 =	simm.s32 $0xC800  }
0x138: {  	[tilespmem:s0], [sflag:$0x4] =	stream.indirect_vreg.gather [hbm4b:s2+s3], $0x80, v4, vm0, $0xb8;
	[tilespmem:$0x10800] =	vst v63  }
0x139: {  	s15 =	simm.s32 $0xD000  }
0x13a: {  	[tilespmem:s15], [sflag:$0x4] =	stream.indirect_vreg.gather [hbm4b:s2+s3], $0x80, v3, vm0, $0xb8;
	[tilespmem:$0x10800] =	vst v63  }
0x13b: {  	v3 =	vld [tilespmem:$0xD0];
	_ =	sdelay $0x4  }
0x13c: {  	v13 =	vshll.u32 v3, $0x1  }
0x13d: {  	v3 =	vand.u32 $0x7, v3;
	v4 =	vand.u32 $0xFFFFFFF0, v13  }
0x13e: {  	v3 =	vor.u32 v3, v4  }
0x13f: {  	v4 =	vperm.xlane v3, v0;
	_ =	sdelay $0x1  }
0x140: {  	v3 =	vperm.xlane v3, v2;
	v4 =	vadd.s32 v1, v4;
	_ =	sdelay $0x1  }
0x141: {  	v3 =	vadd.s32 v1, v3;
	_ =	sdelay $0x1  }
0x142: {  	s4 =	simm.s32 $0xD800  }
0x143: {  	[tilespmem:s4], [sflag:$0x4] =	stream.indirect_vreg.gather [hbm4b:s2+s3], $0x80, v4, vm0, $0xb8;
	[tilespmem:$0x10800] =	vst v63  }
0x144: {  	s9 =	simm.s32 $0xE000  }
0x145: {  	[tilespmem:s9], [sflag:$0x4] =	stream.indirect_vreg.gather [hbm4b:s2+s3], $0x80, v3, vm0, $0xb8;
	[tilespmem:$0x10800] =	vst v63  }
0x146: {  	v3 =	vld [tilespmem:$0xE0];
	_ =	sdelay $0x4  }
0x147: {  	v14 =	vshll.u32 v3, $0x1  }
0x148: {  	v3 =	vand.u32 $0x7, v3;
	v4 =	vand.u32 $0xFFFFFFF0, v14  }
0x149: {  	v3 =	vor.u32 v3, v4  }
0x14a: {  	v4 =	vperm.xlane v3, v0;
	_ =	sdelay $0x1  }
0x14b: {  	v3 =	vperm.xlane v3, v2;
	v4 =	vadd.s32 v1, v4;
	_ =	sdelay $0x1  }
0x14c: {  	v3 =	vadd.s32 v1, v3;
	_ =	sdelay $0x1  }
0x14d: {  	s22 =	simm.s32 $0xE800  }
0x14e: {  	[tilespmem:s22], [sflag:$0x4] =	stream.indirect_vreg.gather [hbm4b:s2+s3], $0x80, v4, vm0, $0xb8;
	[tilespmem:$0x10800] =	vst v63  }
0x14f: {  	s25 =	simm.s32 $0xF000  }
0x150: {  	[tilespmem:s25], [sflag:$0x4] =	stream.indirect_vreg.gather [hbm4b:s2+s3], $0x80, v3, vm0, $0xb8;
	[tilespmem:$0x10800] =	vst v63  }
0x151: {  	v3 =	vld [tilespmem:$0xF0];
	_ =	sdelay $0x4  }
0x152: {  	v15 =	vshll.u32 v3, $0x1  }
0x153: {  	v3 =	vand.u32 $0x7, v3;
	v4 =	vand.u32 $0xFFFFFFF0, v15  }
0x154: {  	v3 =	vor.u32 v3, v4  }
0x155: {  	v4 =	vperm.xlane v3, v0;
	_ =	sdelay $0x1  }
0x156: {  	v3 =	vperm.xlane v3, v2;
	v4 =	vadd.s32 v1, v4;
	_ =	sdelay $0x1  }
0x157: {  	v3 =	vadd.s32 v1, v3;
	_ =	sdelay $0x1  }
0x158: {  	s4 =	simm.s32 $0xF800  }
0x159: {  	[tilespmem:s4], [sflag:$0x4] =	stream.indirect_vreg.gather [hbm4b:s2+s3], $0x80, v4, vm0, $0xb8;
	[tilespmem:$0x10800] =	vst v63  }
0x15a: {  	s9 =	simm.s32 $0x10000  }
0x15b: {  	[tilespmem:s9], [sflag:$0x4] =	stream.indirect_vreg.gather [hbm4b:s2+s3], $0x80, v3, vm0, $0xb8;
	[tilespmem:$0x10800] =	vst v63  }
0x15c: {  	_ =	swait.ge [sflag:s6], $0x4000  }
0x15d: {  	[sflag:s6] =	ssyncset.done $0x0  }
0x15e: {  	s15 =	rddreg [dreg:$0x17];
	[sflag:s6] =	ssyncadd.s32 $0xFFFFC000  }
0x15f: {  	[hbm4b:s15+s3] =	stream.linear.scatter [tilespmem:s16], [sflag:$0x5], $0x4000, $0x38;
	[tilespmem:$0x10800] =	vst v63  }
0x160: {  	_ =	swait.ge [sflag:s10], $0x4000  }
0x161: {  	[sflag:s10] =	ssyncset.done $0x0  }
0x162: {  	[sflag:s10] =	ssyncadd.s32 $0xFFFFC000  }
0x163: {  	v3 =	vld [tilespmem:$0x100];
	_ =	sdelay $0x4  }
0x164: {  	v16 =	vshll.u32 v3, $0x1  }
0x165: {  	v3 =	vand.u32 $0x7, v3;
	v4 =	vand.u32 $0xFFFFFFF0, v16  }
0x166: {  	v3 =	vor.u32 v3, v4  }
0x167: {  	v4 =	vperm.xlane v3, v0;
	_ =	sdelay $0x1  }
0x168: {  	v3 =	vperm.xlane v3, v2;
	v4 =	vadd.s32 v1, v4;
	_ =	sdelay $0x1  }
0x169: {  	v3 =	vadd.s32 v1, v3;
	_ =	sdelay $0x2  }
0x16a: {  	[tilespmem:s16], [sflag:$0x1] =	stream.indirect_vreg.gather [hbm4b:s2+s3], $0x80, v4, vm0, $0xb8;
	[tilespmem:$0x10800] =	vst v63  }
0x16b: {  	s12 =	simm.s32 $0x1000  }
0x16c: {  	[tilespmem:s12], [sflag:$0x1] =	stream.indirect_vreg.gather [hbm4b:s2+s3], $0x80, v3, vm0, $0xb8;
	[tilespmem:$0x10800] =	vst v63  }
0x16d: {  	v3 =	vld [tilespmem:$0x110];
	_ =	sdelay $0x4  }
0x16e: {  	v17 =	vshll.u32 v3, $0x1  }
0x16f: {  	v3 =	vand.u32 $0x7, v3;
	v4 =	vand.u32 $0xFFFFFFF0, v17  }
0x170: {  	v3 =	vor.u32 v3, v4  }
0x171: {  	v4 =	vperm.xlane v3, v0;
	_ =	sdelay $0x1  }
0x172: {  	v3 =	vperm.xlane v3, v2;
	v4 =	vadd.s32 v1, v4;
	_ =	sdelay $0x1  }
0x173: {  	v3 =	vadd.s32 v1, v3;
	_ =	sdelay $0x1  }
0x174: {  	s31 =	simm.s32 $0x1800  }
0x175: {  	[tilespmem:s31], [sflag:$0x1] =	stream.indirect_vreg.gather [hbm4b:s2+s3], $0x80, v4, vm0, $0xb8;
	[tilespmem:$0x10800] =	vst v63  }
0x176: {  	s13 =	simm.s32 $0x2000  }
0x177: {  	[tilespmem:s13], [sflag:$0x1] =	stream.indirect_vreg.gather [hbm4b:s2+s3], $0x80, v3, vm0, $0xb8;
	[tilespmem:$0x10800] =	vst v63  }
0x178: {  	v3 =	vld [tilespmem:$0x120];
	_ =	sdelay $0x4  }
0x179: {  	v18 =	vshll.u32 v3, $0x1  }
0x17a: {  	v3 =	vand.u32 $0x7, v3;
	v4 =	vand.u32 $0xFFFFFFF0, v18  }
0x17b: {  	v3 =	vor.u32 v3, v4  }
0x17c: {  	v4 =	vperm.xlane v3, v0;
	_ =	sdelay $0x1  }
0x17d: {  	v3 =	vperm.xlane v3, v2;
	v4 =	vadd.s32 v1, v4;
	_ =	sdelay $0x1  }
0x17e: {  	v3 =	vadd.s32 v1, v3;
	_ =	sdelay $0x1  }
0x17f: {  	s12 =	simm.s32 $0x2800  }
0x180: {  	[tilespmem:s12], [sflag:$0x1] =	stream.indirect_vreg.gather [hbm4b:s2+s3], $0x80, v4, vm0, $0xb8;
	[tilespmem:$0x10800] =	vst v63  }
0x181: {  	s4 =	simm.s32 $0x3000  }
0x182: {  	[tilespmem:s4], [sflag:$0x1] =	stream.indirect_vreg.gather [hbm4b:s2+s3], $0x80, v3, vm0, $0xb8;
	[tilespmem:$0x10800] =	vst v63  }
0x183: {  	v3 =	vld [tilespmem:$0x130];
	_ =	sdelay $0x4  }
0x184: {  	v19 =	vshll.u32 v3, $0x1  }
0x185: {  	v3 =	vand.u32 $0x7, v3;
	v4 =	vand.u32 $0xFFFFFFF0, v19  }
0x186: {  	v3 =	vor.u32 v3, v4  }
0x187: {  	v4 =	vperm.xlane v3, v0;
	_ =	sdelay $0x1  }
0x188: {  	v3 =	vperm.xlane v3, v2;
	v4 =	vadd.s32 v1, v4;
	_ =	sdelay $0x1  }
0x189: {  	v3 =	vadd.s32 v1, v3;
	_ =	sdelay $0x1  }
0x18a: {  	s13 =	simm.s32 $0x3800  }
0x18b: {  	[tilespmem:s13], [sflag:$0x1] =	stream.indirect_vreg.gather [hbm4b:s2+s3], $0x80, v4, vm0, $0xb8;
	[tilespmem:$0x10800] =	vst v63  }
0x18c: {  	s9 =	simm.s32 $0x4000  }
0x18d: {  	[tilespmem:s9], [sflag:$0x1] =	stream.indirect_vreg.gather [hbm4b:s2+s3], $0x80, v3, vm0, $0xb8;
	[tilespmem:$0x10800] =	vst v63  }
0x18e: {  	_ =	swait.ge [sflag:s7], $0x4000  }
0x18f: {  	[sflag:s7] =	ssyncset.done $0x0  }
0x190: {  	s31 =	rddreg [dreg:$0x7];
	[sflag:s7] =	ssyncadd.s32 $0xFFFFC000  }
0x191: {  	[hbm4b:s31+s3] =	stream.linear.scatter [tilespmem:s24], [sflag:$0x6], $0x4000, $0x38;
	[tilespmem:$0x10800] =	vst v63  }
0x192: {  	_ =	swait.ge [sflag:s17], $0x4000  }
0x193: {  	[sflag:s17] =	ssyncset.done $0x0  }
0x194: {  	[sflag:s17] =	ssyncadd.s32 $0xFFFFC000  }
0x195: {  	v3 =	vld [tilespmem:$0x140];
	_ =	sdelay $0x4  }
0x196: {  	v20 =	vshll.u32 v3, $0x1  }
0x197: {  	v3 =	vand.u32 $0x7, v3;
	v4 =	vand.u32 $0xFFFFFFF0, v20  }
0x198: {  	v3 =	vor.u32 v3, v4  }
0x199: {  	v4 =	vperm.xlane v3, v0;
	_ =	sdelay $0x1  }
0x19a: {  	v3 =	vperm.xlane v3, v2;
	v4 =	vadd.s32 v1, v4;
	_ =	sdelay $0x1  }
0x19b: {  	v3 =	vadd.s32 v1, v3;
	_ =	sdelay $0x2  }
0x19c: {  	[tilespmem:s24], [sflag:$0x2] =	stream.indirect_vreg.gather [hbm4b:s2+s3], $0x80, v4, vm0, $0xb8;
	[tilespmem:$0x10800] =	vst v63  }
0x19d: {  	s28 =	simm.s32 $0x5000  }
0x19e: {  	[tilespmem:s28], [sflag:$0x2] =	stream.indirect_vreg.gather [hbm4b:s2+s3], $0x80, v3, vm0, $0xb8;
	[tilespmem:$0x10800] =	vst v63  }
0x19f: {  	v3 =	vld [tilespmem:$0x150];
	_ =	sdelay $0x4  }
0x1a0: {  	v21 =	vshll.u32 v3, $0x1  }
0x1a1: {  	v3 =	vand.u32 $0x7, v3;
	v4 =	vand.u32 $0xFFFFFFF0, v21  }
0x1a2: {  	v3 =	vor.u32 v3, v4  }
0x1a3: {  	v4 =	vperm.xlane v3, v0;
	_ =	sdelay $0x1  }
0x1a4: {  	v3 =	vperm.xlane v3, v2;
	v4 =	vadd.s32 v1, v4;
	_ =	sdelay $0x1  }
0x1a5: {  	v3 =	vadd.s32 v1, v3;
	_ =	sdelay $0x1  }
0x1a6: {  	s28 =	simm.s32 $0x5800  }
0x1a7: {  	[tilespmem:s28], [sflag:$0x2] =	stream.indirect_vreg.gather [hbm4b:s2+s3], $0x80, v4, vm0, $0xb8;
	[tilespmem:$0x10800] =	vst v63  }
0x1a8: {  	s29 =	simm.s32 $0x6000  }
0x1a9: {  	[tilespmem:s29], [sflag:$0x2] =	stream.indirect_vreg.gather [hbm4b:s2+s3], $0x80, v3, vm0, $0xb8;
	[tilespmem:$0x10800] =	vst v63  }
0x1aa: {  	v3 =	vld [tilespmem:$0x160];
	_ =	sdelay $0x4  }
0x1ab: {  	v22 =	vshll.u32 v3, $0x1  }
0x1ac: {  	v3 =	vand.u32 $0x7, v3;
	v4 =	vand.u32 $0xFFFFFFF0, v22  }
0x1ad: {  	v3 =	vor.u32 v3, v4  }
0x1ae: {  	v4 =	vperm.xlane v3, v0;
	_ =	sdelay $0x1  }
0x1af: {  	v3 =	vperm.xlane v3, v2;
	v4 =	vadd.s32 v1, v4;
	_ =	sdelay $0x1  }
0x1b0: {  	v3 =	vadd.s32 v1, v3;
	_ =	sdelay $0x1  }
0x1b1: {  	s29 =	simm.s32 $0x6800  }
0x1b2: {  	[tilespmem:s29], [sflag:$0x2] =	stream.indirect_vreg.gather [hbm4b:s2+s3], $0x80, v4, vm0, $0xb8;
	[tilespmem:$0x10800] =	vst v63  }
0x1b3: {  	s30 =	simm.s32 $0x7000  }
0x1b4: {  	[tilespmem:s30], [sflag:$0x2] =	stream.indirect_vreg.gather [hbm4b:s2+s3], $0x80, v3, vm0, $0xb8;
	[tilespmem:$0x10800] =	vst v63  }
0x1b5: {  	v3 =	vld [tilespmem:$0x170];
	_ =	sdelay $0x4  }
0x1b6: {  	v23 =	vshll.u32 v3, $0x1  }
0x1b7: {  	v3 =	vand.u32 $0x7, v3;
	v4 =	vand.u32 $0xFFFFFFF0, v23  }
0x1b8: {  	v3 =	vor.u32 v3, v4  }
0x1b9: {  	v4 =	vperm.xlane v3, v0;
	_ =	sdelay $0x1  }
0x1ba: {  	v3 =	vperm.xlane v3, v2;
	v4 =	vadd.s32 v1, v4;
	_ =	sdelay $0x1  }
0x1bb: {  	v3 =	vadd.s32 v1, v3;
	_ =	sdelay $0x1  }
0x1bc: {  	s30 =	simm.s32 $0x7800  }
0x1bd: {  	[tilespmem:s30], [sflag:$0x2] =	stream.indirect_vreg.gather [hbm4b:s2+s3], $0x80, v4, vm0, $0xb8;
	[tilespmem:$0x10800] =	vst v63  }
0x1be: {  	s31 =	simm.s32 $0x8000  }
0x1bf: {  	[tilespmem:s31], [sflag:$0x2] =	stream.indirect_vreg.gather [hbm4b:s2+s3], $0x80, v3, vm0, $0xb8;
	[tilespmem:$0x10800] =	vst v63  }
0x1c0: {  	_ =	swait.ge [sflag:s18], $0x4000  }
0x1c1: {  	[sflag:s18] =	ssyncset.done $0x0  }
0x1c2: {  	s15 =	rddreg [dreg:$0x8];
	[sflag:s18] =	ssyncadd.s32 $0xFFFFC000  }
0x1c3: {  	[hbm4b:s15+s3] =	stream.linear.scatter [tilespmem:s21], [sflag:$0x7], $0x4000, $0x38;
	[tilespmem:$0x10800] =	vst v63  }
0x1c4: {  	_ =	swait.ge [sflag:s19], $0x4000  }
0x1c5: {  	[sflag:s19] =	ssyncset.done $0x0  }
0x1c6: {  	[sflag:s19] =	ssyncadd.s32 $0xFFFFC000  }
0x1c7: {  	v3 =	vld [tilespmem:$0x180];
	_ =	sdelay $0x4  }
0x1c8: {  	v24 =	vshll.u32 v3, $0x1  }
0x1c9: {  	v3 =	vand.u32 $0x7, v3;
	v4 =	vand.u32 $0xFFFFFFF0, v24  }
0x1ca: {  	v3 =	vor.u32 v3, v4  }
0x1cb: {  	v4 =	vperm.xlane v3, v0;
	_ =	sdelay $0x1  }
0x1cc: {  	v3 =	vperm.xlane v3, v2;
	v4 =	vadd.s32 v1, v4;
	_ =	sdelay $0x1  }
0x1cd: {  	v3 =	vadd.s32 v1, v3;
	_ =	sdelay $0x2  }
0x1ce: {  	[tilespmem:s21], [sflag:$0x3] =	stream.indirect_vreg.gather [hbm4b:s2+s3], $0x80, v4, vm0, $0xb8;
	[tilespmem:$0x10800] =	vst v63  }
0x1cf: {  	s8 =	simm.s32 $0x9000  }
0x1d0: {  	[tilespmem:s8], [sflag:$0x3] =	stream.indirect_vreg.gather [hbm4b:s2+s3], $0x80, v3, vm0, $0xb8;
	[tilespmem:$0x10800] =	vst v63  }
0x1d1: {  	v3 =	vld [tilespmem:$0x190];
	_ =	sdelay $0x4  }
0x1d2: {  	v25 =	vshll.u32 v3, $0x1  }
0x1d3: {  	v3 =	vand.u32 $0x7, v3;
	v4 =	vand.u32 $0xFFFFFFF0, v25  }
0x1d4: {  	v3 =	vor.u32 v3, v4  }
0x1d5: {  	v4 =	vperm.xlane v3, v0;
	_ =	sdelay $0x1  }
0x1d6: {  	v3 =	vperm.xlane v3, v2;
	v4 =	vadd.s32 v1, v4;
	_ =	sdelay $0x1  }
0x1d7: {  	v3 =	vadd.s32 v1, v3;
	_ =	sdelay $0x1  }
0x1d8: {  	s8 =	simm.s32 $0x9800  }
0x1d9: {  	[tilespmem:s8], [sflag:$0x3] =	stream.indirect_vreg.gather [hbm4b:s2+s3], $0x80, v4, vm0, $0xb8;
	[tilespmem:$0x10800] =	vst v63  }
0x1da: {  	s14 =	simm.s32 $0xA000  }
0x1db: {  	[tilespmem:s14], [sflag:$0x3] =	stream.indirect_vreg.gather [hbm4b:s2+s3], $0x80, v3, vm0, $0xb8;
	[tilespmem:$0x10800] =	vst v63  }
0x1dc: {  	v3 =	vld [tilespmem:$0x1A0];
	_ =	sdelay $0x4  }
0x1dd: {  	v26 =	vshll.u32 v3, $0x1  }
0x1de: {  	v3 =	vand.u32 $0x7, v3;
	v4 =	vand.u32 $0xFFFFFFF0, v26  }
0x1df: {  	v3 =	vor.u32 v3, v4  }
0x1e0: {  	v4 =	vperm.xlane v3, v0;
	_ =	sdelay $0x1  }
0x1e1: {  	v3 =	vperm.xlane v3, v2;
	v4 =	vadd.s32 v1, v4;
	_ =	sdelay $0x1  }
0x1e2: {  	v3 =	vadd.s32 v1, v3;
	_ =	sdelay $0x1  }
0x1e3: {  	s14 =	simm.s32 $0xA800  }
0x1e4: {  	[tilespmem:s14], [sflag:$0x3] =	stream.indirect_vreg.gather [hbm4b:s2+s3], $0x80, v4, vm0, $0xb8;
	[tilespmem:$0x10800] =	vst v63  }
0x1e5: {  	s26 =	simm.s32 $0xB000  }
0x1e6: {  	[tilespmem:s26], [sflag:$0x3] =	stream.indirect_vreg.gather [hbm4b:s2+s3], $0x80, v3, vm0, $0xb8;
	[tilespmem:$0x10800] =	vst v63  }
0x1e7: {  	v3 =	vld [tilespmem:$0x1B0];
	_ =	sdelay $0x4  }
0x1e8: {  	v27 =	vshll.u32 v3, $0x1  }
0x1e9: {  	v3 =	vand.u32 $0x7, v3;
	v4 =	vand.u32 $0xFFFFFFF0, v27  }
0x1ea: {  	v3 =	vor.u32 v3, v4  }
0x1eb: {  	v4 =	vperm.xlane v3, v0;
	_ =	sdelay $0x1  }
0x1ec: {  	v3 =	vperm.xlane v3, v2;
	v4 =	vadd.s32 v1, v4;
	_ =	sdelay $0x1  }
0x1ed: {  	v3 =	vadd.s32 v1, v3;
	_ =	sdelay $0x1  }
0x1ee: {  	s26 =	simm.s32 $0xB800  }
0x1ef: {  	[tilespmem:s26], [sflag:$0x3] =	stream.indirect_vreg.gather [hbm4b:s2+s3], $0x80, v4, vm0, $0xb8;
	[tilespmem:$0x10800] =	vst v63  }
0x1f0: {  	s1 =	simm.s32 $0xC000  }
0x1f1: {  	[tilespmem:s1], [sflag:$0x3] =	stream.indirect_vreg.gather [hbm4b:s2+s3], $0x80, v3, vm0, $0xb8;
	[tilespmem:$0x10800] =	vst v63  }
0x1f2: {  	_ =	swait.ge [sflag:s20], $0x4000  }
0x1f3: {  	[sflag:s20] =	ssyncset.done $0x0  }
0x1f4: {  	s15 =	simm.s32 $0x8;
	s1 =	rddreg [dreg:$0x9];
	[sflag:s20] =	ssyncadd.s32 $0xFFFFC000  }
0x1f5: {  	[hbm4b:s1+s3] =	stream.linear.scatter [tilespmem:s0], [sflag:$0x8], $0x4000, $0x38;
	[tilespmem:$0x10800] =	vst v63  }
0x1f6: {  	_ =	swait.ge [sflag:s15], $0x4000  }
0x1f7: {  	[sflag:s15] =	ssyncset.done $0x0  }
0x1f8: {  	[sflag:s15] =	ssyncadd.s32 $0xFFFFC000  }
0x1f9: {  	v3 =	vld [tilespmem:$0x1C0];
	_ =	sdelay $0x4  }
0x1fa: {  	v28 =	vshll.u32 v3, $0x1  }
0x1fb: {  	v3 =	vand.u32 $0x7, v3;
	v4 =	vand.u32 $0xFFFFFFF0, v28  }
0x1fc: {  	v3 =	vor.u32 v3, v4  }
0x1fd: {  	v4 =	vperm.xlane v3, v0;
	_ =	sdelay $0x1  }
0x1fe: {  	v3 =	vperm.xlane v3, v2;
	v4 =	vadd.s32 v1, v4;
	_ =	sdelay $0x1  }
0x1ff: {  	v3 =	vadd.s32 v1, v3;
	_ =	sdelay $0x2  }
0x200: {  	[tilespmem:s0], [sflag:$0x4] =	stream.indirect_vreg.gather [hbm4b:s2+s3], $0x80, v4, vm0, $0xb8;
	[tilespmem:$0x10800] =	vst v63  }
0x201: {  	s11 =	simm.s32 $0xD000  }
0x202: {  	[tilespmem:s11], [sflag:$0x4] =	stream.indirect_vreg.gather [hbm4b:s2+s3], $0x80, v3, vm0, $0xb8;
	[tilespmem:$0x10800] =	vst v63  }
0x203: {  	v3 =	vld [tilespmem:$0x1D0];
	_ =	sdelay $0x4  }
0x204: {  	v29 =	vshll.u32 v3, $0x1  }
0x205: {  	v3 =	vand.u32 $0x7, v3;
	v4 =	vand.u32 $0xFFFFFFF0, v29  }
0x206: {  	v3 =	vor.u32 v3, v4  }
0x207: {  	v4 =	vperm.xlane v3, v0;
	_ =	sdelay $0x1  }
0x208: {  	v3 =	vperm.xlane v3, v2;
	v4 =	vadd.s32 v1, v4;
	_ =	sdelay $0x1  }
0x209: {  	v3 =	vadd.s32 v1, v3;
	_ =	sdelay $0x1  }
0x20a: {  	s11 =	simm.s32 $0xD800  }
0x20b: {  	[tilespmem:s11], [sflag:$0x4] =	stream.indirect_vreg.gather [hbm4b:s2+s3], $0x80, v4, vm0, $0xb8;
	[tilespmem:$0x10800] =	vst v63  }
0x20c: {  	s23 =	simm.s32 $0xE000  }
0x20d: {  	[tilespmem:s23], [sflag:$0x4] =	stream.indirect_vreg.gather [hbm4b:s2+s3], $0x80, v3, vm0, $0xb8;
	[tilespmem:$0x10800] =	vst v63  }
0x20e: {  	v3 =	vld [tilespmem:$0x1E0];
	_ =	sdelay $0x4  }
0x20f: {  	v30 =	vshll.u32 v3, $0x1  }
0x210: {  	v3 =	vand.u32 $0x7, v3;
	v4 =	vand.u32 $0xFFFFFFF0, v30  }
0x211: {  	v3 =	vor.u32 v3, v4  }
0x212: {  	v4 =	vperm.xlane v3, v0;
	_ =	sdelay $0x1  }
0x213: {  	v3 =	vperm.xlane v3, v2;
	v4 =	vadd.s32 v1, v4;
	_ =	sdelay $0x1  }
0x214: {  	v3 =	vadd.s32 v1, v3;
	_ =	sdelay $0x1  }
0x215: {  	s22 =	simm.s32 $0xE800  }
0x216: {  	[tilespmem:s22], [sflag:$0x4] =	stream.indirect_vreg.gather [hbm4b:s2+s3], $0x80, v4, vm0, $0xb8;
	[tilespmem:$0x10800] =	vst v63  }
0x217: {  	s25 =	simm.s32 $0xF000  }
0x218: {  	[tilespmem:s25], [sflag:$0x4] =	stream.indirect_vreg.gather [hbm4b:s2+s3], $0x80, v3, vm0, $0xb8;
	[tilespmem:$0x10800] =	vst v63  }
0x219: {  	v3 =	vld [tilespmem:$0x1F0];
	_ =	sdelay $0x4  }
0x21a: {  	v31 =	vshll.u32 v3, $0x1  }
0x21b: {  	v3 =	vand.u32 $0x7, v3;
	v4 =	vand.u32 $0xFFFFFFF0, v31  }
0x21c: {  	v3 =	vor.u32 v3, v4  }
0x21d: {  	v4 =	vperm.xlane v3, v0;
	_ =	sdelay $0x1  }
0x21e: {  	v3 =	vperm.xlane v3, v2;
	v4 =	vadd.s32 v1, v4;
	_ =	sdelay $0x1  }
0x21f: {  	v3 =	vadd.s32 v1, v3;
	_ =	sdelay $0x1  }
0x220: {  	s23 =	simm.s32 $0xF800  }
0x221: {  	[tilespmem:s23], [sflag:$0x4] =	stream.indirect_vreg.gather [hbm4b:s2+s3], $0x80, v4, vm0, $0xb8;
	[tilespmem:$0x10800] =	vst v63  }
0x222: {  	s25 =	simm.s32 $0x10000  }
0x223: {  	[tilespmem:s25], [sflag:$0x4] =	stream.indirect_vreg.gather [hbm4b:s2+s3], $0x80, v3, vm0, $0xb8;
	[tilespmem:$0x10800] =	vst v63  }
0x224: {  	_ =	swait.ge [sflag:s6], $0x4000  }
0x225: {  	[sflag:s6] =	ssyncset.done $0x0  }
0x226: {  	s1 =	rddreg [dreg:$0xa];
	[sflag:s6] =	ssyncadd.s32 $0xFFFFC000  }
0x227: {  	[hbm4b:s1+s3] =	stream.linear.scatter [tilespmem:s16], [sflag:$0x5], $0x4000, $0x38;
	[tilespmem:$0x10800] =	vst v63  }
0x228: {  	_ =	swait.ge [sflag:s10], $0x4000  }
0x229: {  	[sflag:s10] =	ssyncset.done $0x0  }
0x22a: {  	[sflag:s10] =	ssyncadd.s32 $0xFFFFC000  }
0x22b: {  	v3 =	vld [tilespmem:$0x200];
	_ =	sdelay $0x4  }
0x22c: {  	v32 =	vshll.u32 v3, $0x1  }
0x22d: {  	v3 =	vand.u32 $0x7, v3;
	v4 =	vand.u32 $0xFFFFFFF0, v32  }
0x22e: {  	v3 =	vor.u32 v3, v4  }
0x22f: {  	v4 =	vperm.xlane v3, v0;
	_ =	sdelay $0x1  }
0x230: {  	v3 =	vperm.xlane v3, v2;
	v4 =	vadd.s32 v1, v4;
	_ =	sdelay $0x1  }
0x231: {  	v3 =	vadd.s32 v1, v3;
	_ =	sdelay $0x2  }
0x232: {  	[tilespmem:s16], [sflag:$0x1] =	stream.indirect_vreg.gather [hbm4b:s2+s3], $0x80, v4, vm0, $0xb8;
	[tilespmem:$0x10800] =	vst v63  }
0x233: {  	s22 =	simm.s32 $0x1000  }
0x234: {  	[tilespmem:s22], [sflag:$0x1] =	stream.indirect_vreg.gather [hbm4b:s2+s3], $0x80, v3, vm0, $0xb8;
	[tilespmem:$0x10800] =	vst v63  }
0x235: {  	v3 =	vld [tilespmem:$0x210];
	_ =	sdelay $0x4  }
0x236: {  	v33 =	vshll.u32 v3, $0x1  }
0x237: {  	v3 =	vand.u32 $0x7, v3;
	v4 =	vand.u32 $0xFFFFFFF0, v33  }
0x238: {  	v3 =	vor.u32 v3, v4  }
0x239: {  	v4 =	vperm.xlane v3, v0;
	_ =	sdelay $0x1  }
0x23a: {  	v3 =	vperm.xlane v3, v2;
	v4 =	vadd.s32 v1, v4;
	_ =	sdelay $0x1  }
0x23b: {  	v3 =	vadd.s32 v1, v3;
	_ =	sdelay $0x1  }
0x23c: {  	s23 =	simm.s32 $0x1800  }
0x23d: {  	[tilespmem:s23], [sflag:$0x1] =	stream.indirect_vreg.gather [hbm4b:s2+s3], $0x80, v4, vm0, $0xb8;
	[tilespmem:$0x10800] =	vst v63  }
0x23e: {  	s25 =	simm.s32 $0x2000  }
0x23f: {  	[tilespmem:s25], [sflag:$0x1] =	stream.indirect_vreg.gather [hbm4b:s2+s3], $0x80, v3, vm0, $0xb8;
	[tilespmem:$0x10800] =	vst v63  }
0x240: {  	v3 =	vld [tilespmem:$0x220];
	_ =	sdelay $0x4  }
0x241: {  	v34 =	vshll.u32 v3, $0x1  }
0x242: {  	v3 =	vand.u32 $0x7, v3;
	v4 =	vand.u32 $0xFFFFFFF0, v34  }
0x243: {  	v3 =	vor.u32 v3, v4  }
0x244: {  	v4 =	vperm.xlane v3, v0;
	_ =	sdelay $0x1  }
0x245: {  	v3 =	vperm.xlane v3, v2;
	v4 =	vadd.s32 v1, v4;
	_ =	sdelay $0x1  }
0x246: {  	v3 =	vadd.s32 v1, v3;
	_ =	sdelay $0x2  }
0x247: {  	[tilespmem:s12], [sflag:$0x1] =	stream.indirect_vreg.gather [hbm4b:s2+s3], $0x80, v4, vm0, $0xb8;
	[tilespmem:$0x10800] =	vst v63  }
0x248: {  	_ = 	snop  }
0x249: {  	[tilespmem:s4], [sflag:$0x1] =	stream.indirect_vreg.gather [hbm4b:s2+s3], $0x80, v3, vm0, $0xb8;
	[tilespmem:$0x10800] =	vst v63  }
0x24a: {  	v3 =	vld [tilespmem:$0x230];
	_ =	sdelay $0x4  }
0x24b: {  	v35 =	vshll.u32 v3, $0x1  }
0x24c: {  	v3 =	vand.u32 $0x7, v3;
	v4 =	vand.u32 $0xFFFFFFF0, v35  }
0x24d: {  	v3 =	vor.u32 v3, v4  }
0x24e: {  	v4 =	vperm.xlane v3, v0;
	_ =	sdelay $0x1  }
0x24f: {  	v3 =	vperm.xlane v3, v2;
	v4 =	vadd.s32 v1, v4;
	_ =	sdelay $0x1  }
0x250: {  	v3 =	vadd.s32 v1, v3;
	_ =	sdelay $0x2  }
0x251: {  	[tilespmem:s13], [sflag:$0x1] =	stream.indirect_vreg.gather [hbm4b:s2+s3], $0x80, v4, vm0, $0xb8;
	[tilespmem:$0x10800] =	vst v63  }
0x252: {  	_ = 	snop  }
0x253: {  	[tilespmem:s9], [sflag:$0x1] =	stream.indirect_vreg.gather [hbm4b:s2+s3], $0x80, v3, vm0, $0xb8;
	[tilespmem:$0x10800] =	vst v63  }
0x254: {  	_ =	swait.ge [sflag:s7], $0x4000  }
0x255: {  	[sflag:s7] =	ssyncset.done $0x0  }
0x256: {  	s12 =	rddreg [dreg:$0xb];
	[sflag:s7] =	ssyncadd.s32 $0xFFFFC000  }
0x257: {  	[hbm4b:s12+s3] =	stream.linear.scatter [tilespmem:s24], [sflag:$0x6], $0x4000, $0x38;
	[tilespmem:$0x10800] =	vst v63  }
0x258: {  	_ =	swait.ge [sflag:s17], $0x4000  }
0x259: {  	[sflag:s17] =	ssyncset.done $0x0  }
0x25a: {  	[sflag:s17] =	ssyncadd.s32 $0xFFFFC000  }
0x25b: {  	v3 =	vld [tilespmem:$0x240];
	_ =	sdelay $0x4  }
0x25c: {  	v36 =	vshll.u32 v3, $0x1  }
0x25d: {  	v3 =	vand.u32 $0x7, v3;
	v4 =	vand.u32 $0xFFFFFFF0, v36  }
0x25e: {  	v3 =	vor.u32 v3, v4  }
0x25f: {  	v4 =	vperm.xlane v3, v0;
	_ =	sdelay $0x1  }
0x260: {  	v3 =	vperm.xlane v3, v2;
	v4 =	vadd.s32 v1, v4;
	_ =	sdelay $0x1  }
0x261: {  	v3 =	vadd.s32 v1, v3;
	_ =	sdelay $0x2  }
0x262: {  	[tilespmem:s24], [sflag:$0x2] =	stream.indirect_vreg.gather [hbm4b:s2+s3], $0x80, v4, vm0, $0xb8;
	[tilespmem:$0x10800] =	vst v63  }
0x263: {  	s23 =	simm.s32 $0x5000  }
0x264: {  	[tilespmem:s23], [sflag:$0x2] =	stream.indirect_vreg.gather [hbm4b:s2+s3], $0x80, v3, vm0, $0xb8;
	[tilespmem:$0x10800] =	vst v63  }
0x265: {  	v3 =	vld [tilespmem:$0x250];
	_ =	sdelay $0x4  }
0x266: {  	v37 =	vshll.u32 v3, $0x1  }
0x267: {  	v3 =	vand.u32 $0x7, v3;
	v4 =	vand.u32 $0xFFFFFFF0, v37  }
0x268: {  	v3 =	vor.u32 v3, v4  }
0x269: {  	v4 =	vperm.xlane v3, v0;
	_ =	sdelay $0x1  }
0x26a: {  	v3 =	vperm.xlane v3, v2;
	v4 =	vadd.s32 v1, v4;
	_ =	sdelay $0x1  }
0x26b: {  	v3 =	vadd.s32 v1, v3;
	_ =	sdelay $0x2  }
0x26c: {  	[tilespmem:s28], [sflag:$0x2] =	stream.indirect_vreg.gather [hbm4b:s2+s3], $0x80, v4, vm0, $0xb8;
	[tilespmem:$0x10800] =	vst v63  }
0x26d: {  	s28 =	simm.s32 $0x6000  }
0x26e: {  	[tilespmem:s28], [sflag:$0x2] =	stream.indirect_vreg.gather [hbm4b:s2+s3], $0x80, v3, vm0, $0xb8;
	[tilespmem:$0x10800] =	vst v63  }
0x26f: {  	v3 =	vld [tilespmem:$0x260];
	_ =	sdelay $0x4  }
0x270: {  	v38 =	vshll.u32 v3, $0x1  }
0x271: {  	v3 =	vand.u32 $0x7, v3;
	v4 =	vand.u32 $0xFFFFFFF0, v38  }
0x272: {  	v3 =	vor.u32 v3, v4  }
0x273: {  	v4 =	vperm.xlane v3, v0;
	_ =	sdelay $0x1  }
0x274: {  	v3 =	vperm.xlane v3, v2;
	v4 =	vadd.s32 v1, v4;
	_ =	sdelay $0x1  }
0x275: {  	v3 =	vadd.s32 v1, v3;
	_ =	sdelay $0x2  }
0x276: {  	[tilespmem:s29], [sflag:$0x2] =	stream.indirect_vreg.gather [hbm4b:s2+s3], $0x80, v4, vm0, $0xb8;
	[tilespmem:$0x10800] =	vst v63  }
0x277: {  	s29 =	simm.s32 $0x7000  }
0x278: {  	[tilespmem:s29], [sflag:$0x2] =	stream.indirect_vreg.gather [hbm4b:s2+s3], $0x80, v3, vm0, $0xb8;
	[tilespmem:$0x10800] =	vst v63  }
0x279: {  	v3 =	vld [tilespmem:$0x270];
	_ =	sdelay $0x4  }
0x27a: {  	v39 =	vshll.u32 v3, $0x1  }
0x27b: {  	v3 =	vand.u32 $0x7, v3;
	v4 =	vand.u32 $0xFFFFFFF0, v39  }
0x27c: {  	v3 =	vor.u32 v3, v4  }
0x27d: {  	v4 =	vperm.xlane v3, v0;
	_ =	sdelay $0x1  }
0x27e: {  	v3 =	vperm.xlane v3, v2;
	v4 =	vadd.s32 v1, v4;
	_ =	sdelay $0x1  }
0x27f: {  	v3 =	vadd.s32 v1, v3;
	_ =	sdelay $0x2  }
0x280: {  	[tilespmem:s30], [sflag:$0x2] =	stream.indirect_vreg.gather [hbm4b:s2+s3], $0x80, v4, vm0, $0xb8;
	[tilespmem:$0x10800] =	vst v63  }
0x281: {  	_ = 	snop  }
0x282: {  	[tilespmem:s31], [sflag:$0x2] =	stream.indirect_vreg.gather [hbm4b:s2+s3], $0x80, v3, vm0, $0xb8;
	[tilespmem:$0x10800] =	vst v63  }
0x283: {  	_ =	swait.ge [sflag:s18], $0x4000  }
0x284: {  	[sflag:s18] =	ssyncset.done $0x0  }
0x285: {  	s9 =	rddreg [dreg:$0xc];
	[sflag:s18] =	ssyncadd.s32 $0xFFFFC000  }
0x286: {  	[hbm4b:s9+s3] =	stream.linear.scatter [tilespmem:s21], [sflag:$0x7], $0x4000, $0x38;
	[tilespmem:$0x10800] =	vst v63  }
0x287: {  	_ =	swait.ge [sflag:s19], $0x4000  }
0x288: {  	[sflag:s19] =	ssyncset.done $0x0  }
0x289: {  	[sflag:s19] =	ssyncadd.s32 $0xFFFFC000  }
0x28a: {  	v3 =	vld [tilespmem:$0x280];
	_ =	sdelay $0x4  }
0x28b: {  	v40 =	vshll.u32 v3, $0x1  }
0x28c: {  	v3 =	vand.u32 $0x7, v3;
	v4 =	vand.u32 $0xFFFFFFF0, v40  }
0x28d: {  	v3 =	vor.u32 v3, v4  }
0x28e: {  	v4 =	vperm.xlane v3, v0;
	_ =	sdelay $0x1  }
0x28f: {  	v3 =	vperm.xlane v3, v2;
	v4 =	vadd.s32 v1, v4;
	_ =	sdelay $0x1  }
0x290: {  	v3 =	vadd.s32 v1, v3;
	_ =	sdelay $0x2  }
0x291: {  	[tilespmem:s21], [sflag:$0x3] =	stream.indirect_vreg.gather [hbm4b:s2+s3], $0x80, v4, vm0, $0xb8;
	[tilespmem:$0x10800] =	vst v63  }
0x292: {  	s30 =	simm.s32 $0x9000  }
0x293: {  	[tilespmem:s30], [sflag:$0x3] =	stream.indirect_vreg.gather [hbm4b:s2+s3], $0x80, v3, vm0, $0xb8;
	[tilespmem:$0x10800] =	vst v63  }
0x294: {  	v3 =	vld [tilespmem:$0x290];
	_ =	sdelay $0x4  }
0x295: {  	v41 =	vshll.u32 v3, $0x1  }
0x296: {  	v3 =	vand.u32 $0x7, v3;
	v4 =	vand.u32 $0xFFFFFFF0, v41  }
0x297: {  	v3 =	vor.u32 v3, v4  }
0x298: {  	v4 =	vperm.xlane v3, v0;
	_ =	sdelay $0x1  }
0x299: {  	v3 =	vperm.xlane v3, v2;
	v4 =	vadd.s32 v1, v4;
	_ =	sdelay $0x1  }
0x29a: {  	v3 =	vadd.s32 v1, v3;
	_ =	sdelay $0x2  }
0x29b: {  	[tilespmem:s8], [sflag:$0x3] =	stream.indirect_vreg.gather [hbm4b:s2+s3], $0x80, v4, vm0, $0xb8;
	[tilespmem:$0x10800] =	vst v63  }
0x29c: {  	s31 =	simm.s32 $0xA000  }
0x29d: {  	[tilespmem:s31], [sflag:$0x3] =	stream.indirect_vreg.gather [hbm4b:s2+s3], $0x80, v3, vm0, $0xb8;
	[tilespmem:$0x10800] =	vst v63  }
0x29e: {  	v3 =	vld [tilespmem:$0x2A0];
	_ =	sdelay $0x4  }
0x29f: {  	v42 =	vshll.u32 v3, $0x1  }
0x2a0: {  	v3 =	vand.u32 $0x7, v3;
	v4 =	vand.u32 $0xFFFFFFF0, v42  }
0x2a1: {  	v3 =	vor.u32 v3, v4  }
0x2a2: {  	v4 =	vperm.xlane v3, v0;
	_ =	sdelay $0x1  }
0x2a3: {  	v3 =	vperm.xlane v3, v2;
	v4 =	vadd.s32 v1, v4;
	_ =	sdelay $0x1  }
0x2a4: {  	v3 =	vadd.s32 v1, v3;
	_ =	sdelay $0x2  }
0x2a5: {  	[tilespmem:s14], [sflag:$0x3] =	stream.indirect_vreg.gather [hbm4b:s2+s3], $0x80, v4, vm0, $0xb8;
	[tilespmem:$0x10800] =	vst v63  }
0x2a6: {  	s22 =	simm.s32 $0xB000  }
0x2a7: {  	[tilespmem:s22], [sflag:$0x3] =	stream.indirect_vreg.gather [hbm4b:s2+s3], $0x80, v3, vm0, $0xb8;
	[tilespmem:$0x10800] =	vst v63  }
0x2a8: {  	v3 =	vld [tilespmem:$0x2B0];
	_ =	sdelay $0x4  }
0x2a9: {  	v43 =	vshll.u32 v3, $0x1  }
0x2aa: {  	v3 =	vand.u32 $0x7, v3;
	v4 =	vand.u32 $0xFFFFFFF0, v43  }
0x2ab: {  	v3 =	vor.u32 v3, v4  }
0x2ac: {  	v4 =	vperm.xlane v3, v0;
	_ =	sdelay $0x1  }
0x2ad: {  	v3 =	vperm.xlane v3, v2;
	v4 =	vadd.s32 v1, v4;
	_ =	sdelay $0x1  }
0x2ae: {  	v3 =	vadd.s32 v1, v3;
	_ =	sdelay $0x2  }
0x2af: {  	[tilespmem:s26], [sflag:$0x3] =	stream.indirect_vreg.gather [hbm4b:s2+s3], $0x80, v4, vm0, $0xb8;
	[tilespmem:$0x10800] =	vst v63  }
0x2b0: {  	s30 =	simm.s32 $0xC000  }
0x2b1: {  	[tilespmem:s30], [sflag:$0x3] =	stream.indirect_vreg.gather [hbm4b:s2+s3], $0x80, v3, vm0, $0xb8;
	[tilespmem:$0x10800] =	vst v63  }
0x2b2: {  	_ =	swait.ge [sflag:s20], $0x4000  }
0x2b3: {  	[sflag:s20] =	ssyncset.done $0x0  }
0x2b4: {  	s31 =	rddreg [dreg:$0xd];
	[sflag:s20] =	ssyncadd.s32 $0xFFFFC000  }
0x2b5: {  	[hbm4b:s31+s3] =	stream.linear.scatter [tilespmem:s0], [sflag:$0x8], $0x4000, $0x38;
	[tilespmem:$0x10800] =	vst v63  }
0x2b6: {  	_ =	swait.ge [sflag:s15], $0x4000  }
0x2b7: {  	[sflag:s15] =	ssyncset.done $0x0  }
0x2b8: {  	[sflag:s15] =	ssyncadd.s32 $0xFFFFC000  }
0x2b9: {  	v3 =	vld [tilespmem:$0x2C0];
	_ =	sdelay $0x4  }
0x2ba: {  	v44 =	vshll.u32 v3, $0x1  }
0x2bb: {  	v3 =	vand.u32 $0x7, v3;
	v4 =	vand.u32 $0xFFFFFFF0, v44  }
0x2bc: {  	v3 =	vor.u32 v3, v4  }
0x2bd: {  	v4 =	vperm.xlane v3, v0;
	_ =	sdelay $0x1  }
0x2be: {  	v3 =	vperm.xlane v3, v2;
	v4 =	vadd.s32 v1, v4;
	_ =	sdelay $0x1  }
0x2bf: {  	v3 =	vadd.s32 v1, v3;
	_ =	sdelay $0x2  }
0x2c0: {  	[tilespmem:s0], [sflag:$0x4] =	stream.indirect_vreg.gather [hbm4b:s2+s3], $0x80, v4, vm0, $0xb8;
	[tilespmem:$0x10800] =	vst v63  }
0x2c1: {  	s26 =	simm.s32 $0xD000  }
0x2c2: {  	[tilespmem:s26], [sflag:$0x4] =	stream.indirect_vreg.gather [hbm4b:s2+s3], $0x80, v3, vm0, $0xb8;
	[tilespmem:$0x10800] =	vst v63  }
0x2c3: {  	v3 =	vld [tilespmem:$0x2D0];
	_ =	sdelay $0x4  }
0x2c4: {  	v45 =	vshll.u32 v3, $0x1  }
0x2c5: {  	v3 =	vand.u32 $0x7, v3;
	v4 =	vand.u32 $0xFFFFFFF0, v45  }
0x2c6: {  	v3 =	vor.u32 v3, v4  }
0x2c7: {  	v4 =	vperm.xlane v3, v0;
	_ =	sdelay $0x1  }
0x2c8: {  	v3 =	vperm.xlane v3, v2;
	v4 =	vadd.s32 v1, v4;
	_ =	sdelay $0x1  }
0x2c9: {  	v3 =	vadd.s32 v1, v3;
	_ =	sdelay $0x1  }
0x2ca: {  	s11 =	simm.s32 $0xD800  }
0x2cb: {  	[tilespmem:s11], [sflag:$0x4] =	stream.indirect_vreg.gather [hbm4b:s2+s3], $0x80, v4, vm0, $0xb8;
	[tilespmem:$0x10800] =	vst v63  }
0x2cc: {  	s30 =	simm.s32 $0xE000  }
0x2cd: {  	[tilespmem:s30], [sflag:$0x4] =	stream.indirect_vreg.gather [hbm4b:s2+s3], $0x80, v3, vm0, $0xb8;
	[tilespmem:$0x10800] =	vst v63  }
0x2ce: {  	v3 =	vld [tilespmem:$0x2E0];
	_ =	sdelay $0x4  }
0x2cf: {  	v46 =	vshll.u32 v3, $0x1  }
0x2d0: {  	v3 =	vand.u32 $0x7, v3;
	v4 =	vand.u32 $0xFFFFFFF0, v46  }
0x2d1: {  	v3 =	vor.u32 v3, v4  }
0x2d2: {  	v4 =	vperm.xlane v3, v0;
	_ =	sdelay $0x1  }
0x2d3: {  	v3 =	vperm.xlane v3, v2;
	v4 =	vadd.s32 v1, v4;
	_ =	sdelay $0x1  }
0x2d4: {  	v3 =	vadd.s32 v1, v3;
	_ =	sdelay $0x1  }
0x2d5: {  	s22 =	simm.s32 $0xE800  }
0x2d6: {  	[tilespmem:s22], [sflag:$0x4] =	stream.indirect_vreg.gather [hbm4b:s2+s3], $0x80, v4, vm0, $0xb8;
	[tilespmem:$0x10800] =	vst v63  }
0x2d7: {  	s30 =	simm.s32 $0xF000  }
0x2d8: {  	[tilespmem:s30], [sflag:$0x4] =	stream.indirect_vreg.gather [hbm4b:s2+s3], $0x80, v3, vm0, $0xb8;
	[tilespmem:$0x10800] =	vst v63  }
0x2d9: {  	v3 =	vld [tilespmem:$0x2F0];
	_ =	sdelay $0x4  }
0x2da: {  	v47 =	vshll.u32 v3, $0x1  }
0x2db: {  	v3 =	vand.u32 $0x7, v3;
	v4 =	vand.u32 $0xFFFFFFF0, v47  }
0x2dc: {  	v3 =	vor.u32 v3, v4  }
0x2dd: {  	v4 =	vperm.xlane v3, v0;
	_ =	sdelay $0x1  }
0x2de: {  	v3 =	vperm.xlane v3, v2;
	v4 =	vadd.s32 v1, v4;
	_ =	sdelay $0x1  }
0x2df: {  	v3 =	vadd.s32 v1, v3;
	_ =	sdelay $0x1  }
0x2e0: {  	s30 =	simm.s32 $0xF800  }
0x2e1: {  	[tilespmem:s30], [sflag:$0x4] =	stream.indirect_vreg.gather [hbm4b:s2+s3], $0x80, v4, vm0, $0xb8;
	[tilespmem:$0x10800] =	vst v63  }
0x2e2: {  	s22 =	simm.s32 $0x10000  }
0x2e3: {  	[tilespmem:s22], [sflag:$0x4] =	stream.indirect_vreg.gather [hbm4b:s2+s3], $0x80, v3, vm0, $0xb8;
	[tilespmem:$0x10800] =	vst v63  }
0x2e4: {  	_ =	swait.ge [sflag:s6], $0x4000  }
0x2e5: {  	[sflag:s6] =	ssyncset.done $0x0  }
0x2e6: {  	s22 =	rddreg [dreg:$0xe];
	[sflag:s6] =	ssyncadd.s32 $0xFFFFC000  }
0x2e7: {  	[hbm4b:s22+s3] =	stream.linear.scatter [tilespmem:s16], [sflag:$0x5], $0x4000, $0x38;
	[tilespmem:$0x10800] =	vst v63  }
0x2e8: {  	_ =	swait.ge [sflag:s10], $0x4000  }
0x2e9: {  	[sflag:s10] =	ssyncset.done $0x0  }
0x2ea: {  	[sflag:s10] =	ssyncadd.s32 $0xFFFFC000  }
0x2eb: {  	v3 =	vld [tilespmem:$0x300];
	_ =	sdelay $0x4  }
0x2ec: {  	v48 =	vshll.u32 v3, $0x1  }
0x2ed: {  	v3 =	vand.u32 $0x7, v3;
	v4 =	vand.u32 $0xFFFFFFF0, v48  }
0x2ee: {  	v3 =	vor.u32 v3, v4  }
0x2ef: {  	v4 =	vperm.xlane v3, v0;
	_ =	sdelay $0x1  }
0x2f0: {  	v3 =	vperm.xlane v3, v2;
	v4 =	vadd.s32 v1, v4;
	_ =	sdelay $0x1  }
0x2f1: {  	v3 =	vadd.s32 v1, v3;
	_ =	sdelay $0x2  }
0x2f2: {  	[tilespmem:s16], [sflag:$0x1] =	stream.indirect_vreg.gather [hbm4b:s2+s3], $0x80, v4, vm0, $0xb8;
	[tilespmem:$0x10800] =	vst v63  }
0x2f3: {  	s22 =	simm.s32 $0x1000  }
0x2f4: {  	[tilespmem:s22], [sflag:$0x1] =	stream.indirect_vreg.gather [hbm4b:s2+s3], $0x80, v3, vm0, $0xb8;
	[tilespmem:$0x10800] =	vst v63  }
0x2f5: {  	v3 =	vld [tilespmem:$0x310];
	_ =	sdelay $0x4  }
0x2f6: {  	v49 =	vshll.u32 v3, $0x1  }
0x2f7: {  	v3 =	vand.u32 $0x7, v3;
	v4 =	vand.u32 $0xFFFFFFF0, v49  }
0x2f8: {  	v3 =	vor.u32 v3, v4  }
0x2f9: {  	v4 =	vperm.xlane v3, v0;
	_ =	sdelay $0x1  }
0x2fa: {  	v3 =	vperm.xlane v3, v2;
	v4 =	vadd.s32 v1, v4;
	_ =	sdelay $0x1  }
0x2fb: {  	v3 =	vadd.s32 v1, v3;
	_ =	sdelay $0x1  }
0x2fc: {  	s22 =	simm.s32 $0x1800  }
0x2fd: {  	[tilespmem:s22], [sflag:$0x1] =	stream.indirect_vreg.gather [hbm4b:s2+s3], $0x80, v4, vm0, $0xb8;
	[tilespmem:$0x10800] =	vst v63  }
0x2fe: {  	s22 =	simm.s32 $0x2000  }
0x2ff: {  	[tilespmem:s22], [sflag:$0x1] =	stream.indirect_vreg.gather [hbm4b:s2+s3], $0x80, v3, vm0, $0xb8;
	[tilespmem:$0x10800] =	vst v63  }
0x300: {  	v3 =	vld [tilespmem:$0x320];
	_ =	sdelay $0x4  }
0x301: {  	v50 =	vshll.u32 v3, $0x1  }
0x302: {  	v3 =	vand.u32 $0x7, v3;
	v4 =	vand.u32 $0xFFFFFFF0, v50  }
0x303: {  	v3 =	vor.u32 v3, v4  }
0x304: {  	v4 =	vperm.xlane v3, v0;
	_ =	sdelay $0x1  }
0x305: {  	v3 =	vperm.xlane v3, v2;
	v4 =	vadd.s32 v1, v4;
	_ =	sdelay $0x1  }
0x306: {  	v3 =	vadd.s32 v1, v3;
	_ =	sdelay $0x1  }
0x307: {  	s25 =	simm.s32 $0x2800  }
0x308: {  	[tilespmem:s25], [sflag:$0x1] =	stream.indirect_vreg.gather [hbm4b:s2+s3], $0x80, v4, vm0, $0xb8;
	[tilespmem:$0x10800] =	vst v63  }
0x309: {  	s4 =	simm.s32 $0x3000  }
0x30a: {  	[tilespmem:s4], [sflag:$0x1] =	stream.indirect_vreg.gather [hbm4b:s2+s3], $0x80, v3, vm0, $0xb8;
	[tilespmem:$0x10800] =	vst v63  }
0x30b: {  	v3 =	vld [tilespmem:$0x330];
	_ =	sdelay $0x4  }
0x30c: {  	v51 =	vshll.u32 v3, $0x1  }
0x30d: {  	v3 =	vand.u32 $0x7, v3;
	v4 =	vand.u32 $0xFFFFFFF0, v51  }
0x30e: {  	v3 =	vor.u32 v3, v4  }
0x30f: {  	v4 =	vperm.xlane v3, v0;
	_ =	sdelay $0x1  }
0x310: {  	v3 =	vperm.xlane v3, v2;
	v4 =	vadd.s32 v1, v4;
	_ =	sdelay $0x1  }
0x311: {  	v3 =	vadd.s32 v1, v3;
	_ =	sdelay $0x1  }
0x312: {  	s13 =	simm.s32 $0x3800  }
0x313: {  	[tilespmem:s13], [sflag:$0x1] =	stream.indirect_vreg.gather [hbm4b:s2+s3], $0x80, v4, vm0, $0xb8;
	[tilespmem:$0x10800] =	vst v63  }
0x314: {  	s1 =	simm.s32 $0x4000  }
0x315: {  	[tilespmem:s1], [sflag:$0x1] =	stream.indirect_vreg.gather [hbm4b:s2+s3], $0x80, v3, vm0, $0xb8;
	[tilespmem:$0x10800] =	vst v63  }
0x316: {  	_ =	swait.ge [sflag:s7], $0x4000  }
0x317: {  	[sflag:s7] =	ssyncset.done $0x0  }
0x318: {  	s4 =	rddreg [dreg:$0xf];
	[sflag:s7] =	ssyncadd.s32 $0xFFFFC000  }
0x319: {  	[hbm4b:s4+s3] =	stream.linear.scatter [tilespmem:s24], [sflag:$0x6], $0x4000, $0x38;
	[tilespmem:$0x10800] =	vst v63  }
0x31a: {  	_ =	swait.ge [sflag:s17], $0x4000  }
0x31b: {  	[sflag:s17] =	ssyncset.done $0x0  }
0x31c: {  	[sflag:s17] =	ssyncadd.s32 $0xFFFFC000  }
0x31d: {  	v3 =	vld [tilespmem:$0x340];
	_ =	sdelay $0x4  }
0x31e: {  	v52 =	vshll.u32 v3, $0x1  }
0x31f: {  	v3 =	vand.u32 $0x7, v3;
	v4 =	vand.u32 $0xFFFFFFF0, v52  }
0x320: {  	v3 =	vor.u32 v3, v4  }
0x321: {  	v4 =	vperm.xlane v3, v0;
	_ =	sdelay $0x1  }
0x322: {  	v3 =	vperm.xlane v3, v2;
	v4 =	vadd.s32 v1, v4;
	_ =	sdelay $0x1  }
0x323: {  	v3 =	vadd.s32 v1, v3;
	_ =	sdelay $0x2  }
0x324: {  	[tilespmem:s24], [sflag:$0x2] =	stream.indirect_vreg.gather [hbm4b:s2+s3], $0x80, v4, vm0, $0xb8;
	[tilespmem:$0x10800] =	vst v63  }
0x325: {  	s13 =	simm.s32 $0x5000  }
0x326: {  	[tilespmem:s13], [sflag:$0x2] =	stream.indirect_vreg.gather [hbm4b:s2+s3], $0x80, v3, vm0, $0xb8;
	[tilespmem:$0x10800] =	vst v63  }
0x327: {  	v3 =	vld [tilespmem:$0x350];
	_ =	sdelay $0x4  }
0x328: {  	v53 =	vshll.u32 v3, $0x1  }
0x329: {  	v3 =	vand.u32 $0x7, v3;
	v4 =	vand.u32 $0xFFFFFFF0, v53  }
0x32a: {  	v3 =	vor.u32 v3, v4  }
0x32b: {  	v4 =	vperm.xlane v3, v0;
	_ =	sdelay $0x1  }
0x32c: {  	v3 =	vperm.xlane v3, v2;
	v4 =	vadd.s32 v1, v4;
	_ =	sdelay $0x1  }
0x32d: {  	v3 =	vadd.s32 v1, v3;
	_ =	sdelay $0x1  }
0x32e: {  	s12 =	simm.s32 $0x5800  }
0x32f: {  	[tilespmem:s12], [sflag:$0x2] =	stream.indirect_vreg.gather [hbm4b:s2+s3], $0x80, v4, vm0, $0xb8;
	[tilespmem:$0x10800] =	vst v63  }
0x330: {  	s22 =	simm.s32 $0x6000  }
0x331: {  	[tilespmem:s22], [sflag:$0x2] =	stream.indirect_vreg.gather [hbm4b:s2+s3], $0x80, v3, vm0, $0xb8;
	[tilespmem:$0x10800] =	vst v63  }
0x332: {  	v3 =	vld [tilespmem:$0x360];
	_ =	sdelay $0x4  }
0x333: {  	v54 =	vshll.u32 v3, $0x1  }
0x334: {  	v3 =	vand.u32 $0x7, v3;
	v4 =	vand.u32 $0xFFFFFFF0, v54  }
0x335: {  	v3 =	vor.u32 v3, v4  }
0x336: {  	v4 =	vperm.xlane v3, v0;
	_ =	sdelay $0x1  }
0x337: {  	v3 =	vperm.xlane v3, v2;
	v4 =	vadd.s32 v1, v4;
	_ =	sdelay $0x1  }
0x338: {  	v3 =	vadd.s32 v1, v3;
	_ =	sdelay $0x1  }
0x339: {  	s23 =	simm.s32 $0x6800  }
0x33a: {  	[tilespmem:s23], [sflag:$0x2] =	stream.indirect_vreg.gather [hbm4b:s2+s3], $0x80, v4, vm0, $0xb8;
	[tilespmem:$0x10800] =	vst v63  }
0x33b: {  	s25 =	simm.s32 $0x7000  }
0x33c: {  	[tilespmem:s25], [sflag:$0x2] =	stream.indirect_vreg.gather [hbm4b:s2+s3], $0x80, v3, vm0, $0xb8;
	[tilespmem:$0x10800] =	vst v63  }
0x33d: {  	v3 =	vld [tilespmem:$0x370];
	_ =	sdelay $0x4  }
0x33e: {  	v55 =	vshll.u32 v3, $0x1  }
0x33f: {  	v3 =	vand.u32 $0x7, v3;
	v4 =	vand.u32 $0xFFFFFFF0, v55  }
0x340: {  	v3 =	vor.u32 v3, v4  }
0x341: {  	v4 =	vperm.xlane v3, v0;
	_ =	sdelay $0x1  }
0x342: {  	v3 =	vperm.xlane v3, v2;
	v4 =	vadd.s32 v1, v4;
	_ =	sdelay $0x1  }
0x343: {  	v3 =	vadd.s32 v1, v3;
	_ =	sdelay $0x1  }
0x344: {  	s28 =	simm.s32 $0x7800  }
0x345: {  	[tilespmem:s28], [sflag:$0x2] =	stream.indirect_vreg.gather [hbm4b:s2+s3], $0x80, v4, vm0, $0xb8;
	[tilespmem:$0x10800] =	vst v63  }
0x346: {  	s29 =	simm.s32 $0x8000  }
0x347: {  	[tilespmem:s29], [sflag:$0x2] =	stream.indirect_vreg.gather [hbm4b:s2+s3], $0x80, v3, vm0, $0xb8;
	[tilespmem:$0x10800] =	vst v63  }
0x348: {  	_ =	swait.ge [sflag:s18], $0x4000  }
0x349: {  	[sflag:s18] =	ssyncset.done $0x0  }
0x34a: {  	s1 =	rddreg [dreg:$0x10];
	[sflag:s18] =	ssyncadd.s32 $0xFFFFC000  }
0x34b: {  	[hbm4b:s1+s3] =	stream.linear.scatter [tilespmem:s21], [sflag:$0x7], $0x4000, $0x38;
	[tilespmem:$0x10800] =	vst v63  }
0x34c: {  	_ =	swait.ge [sflag:s19], $0x4000  }
0x34d: {  	[sflag:s19] =	ssyncset.done $0x0  }
0x34e: {  	[sflag:s19] =	ssyncadd.s32 $0xFFFFC000  }
0x34f: {  	v3 =	vld [tilespmem:$0x380];
	_ =	sdelay $0x4  }
0x350: {  	v56 =	vshll.u32 v3, $0x1  }
0x351: {  	v3 =	vand.u32 $0x7, v3;
	v4 =	vand.u32 $0xFFFFFFF0, v56  }
0x352: {  	v3 =	vor.u32 v3, v4  }
0x353: {  	v4 =	vperm.xlane v3, v0;
	_ =	sdelay $0x1  }
0x354: {  	v3 =	vperm.xlane v3, v2;
	v4 =	vadd.s32 v1, v4;
	_ =	sdelay $0x1  }
0x355: {  	v3 =	vadd.s32 v1, v3;
	_ =	sdelay $0x2  }
0x356: {  	[tilespmem:s21], [sflag:$0x3] =	stream.indirect_vreg.gather [hbm4b:s2+s3], $0x80, v4, vm0, $0xb8;
	[tilespmem:$0x10800] =	vst v63  }
0x357: {  	s4 =	simm.s32 $0x9000  }
0x358: {  	[tilespmem:s4], [sflag:$0x3] =	stream.indirect_vreg.gather [hbm4b:s2+s3], $0x80, v3, vm0, $0xb8;
	[tilespmem:$0x10800] =	vst v63  }
0x359: {  	v3 =	vld [tilespmem:$0x390];
	_ =	sdelay $0x4  }
0x35a: {  	v57 =	vshll.u32 v3, $0x1  }
0x35b: {  	v3 =	vand.u32 $0x7, v3;
	v4 =	vand.u32 $0xFFFFFFF0, v57  }
0x35c: {  	v3 =	vor.u32 v3, v4  }
0x35d: {  	v4 =	vperm.xlane v3, v0;
	_ =	sdelay $0x1  }
0x35e: {  	v3 =	vperm.xlane v3, v2;
	v4 =	vadd.s32 v1, v4;
	_ =	sdelay $0x1  }
0x35f: {  	v3 =	vadd.s32 v1, v3;
	_ =	sdelay $0x1  }
0x360: {  	s8 =	simm.s32 $0x9800  }
0x361: {  	[tilespmem:s8], [sflag:$0x3] =	stream.indirect_vreg.gather [hbm4b:s2+s3], $0x80, v4, vm0, $0xb8;
	[tilespmem:$0x10800] =	vst v63  }
0x362: {  	s12 =	simm.s32 $0xA000  }
0x363: {  	[tilespmem:s12], [sflag:$0x3] =	stream.indirect_vreg.gather [hbm4b:s2+s3], $0x80, v3, vm0, $0xb8;
	[tilespmem:$0x10800] =	vst v63  }
0x364: {  	v3 =	vld [tilespmem:$0x3A0];
	_ =	sdelay $0x4  }
0x365: {  	v58 =	vshll.u32 v3, $0x1  }
0x366: {  	v3 =	vand.u32 $0x7, v3;
	v4 =	vand.u32 $0xFFFFFFF0, v58  }
0x367: {  	v3 =	vor.u32 v3, v4  }
0x368: {  	v4 =	vperm.xlane v3, v0;
	_ =	sdelay $0x1  }
0x369: {  	v3 =	vperm.xlane v3, v2;
	v4 =	vadd.s32 v1, v4;
	_ =	sdelay $0x1  }
0x36a: {  	v3 =	vadd.s32 v1, v3;
	_ =	sdelay $0x1  }
0x36b: {  	s9 =	simm.s32 $0xA800  }
0x36c: {  	[tilespmem:s9], [sflag:$0x3] =	stream.indirect_vreg.gather [hbm4b:s2+s3], $0x80, v4, vm0, $0xb8;
	[tilespmem:$0x10800] =	vst v63  }
0x36d: {  	s13 =	simm.s32 $0xB000  }
0x36e: {  	[tilespmem:s13], [sflag:$0x3] =	stream.indirect_vreg.gather [hbm4b:s2+s3], $0x80, v3, vm0, $0xb8;
	[tilespmem:$0x10800] =	vst v63  }
0x36f: {  	v3 =	vld [tilespmem:$0x3B0];
	_ =	sdelay $0x4  }
0x370: {  	v59 =	vshll.u32 v3, $0x1  }
0x371: {  	v3 =	vand.u32 $0x7, v3;
	v4 =	vand.u32 $0xFFFFFFF0, v59  }
0x372: {  	v3 =	vor.u32 v3, v4  }
0x373: {  	v4 =	vperm.xlane v3, v0;
	_ =	sdelay $0x1  }
0x374: {  	v3 =	vperm.xlane v3, v2;
	v4 =	vadd.s32 v1, v4;
	_ =	sdelay $0x1  }
0x375: {  	v3 =	vadd.s32 v1, v3;
	_ =	sdelay $0x1  }
0x376: {  	s14 =	simm.s32 $0xB800  }
0x377: {  	[tilespmem:s14], [sflag:$0x3] =	stream.indirect_vreg.gather [hbm4b:s2+s3], $0x80, v4, vm0, $0xb8;
	[tilespmem:$0x10800] =	vst v63  }
0x378: {  	s22 =	simm.s32 $0xC000  }
0x379: {  	[tilespmem:s22], [sflag:$0x3] =	stream.indirect_vreg.gather [hbm4b:s2+s3], $0x80, v3, vm0, $0xb8;
	[tilespmem:$0x10800] =	vst v63  }
0x37a: {  	_ =	swait.ge [sflag:s20], $0x4000  }
0x37b: {  	[sflag:s20] =	ssyncset.done $0x0  }
0x37c: {  	s23 =	rddreg [dreg:$0x11];
	[sflag:s20] =	ssyncadd.s32 $0xFFFFC000  }
0x37d: {  	[hbm4b:s23+s3] =	stream.linear.scatter [tilespmem:s0], [sflag:$0x8], $0x4000, $0x38;
	[tilespmem:$0x10800] =	vst v63  }
0x37e: {  	_ =	swait.ge [sflag:s15], $0x4000  }
0x37f: {  	[sflag:s15] =	ssyncset.done $0x0  }
0x380: {  	[sflag:s15] =	ssyncadd.s32 $0xFFFFC000  }
0x381: {  	v3 =	vld [tilespmem:$0x3C0];
	_ =	sdelay $0x4  }
0x382: {  	v60 =	vshll.u32 v3, $0x1  }
0x383: {  	v3 =	vand.u32 $0x7, v3;
	v4 =	vand.u32 $0xFFFFFFF0, v60  }
0x384: {  	v3 =	vor.u32 v3, v4  }
0x385: {  	v4 =	vperm.xlane v3, v0;
	_ =	sdelay $0x1  }
0x386: {  	v3 =	vperm.xlane v3, v2;
	v4 =	vadd.s32 v1, v4;
	_ =	sdelay $0x1  }
0x387: {  	v3 =	vadd.s32 v1, v3;
	_ =	sdelay $0x2  }
0x388: {  	[tilespmem:s0], [sflag:$0x4] =	stream.indirect_vreg.gather [hbm4b:s2+s3], $0x80, v4, vm0, $0xb8;
	[tilespmem:$0x10800] =	vst v63  }
0x389: {  	s31 =	simm.s32 $0xD000  }
0x38a: {  	[tilespmem:s31], [sflag:$0x4] =	stream.indirect_vreg.gather [hbm4b:s2+s3], $0x80, v3, vm0, $0xb8;
	[tilespmem:$0x10800] =	vst v63  }
0x38b: {  	v3 =	vld [tilespmem:$0x3D0];
	_ =	sdelay $0x4  }
0x38c: {  	v61 =	vshll.u32 v3, $0x1  }
0x38d: {  	v3 =	vand.u32 $0x7, v3;
	v4 =	vand.u32 $0xFFFFFFF0, v61  }
0x38e: {  	v3 =	vor.u32 v3, v4  }
0x38f: {  	v4 =	vperm.xlane v3, v0;
	_ =	sdelay $0x1  }
0x390: {  	v3 =	vperm.xlane v3, v2;
	v4 =	vadd.s32 v1, v4;
	_ =	sdelay $0x1  }
0x391: {  	v3 =	vadd.s32 v1, v3;
	_ =	sdelay $0x1  }
0x392: {  	s26 =	simm.s32 $0xD800  }
0x393: {  	[tilespmem:s26], [sflag:$0x4] =	stream.indirect_vreg.gather [hbm4b:s2+s3], $0x80, v4, vm0, $0xb8;
	[tilespmem:$0x10800] =	vst v63  }
0x394: {  	s25 =	simm.s32 $0xE000  }
0x395: {  	[tilespmem:s25], [sflag:$0x4] =	stream.indirect_vreg.gather [hbm4b:s2+s3], $0x80, v3, vm0, $0xb8;
	[tilespmem:$0x10800] =	vst v63  }
0x396: {  	v3 =	vld [tilespmem:$0x3E0];
	_ =	sdelay $0x4  }
0x397: {  	v62 =	vshll.u32 v3, $0x1  }
0x398: {  	v3 =	vand.u32 $0x7, v3;
	v4 =	vand.u32 $0xFFFFFFF0, v62  }
0x399: {  	v3 =	vor.u32 v3, v4  }
0x39a: {  	v4 =	vperm.xlane v3, v0;
	_ =	sdelay $0x1  }
0x39b: {  	v3 =	vperm.xlane v3, v2;
	v4 =	vadd.s32 v1, v4;
	_ =	sdelay $0x1  }
0x39c: {  	v3 =	vadd.s32 v1, v3;
	_ =	sdelay $0x1  }
0x39d: {  	s11 =	simm.s32 $0xE800  }
0x39e: {  	[tilespmem:s11], [sflag:$0x4] =	stream.indirect_vreg.gather [hbm4b:s2+s3], $0x80, v4, vm0, $0xb8;
	[tilespmem:$0x10800] =	vst v63  }
0x39f: {  	s26 =	simm.s32 $0xF000  }
0x3a0: {  	[tilespmem:s26], [sflag:$0x4] =	stream.indirect_vreg.gather [hbm4b:s2+s3], $0x80, v3, vm0, $0xb8;
	[tilespmem:$0x10800] =	vst v63  }
0x3a1: {  	v3 =	vld [tilespmem:$0x3F0];
	_ =	sdelay $0x4  }
0x3a2: {  	v63 =	vshll.u32 v3, $0x1  }
0x3a3: {  	v3 =	vand.u32 $0x7, v3;
	v4 =	vand.u32 $0xFFFFFFF0, v63  }
0x3a4: {  	v3 =	vor.u32 v3, v4  }
0x3a5: {  	v4 =	vperm.xlane v3, v0;
	_ =	sdelay $0x1  }
0x3a6: {  	v3 =	vperm.xlane v3, v2;
	v4 =	vadd.s32 v1, v4;
	_ =	sdelay $0x1  }
0x3a7: {  	v3 =	vadd.s32 v1, v3;
	_ =	sdelay $0x1  }
0x3a8: {  	s30 =	simm.s32 $0xF800  }
0x3a9: {  	[tilespmem:s30], [sflag:$0x4] =	stream.indirect_vreg.gather [hbm4b:s2+s3], $0x80, v4, vm0, $0xb8;
	[tilespmem:$0x10800] =	vst v63  }
0x3aa: {  	s28 =	simm.s32 $0x10000  }
0x3ab: {  	[tilespmem:s28], [sflag:$0x4] =	stream.indirect_vreg.gather [hbm4b:s2+s3], $0x80, v3, vm0, $0xb8;
	[tilespmem:$0x10800] =	vst v63  }
0x3ac: {  	_ =	swait.ge [sflag:s6], $0x4000  }
0x3ad: {  	[sflag:s6] =	ssyncset.done $0x0  }
0x3ae: {  	s29 =	rddreg [dreg:$0x12];
	[sflag:s6] =	ssyncadd.s32 $0xFFFFC000  }
0x3af: {  	[hbm4b:s29+s3] =	stream.linear.scatter [tilespmem:s16], [sflag:$0x5], $0x4000, $0x38;
	[tilespmem:$0x10800] =	vst v63  }
0x3b0: {  	_ =	swait.ge [sflag:s7], $0x4000  }
0x3b1: {  	[sflag:s7] =	ssyncset.done $0x0  }
0x3b2: {  	s30 =	rddreg [dreg:$0x13];
	[sflag:s7] =	ssyncadd.s32 $0xFFFFC000  }
0x3b3: {  	[hbm4b:s30+s3] =	stream.linear.scatter [tilespmem:s24], [sflag:$0x6], $0x4000, $0x38;
	[tilespmem:$0x10800] =	vst v63  }
0x3b4: {  	_ =	swait.ge [sflag:s18], $0x4000  }
0x3b5: {  	[sflag:s18] =	ssyncset.done $0x0  }
0x3b6: {  	s31 =	rddreg [dreg:$0x14];
	[sflag:s18] =	ssyncadd.s32 $0xFFFFC000  }
0x3b7: {  	[hbm4b:s31+s3] =	stream.linear.scatter [tilespmem:s21], [sflag:$0x7], $0x4000, $0x38;
	[tilespmem:$0x10800] =	vst v63  }
0x3b8: {  	_ =	swait.ge [sflag:s20], $0x4000  }
0x3b9: {  	s23 =	simm.s32 @!p0 $0x0;
	[sflag:s20] =	ssyncset.done $0x0  }
0x3ba: {  	s25 =	simm.s32 @!p0 $0xC800;
	s22 =	rddreg [dreg:$0x15];
	[sflag:s20] =	ssyncadd.s32 $0xFFFFC000  }
0x3bb: {  	[hbm4b:s22+s23] =	stream.linear.scatter @!p0 [tilespmem:s25], [sflag:$0x8], $0x4000, $0x38;
	[tilespmem:$0x10800] =	vst v63  }
0x3bc: {  	s22 =	simm.s32 @!p0 $0x8  }
0x3bd: {  	_ =	swait.ge @!p0 [sflag:s22], $0x4000  }
0x3be: {  	[sflag:s22] =	ssyncset.done @!p0 $0x0  }
0x3bf: {  	[sflag:s22] =	ssyncadd.s32 @!p0 $0xFFFFC000  }
0x3c0: {  	_ =	swait.ge [sflag:s10], $0x4000  }
0x3c1: {  	[sflag:s10] =	ssyncset.done $0x0  }
0x3c2: {  	s5 =	sadd.s32 $0xFFFFFFFF, s5;
	[sflag:s10] =	ssyncadd.s32 $0xFFFFC000  }
0x3c3: {  	p1 =	sne.s32 s5, $0x0;
	_ =	swait.ge [sflag:s17], $0x4000  }
.Ltmp0:
0x3c4: {  	[sflag:s17] =	ssyncset.done $0x0;
	(pc) =	sbr.rel @p1 .LBB2_1-.Ltmp0, $4  }
0x3c5: {  	[sflag:s17] =	ssyncadd.s32 $0xFFFFC000  }
0x3c6: {  	_ =	swait.ge [sflag:s19], $0x4000  }
0x3c7: {  	[sflag:s19] =	ssyncset.done $0x0  }
0x3c8: {  	[sflag:s19] =	ssyncadd.s32 $0xFFFFC000  }
0x3c9: {  	_ =	sfence.sel $0x180000  }
0x3ca: {  	[bflag:$0x0] =	sbarrier.arrive $0xFFFF  }
0x3cb: {  	_ =	strace $0x90000047  }
0x3cc: {  	s0 =	stileid.u32;
	[bflag:$0x2] =	sbarrier.arrive $0xFFFF  }
0x3cd: {  	p0 =	sne.s32 s0, $0x0;
	s0 =	rddreg [dreg:$0x4]  }
0x3ce: {  	s0 =	sadd.s32 @!p0 $0x100000, s0  }
0x3cf: {  	[sflag:s0] =	ssyncadd.tile.s32 @!p0 $0x1;
	_ =	shalt  }
.Lfunc_end2:
_tile_overlayer_lowered:
.L_overlay_start_2:
0x3d0: {  	(tag) =	ssettag $0x2  }
0x3d1: {  	s0 =	rddreg [dreg:$0x0];
	s2 =	stileid.u32  }
0x3d2: {  	s1 =	rddreg [dreg:$0x1];
	p0 =	sne.s32 s2, $0x0  }
0x3d3: {  	s3 =	rddreg [dreg:$0x2];
	[bflag:$0x3] =	sbarrier.arrive $0xFFFF;
	s2 =	simm.s32 @!p0 $0x1C09  }
0x3d4: {  	[timem:s3], [sflag:s2] =	dma.local @!p0 [hbm:s0], s1  }
0x3d5: {  	s0 =	simm.s32 @!p0 $0x9  }
0x3d6: {  	_ =	swait.ge @!p0 [sflag:s0], s1  }
0x3d7: {  	s1 =	ssub.s32 @!p0 $0x0, s1;
	[sflag:s0] =	ssyncset.done @!p0 $0x0  }
0x3d8: {  	[sflag:s0] =	ssyncadd.s32 @!p0 s1  }
0x3d9: {  	[bflag:$0x3] =	sbarrier.arrive $0xFFFF  }
0x3da: {  	_ =	shalt  }

</sc_bundles>
